<compile_context>
chip_gen: v7x
topology: tpu7x:2x2x1
jax: 0.10.2.dev20260603
libtpu: 0.0.44.dev20260713+nightly
codegen_flags: <defaults>
</compile_context>

<pallas_src>
import functools

import jax
import jax.numpy as jnp
from jax import lax
from jax.experimental import pallas as pl
from jax.experimental.pallas import tpu as pltpu
from jax.experimental.pallas import tpu_sc as plsc

D = 384
N_NODE = 128
N_DEPTH = 32
N_TOK = 4 * 8192

NC = 2
NS = 16
L = 16
NW = NC * NS
TOK_W = N_TOK // NW
CH = 64
NCH = TOK_W // CH
NB = 5


def _prep_body(node_ref, depth_ref, nid_ref, did_ref, ctab_ref, cidx_ref):
    node = node_ref[...]
    depth = depth_ref[...]
    ctab_ref[...] = node[:, None, :] + depth[None, :, :]
    cidx_ref[...] = nid_ref[...] * N_DEPTH + did_ref[...]


def _prep(node_table, depth_table, nid, did):
    ctab, cidx = pl.pallas_call(
        _prep_body,
        out_shape=(
            jax.ShapeDtypeStruct((N_NODE, N_DEPTH, D), jnp.float32),
            jax.ShapeDtypeStruct(nid.shape, jnp.int32),
        ),
    )(node_table, depth_table, nid, did)
    return ctab.reshape(N_NODE * N_DEPTH, D), cidx.reshape(-1)


def _sc_body(cidx_hbm, ctab_hbm, out_hbm, cidx_v, rows_v, gsem, ssem):
    wid = lax.axis_index("s") * NC + lax.axis_index("c")
    base = wid * TOK_W
    pltpu.sync_copy(cidx_hbm.at[pl.ds(base, TOK_W)], cidx_v)

    def _gather(c):
        idx = cidx_v.at[pl.ds(c * CH, CH)]
        return pltpu.async_copy(ctab_hbm.at[idx], rows_v.at[c % NB], gsem)

    def _scatter(c):
        return pltpu.async_copy(
            rows_v.at[c % NB], out_hbm.at[pl.ds(base + c * CH, CH)], ssem)

    gathers = [None] * NCH
    scatters = [None] * NCH
    for c in range(NB - 1):
        gathers[c] = _gather(c)
    for c in range(NCH):
        gathers[c].wait()
        nxt = c + NB - 1
        if nxt < NCH:
            if c - 1 >= 0:
                scatters[c - 1].wait()
            gathers[nxt] = _gather(nxt)
        scatters[c] = _scatter(c)
    for c in range(NCH - NB, NCH):
        if c >= 0:
            scatters[c].wait()


@jax.jit
def _run(node_ids, depth_ids, node_table, depth_table):
    ctab, cidx = _prep(node_table, depth_table, node_ids, depth_ids)
    k = functools.partial(
        pl.kernel,
        out_type=jax.ShapeDtypeStruct((N_TOK, D), jnp.float32),
        mesh=plsc.VectorSubcoreMesh(core_axis_name="c", subcore_axis_name="s"),
        scratch_types=[
            pltpu.VMEM((TOK_W,), jnp.int32),
            pltpu.VMEM((NB, CH, D), jnp.float32),
            pltpu.SemaphoreType.DMA,
            pltpu.SemaphoreType.DMA,
        ],
    )(_sc_body)
    return k(cidx, ctab)


def kernel(node_type_ids, depth_ids, node_table, depth_table):
    b, t = node_type_ids.shape
    nid = node_type_ids.astype(jnp.int32)
    did = depth_ids.astype(jnp.int32)
    out = _run(nid, did, node_table, depth_table)
    return out.reshape(b, t, D)

# --- scband reference (transcript-rebuilt; emitter-appended) ---
"""Pipeline reference for scband-astmetadata-embedding-46943992545747 (READ-ONLY COPY).

The authoritative reference and input builder live on the scoring server;
editing this copy changes nothing except your own understanding.
"""

import jax, jax.numpy as jnp
import numpy as np


def setup_inputs(seed: int = 0) -> dict:
    key = jax.random.key(seed)
    k1, k2, k3, k4 = jax.random.split(key, 4)
    node_type_ids = jax.random.randint(k1, (4, 8192), 0, 128, dtype=jnp.int64 if jax.config.jax_enable_x64 else jnp.int32)
    depth_ids = jax.random.randint(k2, (4, 8192), 0, 32, dtype=jnp.int64 if jax.config.jax_enable_x64 else jnp.int32)
    node_table = jax.random.normal(k3, (128, 384), dtype=jnp.float32)
    depth_table = jax.random.normal(k4, (32, 384), dtype=jnp.float32)
    return {
        "node_type_ids": node_type_ids,
        "depth_ids": depth_ids,
        "node_table": node_table,
        "depth_table": depth_table,
    }


def reference(node_type_ids, depth_ids, node_table, depth_table):
    node_emb = jnp.take(node_table, node_type_ids, axis=0)
    depth_emb = jnp.take(depth_table, depth_ids, axis=0)
    return node_emb + depth_emb

if __name__ == "__main__":
    import jax
    _d = setup_inputs()
    print(jax.jit(kernel)(*tuple(_d.values())))

</pallas_src>

<mosaic_0001>
#map = affine_map<(d0, d1) -> (0)>
#map1 = affine_map<(d0, d1) -> (0, 0)>
module attributes {stable_mosaic.version = 14 : i64} {
  func.func @_sc_body(%arg0: i32, %arg1: i32, %arg2: memref<32768xi32, #tpu.memory_space<hbm>>, %arg3: memref<4096x384xf32, #tpu.memory_space<hbm>>, %arg4: memref<32768x384xf32, #tpu.memory_space<hbm>>, %arg5: memref<1024xi32, #tpu.memory_space<vmem>>, %arg6: memref<5x64x384xf32, #tpu.memory_space<vmem>>, %arg7: memref<!tpu.dma_semaphore, #tpu.memory_space<semaphore_mem>>, %arg8: memref<!tpu.dma_semaphore, #tpu.memory_space<semaphore_mem>>) attributes {dimension_semantics = [#tpu.dimension_semantics<core_parallel>, #tpu.dimension_semantics<subcore_parallel>], iteration_bounds = array<i64: 2, 16>, scalar_prefetch = 0 : i64, scratch_operands = 4 : i64, tpu.core_type = #tpu.core_type<sc_vector_subcore>, window_params = [{transform_indices = #map}, {transform_indices = #map1}, {transform_indices = #map1}]} {
    %mul3A = arith.constant 2 : i32
    %mul3A_0 = arith.muli %arg1, %mul3A : i32
    %add3A = arith.addi %mul3A_0, %arg0 : i32
    %mul3A_1 = arith.constant 1024 : i32
    %mul3A_2 = arith.muli %add3A, %mul3A_1 : i32
    "tpu.region"() ({
      %run_scoped3A = tpu.sem_alloc : memref<!tpu.dma_semaphore, #tpu.memory_space<semaphore_mem>>
      %dma_start3A_769 = tpu.memref_slice %arg2[%mul3A_2] : memref<32768xi32, #tpu.memory_space<hbm>> -> memref<1024xi32, #tpu.memory_space<hbm>>
      %dma_start3A_770 = tpu.memref_slice %arg2[%mul3A_2] : memref<32768xi32, #tpu.memory_space<hbm>> -> memref<1024xi32, #tpu.memory_space<hbm>>
      tpu.enqueue_dma source(%dma_start3A_770 : memref<1024xi32, #tpu.memory_space<hbm>>) target(%arg5 : memref<1024xi32, #tpu.memory_space<vmem>>) target_semaphore(%run_scoped3A : memref<!tpu.dma_semaphore, #tpu.memory_space<semaphore_mem>>)
      %dma_wait3A_771 = tpu.memref_slice %arg2[%mul3A_2] : memref<32768xi32, #tpu.memory_space<hbm>> -> memref<1024xi32, #tpu.memory_space<hbm>>
      %dma_wait3A_772 = tpu.memref_slice %arg2[%mul3A_2] : memref<32768xi32, #tpu.memory_space<hbm>> -> memref<1024xi32, #tpu.memory_space<hbm>>
      tpu.wait_dma2 semaphore(%run_scoped3A : memref<!tpu.dma_semaphore, #tpu.memory_space<semaphore_mem>>) src(%dma_wait3A_772 : memref<1024xi32, #tpu.memory_space<hbm>>) dst(%arg5 : memref<1024xi32, #tpu.memory_space<vmem>>)
      tpu.yield
    }) : () -> ()
    %dma_start3A = arith.constant 0 : i32
    %dma_start3A_3 = arith.constant 0 : i32
    %dma_start3A_4 = arith.constant 0 : i32
    %dma_start3A_5 = tpu.memref_slice %arg6[%dma_start3A, %dma_start3A_3, %dma_start3A_4] : memref<5x64x384xf32, #tpu.memory_space<vmem>> -> memref<1x64x384xf32, #tpu.memory_space<vmem>>
    %dma_start3A_6 = tpu.memref_squeeze %dma_start3A_5 : memref<1x64x384xf32, #tpu.memory_space<vmem>> -> memref<64x384xf32, #tpu.memory_space<vmem>>
    %dma_start3A_7 = arith.constant 0 : i32
    %dma_start3A_8 = tpu.memref_slice %arg5[%dma_start3A_7] : memref<1024xi32, #tpu.memory_space<vmem>> -> memref<64xi32, #tpu.memory_space<vmem>>
    %dma_start3A_9 = arith.constant 0 : i32
    %dma_start3A_10 = arith.constant 0 : i32
    %dma_start3A_11 = tpu.memref_slice %arg3[%dma_start3A_9, %dma_start3A_10] : memref<4096x384xf32, #tpu.memory_space<hbm>> -> memref<4096x384xf32, #tpu.memory_space<hbm>>
    tpu.enqueue_indirect_dma source(%dma_start3A_11 : memref<4096x384xf32, #tpu.memory_space<hbm>>) target(%dma_start3A_6 : memref<64x384xf32, #tpu.memory_space<vmem>>) offsets(%dma_start3A_8 : memref<64xi32, #tpu.memory_space<vmem>>) semaphore(%arg7 : memref<!tpu.dma_semaphore, #tpu.memory_space<semaphore_mem>>)
    %dma_start3A_12 = arith.constant 1 : i32
    %dma_start3A_13 = arith.constant 0 : i32
    %dma_start3A_14 = arith.constant 0 : i32
    %dma_start3A_15 = tpu.memref_slice %arg6[%dma_start3A_12, %dma_start3A_13, %dma_start3A_14] : memref<5x64x384xf32, #tpu.memory_space<vmem>> -> memref<1x64x384xf32, #tpu.memory_space<vmem>>
    %dma_start3A_16 = tpu.memref_squeeze %dma_start3A_15 : memref<1x64x384xf32, #tpu.memory_space<vmem>> -> memref<64x384xf32, #tpu.memory_space<vmem>>
    %dma_start3A_17 = arith.constant 64 : i32
    %dma_start3A_18 = tpu.memref_slice %arg5[%dma_start3A_17] : memref<1024xi32, #tpu.memory_space<vmem>> -> memref<64xi32, #tpu.memory_space<vmem>>
    %dma_start3A_19 = arith.constant 0 : i32
    %dma_start3A_20 = arith.constant 0 : i32
    %dma_start3A_21 = tpu.memref_slice %arg3[%dma_start3A_19, %dma_start3A_20] : memref<4096x384xf32, #tpu.memory_space<hbm>> -> memref<4096x384xf32, #tpu.memory_space<hbm>>
    tpu.enqueue_indirect_dma source(%dma_start3A_21 : memref<4096x384xf32, #tpu.memory_space<hbm>>) target(%dma_start3A_16 : memref<64x384xf32, #tpu.memory_space<vmem>>) offsets(%dma_start3A_18 : memref<64xi32, #tpu.memory_space<vmem>>) semaphore(%arg7 : memref<!tpu.dma_semaphore, #tpu.memory_space<semaphore_mem>>)
    %dma_start3A_22 = arith.constant 2 : i32
    %dma_start3A_23 = arith.constant 0 : i32
    %dma_start3A_24 = arith.constant 0 : i32
    %dma_start3A_25 = tpu.memref_slice %arg6[%dma_start3A_22, %dma_start3A_23, %dma_start3A_24] : memref<5x64x384xf32, #tpu.memory_space<vmem>> -> memref<1x64x384xf32, #tpu.memory_space<vmem>>
    %dma_start3A_26 = tpu.memref_squeeze %dma_start3A_25 : memref<1x64x384xf32, #tpu.memory_space<vmem>> -> memref<64x384xf32, #tpu.memory_space<vmem>>
    %dma_start3A_27 = arith.constant 128 : i32
    %dma_start3A_28 = tpu.memref_slice %arg5[%dma_start3A_27] : memref<1024xi32, #tpu.memory_space<vmem>> -> memref<64xi32, #tpu.memory_space<vmem>>
    %dma_start3A_29 = arith.constant 0 : i32
    %dma_start3A_30 = arith.constant 0 : i32
    %dma_start3A_31 = tpu.memref_slice %arg3[%dma_start3A_29, %dma_start3A_30] : memref<4096x384xf32, #tpu.memory_space<hbm>> -> memref<4096x384xf32, #tpu.memory_space<hbm>>
    tpu.enqueue_indirect_dma source(%dma_start3A_31 : memref<4096x384xf32, #tpu.memory_space<hbm>>) target(%dma_start3A_26 : memref<64x384xf32, #tpu.memory_space<vmem>>) offsets(%dma_start3A_28 : memref<64xi32, #tpu.memory_space<vmem>>) semaphore(%arg7 : memref<!tpu.dma_semaphore, #tpu.memory_space<semaphore_mem>>)
    %dma_start3A_32 = arith.constant 3 : i32
    %dma_start3A_33 = arith.constant 0 : i32
    %dma_start3A_34 = arith.constant 0 : i32
    %dma_start3A_35 = tpu.memref_slice %arg6[%dma_start3A_32, %dma_start3A_33, %dma_start3A_34] : memref<5x64x384xf32, #tpu.memory_space<vmem>> -> memref<1x64x384xf32, #tpu.memory_space<vmem>>
    %dma_start3A_36 = tpu.memref_squeeze %dma_start3A_35 : memref<1x64x384xf32, #tpu.memory_space<vmem>> -> memref<64x384xf32, #tpu.memory_space<vmem>>
    %dma_start3A_37 = arith.constant 192 : i32
    %dma_start3A_38 = tpu.memref_slice %arg5[%dma_start3A_37] : memref<1024xi32, #tpu.memory_space<vmem>> -> memref<64xi32, #tpu.memory_space<vmem>>
    %dma_start3A_39 = arith.constant 0 : i32
    %dma_start3A_40 = arith.constant 0 : i32
    %dma_start3A_41 = tpu.memref_slice %arg3[%dma_start3A_39, %dma_start3A_40] : memref<4096x384xf32, #tpu.memory_space<hbm>> -> memref<4096x384xf32, #tpu.memory_space<hbm>>
    tpu.enqueue_indirect_dma source(%dma_start3A_41 : memref<4096x384xf32, #tpu.memory_space<hbm>>) target(%dma_start3A_36 : memref<64x384xf32, #tpu.memory_space<vmem>>) offsets(%dma_start3A_38 : memref<64xi32, #tpu.memory_space<vmem>>) semaphore(%arg7 : memref<!tpu.dma_semaphore, #tpu.memory_space<semaphore_mem>>)
    %dma_wait3A = arith.constant 0 : i32
    %dma_wait3A_42 = arith.constant 0 : i32
    %dma_wait3A_43 = arith.constant 0 : i32
    %dma_wait3A_44 = tpu.memref_slice %arg6[%dma_wait3A, %dma_wait3A_42, %dma_wait3A_43] : memref<5x64x384xf32, #tpu.memory_space<vmem>> -> memref<1x64x384xf32, #tpu.memory_space<vmem>>
    %dma_wait3A_45 = tpu.memref_squeeze %dma_wait3A_44 : memref<1x64x384xf32, #tpu.memory_space<vmem>> -> memref<64x384xf32, #tpu.memory_space<vmem>>
    %dma_wait3A_46 = arith.constant 0 : i32
    %dma_wait3A_47 = tpu.memref_slice %arg5[%dma_wait3A_46] : memref<1024xi32, #tpu.memory_space<vmem>> -> memref<64xi32, #tpu.memory_space<vmem>>
    %dma_wait3A_48 = arith.constant 0 : i32
    %dma_wait3A_49 = arith.constant 0 : i32
    %dma_wait3A_50 = tpu.memref_slice %arg3[%dma_wait3A_48, %dma_wait3A_49] : memref<4096x384xf32, #tpu.memory_space<hbm>> -> memref<4096x384xf32, #tpu.memory_space<hbm>>
    tpu.wait_indirect_dma semaphore(%arg7 : memref<!tpu.dma_semaphore, #tpu.memory_space<semaphore_mem>>) src(%dma_wait3A_50 : memref<4096x384xf32, #tpu.memory_space<hbm>>) dst(%dma_wait3A_45 : memref<64x384xf32, #tpu.memory_space<vmem>>)
    %dma_start3A_51 = arith.constant 4 : i32
    %dma_start3A_52 = arith.constant 0 : i32
    %dma_start3A_53 = arith.constant 0 : i32
    %dma_start3A_54 = tpu.memref_slice %arg6[%dma_start3A_51, %dma_start3A_52, %dma_start3A_53] : memref<5x64x384xf32, #tpu.memory_space<vmem>> -> memref<1x64x384xf32, #tpu.memory_space<vmem>>
    %dma_start3A_55 = tpu.memref_squeeze %dma_start3A_54 : memref<1x64x384xf32, #tpu.memory_space<vmem>> -> memref<64x384xf32, #tpu.memory_space<vmem>>
    %dma_start3A_56 = arith.constant 256 : i32
    %dma_start3A_57 = tpu.memref_slice %arg5[%dma_start3A_56] : memref<1024xi32, #tpu.memory_space<vmem>> -> memref<64xi32, #tpu.memory_space<vmem>>
    %dma_start3A_58 = arith.constant 0 : i32
    %dma_start3A_59 = arith.constant 0 : i32
    %dma_start3A_60 = tpu.memref_slice %arg3[%dma_start3A_58, %dma_start3A_59] : memref<4096x384xf32, #tpu.memory_space<hbm>> -> memref<4096x384xf32, #tpu.memory_space<hbm>>
    tpu.enqueue_indirect_dma source(%dma_start3A_60 : memref<4096x384xf32, #tpu.memory_space<hbm>>) target(%dma_start3A_55 : memref<64x384xf32, #tpu.memory_space<vmem>>) offsets(%dma_start3A_57 : memref<64xi32, #tpu.memory_space<vmem>>) semaphore(%arg7 : memref<!tpu.dma_semaphore, #tpu.memory_space<semaphore_mem>>)
    %add3A_61 = arith.constant 0 : i32
    %add3A_62 = arith.addi %mul3A_2, %add3A_61 : i32
    %dma_start3A_63 = arith.constant 0 : i32
    %dma_start3A_64 = arith.constant 0 : i32
    %dma_start3A_65 = arith.constant 0 : i32
    %dma_start3A_66 = tpu.memref_slice %arg6[%dma_start3A_63, %dma_start3A_64, %dma_start3A_65] : memref<5x64x384xf32, #tpu.memory_space<vmem>> -> memref<1x64x384xf32, #tpu.memory_space<vmem>>
    %dma_start3A_67 = tpu.memref_squeeze %dma_start3A_66 : memref<1x64x384xf32, #tpu.memory_space<vmem>> -> memref<64x384xf32, #tpu.memory_space<vmem>>
    %dma_start3A_68 = arith.constant 0 : i32
    %dma_start3A_69 = tpu.memref_slice %arg4[%add3A_62, %dma_start3A_68] : memref<32768x384xf32, #tpu.memory_space<hbm>> -> memref<64x384xf32, #tpu.memory_space<hbm>>
    %dma_start3A_70 = arith.constant 0 : i32
    %dma_start3A_71 = tpu.memref_slice %arg4[%add3A_62, %dma_start3A_70] : memref<32768x384xf32, #tpu.memory_space<hbm>> -> memref<64x384xf32, #tpu.memory_space<hbm>>
    %dma_start3A_72 = arith.constant 0 : i32
    %dma_start3A_73 = arith.constant 0 : i32
    %dma_start3A_74 = tpu.memref_slice %arg6[%dma_start3A_63, %dma_start3A_72, %dma_start3A_73] : memref<5x64x384xf32, #tpu.memory_space<vmem>> -> memref<1x64x384xf32, #tpu.memory_space<vmem>>
    %dma_start3A_75 = tpu.memref_squeeze %dma_start3A_74 : memref<1x64x384xf32, #tpu.memory_space<vmem>> -> memref<64x384xf32, #tpu.memory_space<vmem>>
    tpu.enqueue_dma source(%dma_start3A_75 : memref<64x384xf32, #tpu.memory_space<vmem>>) target(%dma_start3A_71 : memref<64x384xf32, #tpu.memory_space<hbm>>) target_semaphore(%arg8 : memref<!tpu.dma_semaphore, #tpu.memory_space<semaphore_mem>>)
    %dma_wait3A_76 = arith.constant 1 : i32
    %dma_wait3A_77 = arith.constant 0 : i32
    %dma_wait3A_78 = arith.constant 0 : i32
    %dma_wait3A_79 = tpu.memref_slice %arg6[%dma_wait3A_76, %dma_wait3A_77, %dma_wait3A_78] : memref<5x64x384xf32, #tpu.memory_space<vmem>> -> memref<1x64x384xf32, #tpu.memory_space<vmem>>
    %dma_wait3A_80 = tpu.memref_squeeze %dma_wait3A_79 : memref<1x64x384xf32, #tpu.memory_space<vmem>> -> memref<64x384xf32, #tpu.memory_space<vmem>>
    %dma_wait3A_81 = arith.constant 64 : i32
    %dma_wait3A_82 = tpu.memref_slice %arg5[%dma_wait3A_81] : memref<1024xi32, #tpu.memory_space<vmem>> -> memref<64xi32, #tpu.memory_space<vmem>>
    %dma_wait3A_83 = arith.constant 0 : i32
    %dma_wait3A_84 = arith.constant 0 : i32
    %dma_wait3A_85 = tpu.memref_slice %arg3[%dma_wait3A_83, %dma_wait3A_84] : memref<4096x384xf32, #tpu.memory_space<hbm>> -> memref<4096x384xf32, #tpu.memory_space<hbm>>
    tpu.wait_indirect_dma semaphore(%arg7 : memref<!tpu.dma_semaphore, #tpu.memory_space<semaphore_mem>>) src(%dma_wait3A_85 : memref<4096x384xf32, #tpu.memory_space<hbm>>) dst(%dma_wait3A_80 : memref<64x384xf32, #tpu.memory_space<vmem>>)
    %dma_wait3A_86 = arith.constant 0 : i32
    %dma_wait3A_87 = arith.constant 0 : i32
    %dma_wait3A_88 = arith.constant 0 : i32
    %dma_wait3A_89 = tpu.memref_slice %arg6[%dma_wait3A_86, %dma_wait3A_87, %dma_wait3A_88] : memref<5x64x384xf32, #tpu.memory_space<vmem>> -> memref<1x64x384xf32, #tpu.memory_space<vmem>>
    %dma_wait3A_90 = tpu.memref_squeeze %dma_wait3A_89 : memref<1x64x384xf32, #tpu.memory_space<vmem>> -> memref<64x384xf32, #tpu.memory_space<vmem>>
    %dma_wait3A_91 = arith.constant 0 : i32
    %dma_wait3A_92 = tpu.memref_slice %arg4[%add3A_62, %dma_wait3A_91] : memref<32768x384xf32, #tpu.memory_space<hbm>> -> memref<64x384xf32, #tpu.memory_space<hbm>>
    %dma_wait3A_93 = arith.constant 0 : i32
    %dma_wait3A_94 = tpu.memref_slice %arg4[%add3A_62, %dma_wait3A_93] : memref<32768x384xf32, #tpu.memory_space<hbm>> -> memref<64x384xf32, #tpu.memory_space<hbm>>
    %dma_wait3A_95 = arith.constant 0 : i32
    %dma_wait3A_96 = arith.constant 0 : i32
    %dma_wait3A_97 = tpu.memref_slice %arg6[%dma_wait3A_86, %dma_wait3A_95, %dma_wait3A_96] : memref<5x64x384xf32, #tpu.memory_space<vmem>> -> memref<1x64x384xf32, #tpu.memory_space<vmem>>
    %dma_wait3A_98 = tpu.memref_squeeze %dma_wait3A_97 : memref<1x64x384xf32, #tpu.memory_space<vmem>> -> memref<64x384xf32, #tpu.memory_space<vmem>>
    tpu.wait_dma2 semaphore(%arg8 : memref<!tpu.dma_semaphore, #tpu.memory_space<semaphore_mem>>) src(%dma_wait3A_98 : memref<64x384xf32, #tpu.memory_space<vmem>>) dst(%dma_wait3A_94 : memref<64x384xf32, #tpu.memory_space<hbm>>)
    %dma_start3A_99 = arith.constant 0 : i32
    %dma_start3A_100 = arith.constant 0 : i32
    %dma_start3A_101 = arith.constant 0 : i32
    %dma_start3A_102 = tpu.memref_slice %arg6[%dma_start3A_99, %dma_start3A_100, %dma_start3A_101] : memref<5x64x384xf32, #tpu.memory_space<vmem>> -> memref<1x64x384xf32, #tpu.memory_space<vmem>>
    %dma_start3A_103 = tpu.memref_squeeze %dma_start3A_102 : memref<1x64x384xf32, #tpu.memory_space<vmem>> -> memref<64x384xf32, #tpu.memory_space<vmem>>
    %dma_start3A_104 = arith.constant 320 : i32
    %dma_start3A_105 = tpu.memref_slice %arg5[%dma_start3A_104] : memref<1024xi32, #tpu.memory_space<vmem>> -> memref<64xi32, #tpu.memory_space<vmem>>
    %dma_start3A_106 = arith.constant 0 : i32
    %dma_start3A_107 = arith.constant 0 : i32
    %dma_start3A_108 = tpu.memref_slice %arg3[%dma_start3A_106, %dma_start3A_107] : memref<4096x384xf32, #tpu.memory_space<hbm>> -> memref<4096x384xf32, #tpu.memory_space<hbm>>
    tpu.enqueue_indirect_dma source(%dma_start3A_108 : memref<4096x384xf32, #tpu.memory_space<hbm>>) target(%dma_start3A_103 : memref<64x384xf32, #tpu.memory_space<vmem>>) offsets(%dma_start3A_105 : memref<64xi32, #tpu.memory_space<vmem>>) semaphore(%arg7 : memref<!tpu.dma_semaphore, #tpu.memory_space<semaphore_mem>>)
    %add3A_109 = arith.constant 64 : i32
    %add3A_110 = arith.addi %mul3A_2, %add3A_109 : i32
    %dma_start3A_111 = arith.constant 1 : i32
    %dma_start3A_112 = arith.constant 0 : i32
    %dma_start3A_113 = arith.constant 0 : i32
    %dma_start3A_114 = tpu.memref_slice %arg6[%dma_start3A_111, %dma_start3A_112, %dma_start3A_113] : memref<5x64x384xf32, #tpu.memory_space<vmem>> -> memref<1x64x384xf32, #tpu.memory_space<vmem>>
    %dma_start3A_115 = tpu.memref_squeeze %dma_start3A_114 : memref<1x64x384xf32, #tpu.memory_space<vmem>> -> memref<64x384xf32, #tpu.memory_space<vmem>>
    %dma_start3A_116 = arith.constant 0 : i32
    %dma_start3A_117 = tpu.memref_slice %arg4[%add3A_110, %dma_start3A_116] : memref<32768x384xf32, #tpu.memory_space<hbm>> -> memref<64x384xf32, #tpu.memory_space<hbm>>
    %dma_start3A_118 = arith.constant 0 : i32
    %dma_start3A_119 = tpu.memref_slice %arg4[%add3A_110, %dma_start3A_118] : memref<32768x384xf32, #tpu.memory_space<hbm>> -> memref<64x384xf32, #tpu.memory_space<hbm>>
    %dma_start3A_120 = arith.constant 0 : i32
    %dma_start3A_121 = arith.constant 0 : i32
    %dma_start3A_122 = tpu.memref_slice %arg6[%dma_start3A_111, %dma_start3A_120, %dma_start3A_121] : memref<5x64x384xf32, #tpu.memory_space<vmem>> -> memref<1x64x384xf32, #tpu.memory_space<vmem>>
    %dma_start3A_123 = tpu.memref_squeeze %dma_start3A_122 : memref<1x64x384xf32, #tpu.memory_space<vmem>> -> memref<64x384xf32, #tpu.memory_space<vmem>>
    tpu.enqueue_dma source(%dma_start3A_123 : memref<64x384xf32, #tpu.memory_space<vmem>>) target(%dma_start3A_119 : memref<64x384xf32, #tpu.memory_space<hbm>>) target_semaphore(%arg8 : memref<!tpu.dma_semaphore, #tpu.memory_space<semaphore_mem>>)
    %dma_wait3A_124 = arith.constant 2 : i32
    %dma_wait3A_125 = arith.constant 0 : i32
    %dma_wait3A_126 = arith.constant 0 : i32
    %dma_wait3A_127 = tpu.memref_slice %arg6[%dma_wait3A_124, %dma_wait3A_125, %dma_wait3A_126] : memref<5x64x384xf32, #tpu.memory_space<vmem>> -> memref<1x64x384xf32, #tpu.memory_space<vmem>>
    %dma_wait3A_128 = tpu.memref_squeeze %dma_wait3A_127 : memref<1x64x384xf32, #tpu.memory_space<vmem>> -> memref<64x384xf32, #tpu.memory_space<vmem>>
    %dma_wait3A_129 = arith.constant 128 : i32
    %dma_wait3A_130 = tpu.memref_slice %arg5[%dma_wait3A_129] : memref<1024xi32, #tpu.memory_space<vmem>> -> memref<64xi32, #tpu.memory_space<vmem>>
    %dma_wait3A_131 = arith.constant 0 : i32
    %dma_wait3A_132 = arith.constant 0 : i32
    %dma_wait3A_133 = tpu.memref_slice %arg3[%dma_wait3A_131, %dma_wait3A_132] : memref<4096x384xf32, #tpu.memory_space<hbm>> -> memref<4096x384xf32, #tpu.memory_space<hbm>>
    tpu.wait_indirect_dma semaphore(%arg7 : memref<!tpu.dma_semaphore, #tpu.memory_space<semaphore_mem>>) src(%dma_wait3A_133 : memref<4096x384xf32, #tpu.memory_space<hbm>>) dst(%dma_wait3A_128 : memref<64x384xf32, #tpu.memory_space<vmem>>)
    %dma_wait3A_134 = arith.constant 1 : i32
    %dma_wait3A_135 = arith.constant 0 : i32
    %dma_wait3A_136 = arith.constant 0 : i32
    %dma_wait3A_137 = tpu.memref_slice %arg6[%dma_wait3A_134, %dma_wait3A_135, %dma_wait3A_136] : memref<5x64x384xf32, #tpu.memory_space<vmem>> -> memref<1x64x384xf32, #tpu.memory_space<vmem>>
    %dma_wait3A_138 = tpu.memref_squeeze %dma_wait3A_137 : memref<1x64x384xf32, #tpu.memory_space<vmem>> -> memref<64x384xf32, #tpu.memory_space<vmem>>
    %dma_wait3A_139 = arith.constant 0 : i32
    %dma_wait3A_140 = tpu.memref_slice %arg4[%add3A_110, %dma_wait3A_139] : memref<32768x384xf32, #tpu.memory_space<hbm>> -> memref<64x384xf32, #tpu.memory_space<hbm>>
    %dma_wait3A_141 = arith.constant 0 : i32
    %dma_wait3A_142 = tpu.memref_slice %arg4[%add3A_110, %dma_wait3A_141] : memref<32768x384xf32, #tpu.memory_space<hbm>> -> memref<64x384xf32, #tpu.memory_space<hbm>>
    %dma_wait3A_143 = arith.constant 0 : i32
    %dma_wait3A_144 = arith.constant 0 : i32
    %dma_wait3A_145 = tpu.memref_slice %arg6[%dma_wait3A_134, %dma_wait3A_143, %dma_wait3A_144] : memref<5x64x384xf32, #tpu.memory_space<vmem>> -> memref<1x64x384xf32, #tpu.memory_space<vmem>>
    %dma_wait3A_146 = tpu.memref_squeeze %dma_wait3A_145 : memref<1x64x384xf32, #tpu.memory_space<vmem>> -> memref<64x384xf32, #tpu.memory_space<vmem>>
    tpu.wait_dma2 semaphore(%arg8 : memref<!tpu.dma_semaphore, #tpu.memory_space<semaphore_mem>>) src(%dma_wait3A_146 : memref<64x384xf32, #tpu.memory_space<vmem>>) dst(%dma_wait3A_142 : memref<64x384xf32, #tpu.memory_space<hbm>>)
    %dma_start3A_147 = arith.constant 1 : i32
    %dma_start3A_148 = arith.constant 0 : i32
    %dma_start3A_149 = arith.constant 0 : i32
    %dma_start3A_150 = tpu.memref_slice %arg6[%dma_start3A_147, %dma_start3A_148, %dma_start3A_149] : memref<5x64x384xf32, #tpu.memory_space<vmem>> -> memref<1x64x384xf32, #tpu.memory_space<vmem>>
    %dma_start3A_151 = tpu.memref_squeeze %dma_start3A_150 : memref<1x64x384xf32, #tpu.memory_space<vmem>> -> memref<64x384xf32, #tpu.memory_space<vmem>>
    %dma_start3A_152 = arith.constant 384 : i32
    %dma_start3A_153 = tpu.memref_slice %arg5[%dma_start3A_152] : memref<1024xi32, #tpu.memory_space<vmem>> -> memref<64xi32, #tpu.memory_space<vmem>>
    %dma_start3A_154 = arith.constant 0 : i32
    %dma_start3A_155 = arith.constant 0 : i32
    %dma_start3A_156 = tpu.memref_slice %arg3[%dma_start3A_154, %dma_start3A_155] : memref<4096x384xf32, #tpu.memory_space<hbm>> -> memref<4096x384xf32, #tpu.memory_space<hbm>>
    tpu.enqueue_indirect_dma source(%dma_start3A_156 : memref<4096x384xf32, #tpu.memory_space<hbm>>) target(%dma_start3A_151 : memref<64x384xf32, #tpu.memory_space<vmem>>) offsets(%dma_start3A_153 : memref<64xi32, #tpu.memory_space<vmem>>) semaphore(%arg7 : memref<!tpu.dma_semaphore, #tpu.memory_space<semaphore_mem>>)
    %add3A_157 = arith.constant 128 : i32
    %add3A_158 = arith.addi %mul3A_2, %add3A_157 : i32
    %dma_start3A_159 = arith.constant 2 : i32
    %dma_start3A_160 = arith.constant 0 : i32
    %dma_start3A_161 = arith.constant 0 : i32
    %dma_start3A_162 = tpu.memref_slice %arg6[%dma_start3A_159, %dma_start3A_160, %dma_start3A_161] : memref<5x64x384xf32, #tpu.memory_space<vmem>> -> memref<1x64x384xf32, #tpu.memory_space<vmem>>
    %dma_start3A_163 = tpu.memref_squeeze %dma_start3A_162 : memref<1x64x384xf32, #tpu.memory_space<vmem>> -> memref<64x384xf32, #tpu.memory_space<vmem>>
    %dma_start3A_164 = arith.constant 0 : i32
    %dma_start3A_165 = tpu.memref_slice %arg4[%add3A_158, %dma_start3A_164] : memref<32768x384xf32, #tpu.memory_space<hbm>> -> memref<64x384xf32, #tpu.memory_space<hbm>>
    %dma_start3A_166 = arith.constant 0 : i32
    %dma_start3A_167 = tpu.memref_slice %arg4[%add3A_158, %dma_start3A_166] : memref<32768x384xf32, #tpu.memory_space<hbm>> -> memref<64x384xf32, #tpu.memory_space<hbm>>
    %dma_start3A_168 = arith.constant 0 : i32
    %dma_start3A_169 = arith.constant 0 : i32
    %dma_start3A_170 = tpu.memref_slice %arg6[%dma_start3A_159, %dma_start3A_168, %dma_start3A_169] : memref<5x64x384xf32, #tpu.memory_space<vmem>> -> memref<1x64x384xf32, #tpu.memory_space<vmem>>
    %dma_start3A_171 = tpu.memref_squeeze %dma_start3A_170 : memref<1x64x384xf32, #tpu.memory_space<vmem>> -> memref<64x384xf32, #tpu.memory_space<vmem>>
    tpu.enqueue_dma source(%dma_start3A_171 : memref<64x384xf32, #tpu.memory_space<vmem>>) target(%dma_start3A_167 : memref<64x384xf32, #tpu.memory_space<hbm>>) target_semaphore(%arg8 : memref<!tpu.dma_semaphore, #tpu.memory_space<semaphore_mem>>)
    %dma_wait3A_172 = arith.constant 3 : i32
    %dma_wait3A_173 = arith.constant 0 : i32
    %dma_wait3A_174 = arith.constant 0 : i32
    %dma_wait3A_175 = tpu.memref_slice %arg6[%dma_wait3A_172, %dma_wait3A_173, %dma_wait3A_174] : memref<5x64x384xf32, #tpu.memory_space<vmem>> -> memref<1x64x384xf32, #tpu.memory_space<vmem>>
    %dma_wait3A_176 = tpu.memref_squeeze %dma_wait3A_175 : memref<1x64x384xf32, #tpu.memory_space<vmem>> -> memref<64x384xf32, #tpu.memory_space<vmem>>
    %dma_wait3A_177 = arith.constant 192 : i32
    %dma_wait3A_178 = tpu.memref_slice %arg5[%dma_wait3A_177] : memref<1024xi32, #tpu.memory_space<vmem>> -> memref<64xi32, #tpu.memory_space<vmem>>
    %dma_wait3A_179 = arith.constant 0 : i32
    %dma_wait3A_180 = arith.constant 0 : i32
    %dma_wait3A_181 = tpu.memref_slice %arg3[%dma_wait3A_179, %dma_wait3A_180] : memref<4096x384xf32, #tpu.memory_space<hbm>> -> memref<4096x384xf32, #tpu.memory_space<hbm>>
    tpu.wait_indirect_dma semaphore(%arg7 : memref<!tpu.dma_semaphore, #tpu.memory_space<semaphore_mem>>) src(%dma_wait3A_181 : memref<4096x384xf32, #tpu.memory_space<hbm>>) dst(%dma_wait3A_176 : memref<64x384xf32, #tpu.memory_space<vmem>>)
    %dma_wait3A_182 = arith.constant 2 : i32
    %dma_wait3A_183 = arith.constant 0 : i32
    %dma_wait3A_184 = arith.constant 0 : i32
    %dma_wait3A_185 = tpu.memref_slice %arg6[%dma_wait3A_182, %dma_wait3A_183, %dma_wait3A_184] : memref<5x64x384xf32, #tpu.memory_space<vmem>> -> memref<1x64x384xf32, #tpu.memory_space<vmem>>
    %dma_wait3A_186 = tpu.memref_squeeze %dma_wait3A_185 : memref<1x64x384xf32, #tpu.memory_space<vmem>> -> memref<64x384xf32, #tpu.memory_space<vmem>>
    %dma_wait3A_187 = arith.constant 0 : i32
    %dma_wait3A_188 = tpu.memref_slice %arg4[%add3A_158, %dma_wait3A_187] : memref<32768x384xf32, #tpu.memory_space<hbm>> -> memref<64x384xf32, #tpu.memory_space<hbm>>
    %dma_wait3A_189 = arith.constant 0 : i32
    %dma_wait3A_190 = tpu.memref_slice %arg4[%add3A_158, %dma_wait3A_189] : memref<32768x384xf32, #tpu.memory_space<hbm>> -> memref<64x384xf32, #tpu.memory_space<hbm>>
    %dma_wait3A_191 = arith.constant 0 : i32
    %dma_wait3A_192 = arith.constant 0 : i32
    %dma_wait3A_193 = tpu.memref_slice %arg6[%dma_wait3A_182, %dma_wait3A_191, %dma_wait3A_192] : memref<5x64x384xf32, #tpu.memory_space<vmem>> -> memref<1x64x384xf32, #tpu.memory_space<vmem>>
    %dma_wait3A_194 = tpu.memref_squeeze %dma_wait3A_193 : memref<1x64x384xf32, #tpu.memory_space<vmem>> -> memref<64x384xf32, #tpu.memory_space<vmem>>
    tpu.wait_dma2 semaphore(%arg8 : memref<!tpu.dma_semaphore, #tpu.memory_space<semaphore_mem>>) src(%dma_wait3A_194 : memref<64x384xf32, #tpu.memory_space<vmem>>) dst(%dma_wait3A_190 : memref<64x384xf32, #tpu.memory_space<hbm>>)
    %dma_start3A_195 = arith.constant 2 : i32
    %dma_start3A_196 = arith.constant 0 : i32
    %dma_start3A_197 = arith.constant 0 : i32
    %dma_start3A_198 = tpu.memref_slice %arg6[%dma_start3A_195, %dma_start3A_196, %dma_start3A_197] : memref<5x64x384xf32, #tpu.memory_space<vmem>> -> memref<1x64x384xf32, #tpu.memory_space<vmem>>
    %dma_start3A_199 = tpu.memref_squeeze %dma_start3A_198 : memref<1x64x384xf32, #tpu.memory_space<vmem>> -> memref<64x384xf32, #tpu.memory_space<vmem>>
    %dma_start3A_200 = arith.constant 448 : i32
    %dma_start3A_201 = tpu.memref_slice %arg5[%dma_start3A_200] : memref<1024xi32, #tpu.memory_space<vmem>> -> memref<64xi32, #tpu.memory_space<vmem>>
    %dma_start3A_202 = arith.constant 0 : i32
    %dma_start3A_203 = arith.constant 0 : i32
    %dma_start3A_204 = tpu.memref_slice %arg3[%dma_start3A_202, %dma_start3A_203] : memref<4096x384xf32, #tpu.memory_space<hbm>> -> memref<4096x384xf32, #tpu.memory_space<hbm>>
    tpu.enqueue_indirect_dma source(%dma_start3A_204 : memref<4096x384xf32, #tpu.memory_space<hbm>>) target(%dma_start3A_199 : memref<64x384xf32, #tpu.memory_space<vmem>>) offsets(%dma_start3A_201 : memref<64xi32, #tpu.memory_space<vmem>>) semaphore(%arg7 : memref<!tpu.dma_semaphore, #tpu.memory_space<semaphore_mem>>)
    %add3A_205 = arith.constant 192 : i32
    %add3A_206 = arith.addi %mul3A_2, %add3A_205 : i32
    %dma_start3A_207 = arith.constant 3 : i32
    %dma_start3A_208 = arith.constant 0 : i32
    %dma_start3A_209 = arith.constant 0 : i32
    %dma_start3A_210 = tpu.memref_slice %arg6[%dma_start3A_207, %dma_start3A_208, %dma_start3A_209] : memref<5x64x384xf32, #tpu.memory_space<vmem>> -> memref<1x64x384xf32, #tpu.memory_space<vmem>>
    %dma_start3A_211 = tpu.memref_squeeze %dma_start3A_210 : memref<1x64x384xf32, #tpu.memory_space<vmem>> -> memref<64x384xf32, #tpu.memory_space<vmem>>
    %dma_start3A_212 = arith.constant 0 : i32
    %dma_start3A_213 = tpu.memref_slice %arg4[%add3A_206, %dma_start3A_212] : memref<32768x384xf32, #tpu.memory_space<hbm>> -> memref<64x384xf32, #tpu.memory_space<hbm>>
    %dma_start3A_214 = arith.constant 0 : i32
    %dma_start3A_215 = tpu.memref_slice %arg4[%add3A_206, %dma_start3A_214] : memref<32768x384xf32, #tpu.memory_space<hbm>> -> memref<64x384xf32, #tpu.memory_space<hbm>>
    %dma_start3A_216 = arith.constant 0 : i32
    %dma_start3A_217 = arith.constant 0 : i32
    %dma_start3A_218 = tpu.memref_slice %arg6[%dma_start3A_207, %dma_start3A_216, %dma_start3A_217] : memref<5x64x384xf32, #tpu.memory_space<vmem>> -> memref<1x64x384xf32, #tpu.memory_space<vmem>>
    %dma_start3A_219 = tpu.memref_squeeze %dma_start3A_218 : memref<1x64x384xf32, #tpu.memory_space<vmem>> -> memref<64x384xf32, #tpu.memory_space<vmem>>
    tpu.enqueue_dma source(%dma_start3A_219 : memref<64x384xf32, #tpu.memory_space<vmem>>) target(%dma_start3A_215 : memref<64x384xf32, #tpu.memory_space<hbm>>) target_semaphore(%arg8 : memref<!tpu.dma_semaphore, #tpu.memory_space<semaphore_mem>>)
    %dma_wait3A_220 = arith.constant 4 : i32
    %dma_wait3A_221 = arith.constant 0 : i32
    %dma_wait3A_222 = arith.constant 0 : i32
    %dma_wait3A_223 = tpu.memref_slice %arg6[%dma_wait3A_220, %dma_wait3A_221, %dma_wait3A_222] : memref<5x64x384xf32, #tpu.memory_space<vmem>> -> memref<1x64x384xf32, #tpu.memory_space<vmem>>
    %dma_wait3A_224 = tpu.memref_squeeze %dma_wait3A_223 : memref<1x64x384xf32, #tpu.memory_space<vmem>> -> memref<64x384xf32, #tpu.memory_space<vmem>>
    %dma_wait3A_225 = arith.constant 256 : i32
    %dma_wait3A_226 = tpu.memref_slice %arg5[%dma_wait3A_225] : memref<1024xi32, #tpu.memory_space<vmem>> -> memref<64xi32, #tpu.memory_space<vmem>>
    %dma_wait3A_227 = arith.constant 0 : i32
    %dma_wait3A_228 = arith.constant 0 : i32
    %dma_wait3A_229 = tpu.memref_slice %arg3[%dma_wait3A_227, %dma_wait3A_228] : memref<4096x384xf32, #tpu.memory_space<hbm>> -> memref<4096x384xf32, #tpu.memory_space<hbm>>
    tpu.wait_indirect_dma semaphore(%arg7 : memref<!tpu.dma_semaphore, #tpu.memory_space<semaphore_mem>>) src(%dma_wait3A_229 : memref<4096x384xf32, #tpu.memory_space<hbm>>) dst(%dma_wait3A_224 : memref<64x384xf32, #tpu.memory_space<vmem>>)
    %dma_wait3A_230 = arith.constant 3 : i32
    %dma_wait3A_231 = arith.constant 0 : i32
    %dma_wait3A_232 = arith.constant 0 : i32
    %dma_wait3A_233 = tpu.memref_slice %arg6[%dma_wait3A_230, %dma_wait3A_231, %dma_wait3A_232] : memref<5x64x384xf32, #tpu.memory_space<vmem>> -> memref<1x64x384xf32, #tpu.memory_space<vmem>>
    %dma_wait3A_234 = tpu.memref_squeeze %dma_wait3A_233 : memref<1x64x384xf32, #tpu.memory_space<vmem>> -> memref<64x384xf32, #tpu.memory_space<vmem>>
    %dma_wait3A_235 = arith.constant 0 : i32
    %dma_wait3A_236 = tpu.memref_slice %arg4[%add3A_206, %dma_wait3A_235] : memref<32768x384xf32, #tpu.memory_space<hbm>> -> memref<64x384xf32, #tpu.memory_space<hbm>>
    %dma_wait3A_237 = arith.constant 0 : i32
    %dma_wait3A_238 = tpu.memref_slice %arg4[%add3A_206, %dma_wait3A_237] : memref<32768x384xf32, #tpu.memory_space<hbm>> -> memref<64x384xf32, #tpu.memory_space<hbm>>
    %dma_wait3A_239 = arith.constant 0 : i32
    %dma_wait3A_240 = arith.constant 0 : i32
    %dma_wait3A_241 = tpu.memref_slice %arg6[%dma_wait3A_230, %dma_wait3A_239, %dma_wait3A_240] : memref<5x64x384xf32, #tpu.memory_space<vmem>> -> memref<1x64x384xf32, #tpu.memory_space<vmem>>
    %dma_wait3A_242 = tpu.memref_squeeze %dma_wait3A_241 : memref<1x64x384xf32, #tpu.memory_space<vmem>> -> memref<64x384xf32, #tpu.memory_space<vmem>>
    tpu.wait_dma2 semaphore(%arg8 : memref<!tpu.dma_semaphore, #tpu.memory_space<semaphore_mem>>) src(%dma_wait3A_242 : memref<64x384xf32, #tpu.memory_space<vmem>>) dst(%dma_wait3A_238 : memref<64x384xf32, #tpu.memory_space<hbm>>)
    %dma_start3A_243 = arith.constant 3 : i32
    %dma_start3A_244 = arith.constant 0 : i32
    %dma_start3A_245 = arith.constant 0 : i32
    %dma_start3A_246 = tpu.memref_slice %arg6[%dma_start3A_243, %dma_start3A_244, %dma_start3A_245] : memref<5x64x384xf32, #tpu.memory_space<vmem>> -> memref<1x64x384xf32, #tpu.memory_space<vmem>>
    %dma_start3A_247 = tpu.memref_squeeze %dma_start3A_246 : memref<1x64x384xf32, #tpu.memory_space<vmem>> -> memref<64x384xf32, #tpu.memory_space<vmem>>
    %dma_start3A_248 = arith.constant 512 : i32
    %dma_start3A_249 = tpu.memref_slice %arg5[%dma_start3A_248] : memref<1024xi32, #tpu.memory_space<vmem>> -> memref<64xi32, #tpu.memory_space<vmem>>
    %dma_start3A_250 = arith.constant 0 : i32
    %dma_start3A_251 = arith.constant 0 : i32
    %dma_start3A_252 = tpu.memref_slice %arg3[%dma_start3A_250, %dma_start3A_251] : memref<4096x384xf32, #tpu.memory_space<hbm>> -> memref<4096x384xf32, #tpu.memory_space<hbm>>
    tpu.enqueue_indirect_dma source(%dma_start3A_252 : memref<4096x384xf32, #tpu.memory_space<hbm>>) target(%dma_start3A_247 : memref<64x384xf32, #tpu.memory_space<vmem>>) offsets(%dma_start3A_249 : memref<64xi32, #tpu.memory_space<vmem>>) semaphore(%arg7 : memref<!tpu.dma_semaphore, #tpu.memory_space<semaphore_mem>>)
    %add3A_253 = arith.constant 256 : i32
    %add3A_254 = arith.addi %mul3A_2, %add3A_253 : i32
    %dma_start3A_255 = arith.constant 4 : i32
    %dma_start3A_256 = arith.constant 0 : i32
    %dma_start3A_257 = arith.constant 0 : i32
    %dma_start3A_258 = tpu.memref_slice %arg6[%dma_start3A_255, %dma_start3A_256, %dma_start3A_257] : memref<5x64x384xf32, #tpu.memory_space<vmem>> -> memref<1x64x384xf32, #tpu.memory_space<vmem>>
    %dma_start3A_259 = tpu.memref_squeeze %dma_start3A_258 : memref<1x64x384xf32, #tpu.memory_space<vmem>> -> memref<64x384xf32, #tpu.memory_space<vmem>>
    %dma_start3A_260 = arith.constant 0 : i32
    %dma_start3A_261 = tpu.memref_slice %arg4[%add3A_254, %dma_start3A_260] : memref<32768x384xf32, #tpu.memory_space<hbm>> -> memref<64x384xf32, #tpu.memory_space<hbm>>
    %dma_start3A_262 = arith.constant 0 : i32
    %dma_start3A_263 = tpu.memref_slice %arg4[%add3A_254, %dma_start3A_262] : memref<32768x384xf32, #tpu.memory_space<hbm>> -> memref<64x384xf32, #tpu.memory_space<hbm>>
    %dma_start3A_264 = arith.constant 0 : i32
    %dma_start3A_265 = arith.constant 0 : i32
    %dma_start3A_266 = tpu.memref_slice %arg6[%dma_start3A_255, %dma_start3A_264, %dma_start3A_265] : memref<5x64x384xf32, #tpu.memory_space<vmem>> -> memref<1x64x384xf32, #tpu.memory_space<vmem>>
    %dma_start3A_267 = tpu.memref_squeeze %dma_start3A_266 : memref<1x64x384xf32, #tpu.memory_space<vmem>> -> memref<64x384xf32, #tpu.memory_space<vmem>>
    tpu.enqueue_dma source(%dma_start3A_267 : memref<64x384xf32, #tpu.memory_space<vmem>>) target(%dma_start3A_263 : memref<64x384xf32, #tpu.memory_space<hbm>>) target_semaphore(%arg8 : memref<!tpu.dma_semaphore, #tpu.memory_space<semaphore_mem>>)
    %dma_wait3A_268 = arith.constant 0 : i32
    %dma_wait3A_269 = arith.constant 0 : i32
    %dma_wait3A_270 = arith.constant 0 : i32
    %dma_wait3A_271 = tpu.memref_slice %arg6[%dma_wait3A_268, %dma_wait3A_269, %dma_wait3A_270] : memref<5x64x384xf32, #tpu.memory_space<vmem>> -> memref<1x64x384xf32, #tpu.memory_space<vmem>>
    %dma_wait3A_272 = tpu.memref_squeeze %dma_wait3A_271 : memref<1x64x384xf32, #tpu.memory_space<vmem>> -> memref<64x384xf32, #tpu.memory_space<vmem>>
    %dma_wait3A_273 = arith.constant 320 : i32
    %dma_wait3A_274 = tpu.memref_slice %arg5[%dma_wait3A_273] : memref<1024xi32, #tpu.memory_space<vmem>> -> memref<64xi32, #tpu.memory_space<vmem>>
    %dma_wait3A_275 = arith.constant 0 : i32
    %dma_wait3A_276 = arith.constant 0 : i32
    %dma_wait3A_277 = tpu.memref_slice %arg3[%dma_wait3A_275, %dma_wait3A_276] : memref<4096x384xf32, #tpu.memory_space<hbm>> -> memref<4096x384xf32, #tpu.memory_space<hbm>>
    tpu.wait_indirect_dma semaphore(%arg7 : memref<!tpu.dma_semaphore, #tpu.memory_space<semaphore_mem>>) src(%dma_wait3A_277 : memref<4096x384xf32, #tpu.memory_space<hbm>>) dst(%dma_wait3A_272 : memref<64x384xf32, #tpu.memory_space<vmem>>)
    %dma_wait3A_278 = arith.constant 4 : i32
    %dma_wait3A_279 = arith.constant 0 : i32
    %dma_wait3A_280 = arith.constant 0 : i32
    %dma_wait3A_281 = tpu.memref_slice %arg6[%dma_wait3A_278, %dma_wait3A_279, %dma_wait3A_280] : memref<5x64x384xf32, #tpu.memory_space<vmem>> -> memref<1x64x384xf32, #tpu.memory_space<vmem>>
    %dma_wait3A_282 = tpu.memref_squeeze %dma_wait3A_281 : memref<1x64x384xf32, #tpu.memory_space<vmem>> -> memref<64x384xf32, #tpu.memory_space<vmem>>
    %dma_wait3A_283 = arith.constant 0 : i32
    %dma_wait3A_284 = tpu.memref_slice %arg4[%add3A_254, %dma_wait3A_283] : memref<32768x384xf32, #tpu.memory_space<hbm>> -> memref<64x384xf32, #tpu.memory_space<hbm>>
    %dma_wait3A_285 = arith.constant 0 : i32
    %dma_wait3A_286 = tpu.memref_slice %arg4[%add3A_254, %dma_wait3A_285] : memref<32768x384xf32, #tpu.memory_space<hbm>> -> memref<64x384xf32, #tpu.memory_space<hbm>>
    %dma_wait3A_287 = arith.constant 0 : i32
    %dma_wait3A_288 = arith.constant 0 : i32
    %dma_wait3A_289 = tpu.memref_slice %arg6[%dma_wait3A_278, %dma_wait3A_287, %dma_wait3A_288] : memref<5x64x384xf32, #tpu.memory_space<vmem>> -> memref<1x64x384xf32, #tpu.memory_space<vmem>>
    %dma_wait3A_290 = tpu.memref_squeeze %dma_wait3A_289 : memref<1x64x384xf32, #tpu.memory_space<vmem>> -> memref<64x384xf32, #tpu.memory_space<vmem>>
    tpu.wait_dma2 semaphore(%arg8 : memref<!tpu.dma_semaphore, #tpu.memory_space<semaphore_mem>>) src(%dma_wait3A_290 : memref<64x384xf32, #tpu.memory_space<vmem>>) dst(%dma_wait3A_286 : memref<64x384xf32, #tpu.memory_space<hbm>>)
    %dma_start3A_291 = arith.constant 4 : i32
    %dma_start3A_292 = arith.constant 0 : i32
    %dma_start3A_293 = arith.constant 0 : i32
    %dma_start3A_294 = tpu.memref_slice %arg6[%dma_start3A_291, %dma_start3A_292, %dma_start3A_293] : memref<5x64x384xf32, #tpu.memory_space<vmem>> -> memref<1x64x384xf32, #tpu.memory_space<vmem>>
    %dma_start3A_295 = tpu.memref_squeeze %dma_start3A_294 : memref<1x64x384xf32, #tpu.memory_space<vmem>> -> memref<64x384xf32, #tpu.memory_space<vmem>>
    %dma_start3A_296 = arith.constant 576 : i32
    %dma_start3A_297 = tpu.memref_slice %arg5[%dma_start3A_296] : memref<1024xi32, #tpu.memory_space<vmem>> -> memref<64xi32, #tpu.memory_space<vmem>>
    %dma_start3A_298 = arith.constant 0 : i32
    %dma_start3A_299 = arith.constant 0 : i32
    %dma_start3A_300 = tpu.memref_slice %arg3[%dma_start3A_298, %dma_start3A_299] : memref<4096x384xf32, #tpu.memory_space<hbm>> -> memref<4096x384xf32, #tpu.memory_space<hbm>>
    tpu.enqueue_indirect_dma source(%dma_start3A_300 : memref<4096x384xf32, #tpu.memory_space<hbm>>) target(%dma_start3A_295 : memref<64x384xf32, #tpu.memory_space<vmem>>) offsets(%dma_start3A_297 : memref<64xi32, #tpu.memory_space<vmem>>) semaphore(%arg7 : memref<!tpu.dma_semaphore, #tpu.memory_space<semaphore_mem>>)
    %add3A_301 = arith.constant 320 : i32
    %add3A_302 = arith.addi %mul3A_2, %add3A_301 : i32
    %dma_start3A_303 = arith.constant 0 : i32
    %dma_start3A_304 = arith.constant 0 : i32
    %dma_start3A_305 = arith.constant 0 : i32
    %dma_start3A_306 = tpu.memref_slice %arg6[%dma_start3A_303, %dma_start3A_304, %dma_start3A_305] : memref<5x64x384xf32, #tpu.memory_space<vmem>> -> memref<1x64x384xf32, #tpu.memory_space<vmem>>
    %dma_start3A_307 = tpu.memref_squeeze %dma_start3A_306 : memref<1x64x384xf32, #tpu.memory_space<vmem>> -> memref<64x384xf32, #tpu.memory_space<vmem>>
    %dma_start3A_308 = arith.constant 0 : i32
    %dma_start3A_309 = tpu.memref_slice %arg4[%add3A_302, %dma_start3A_308] : memref<32768x384xf32, #tpu.memory_space<hbm>> -> memref<64x384xf32, #tpu.memory_space<hbm>>
    %dma_start3A_310 = arith.constant 0 : i32
    %dma_start3A_311 = tpu.memref_slice %arg4[%add3A_302, %dma_start3A_310] : memref<32768x384xf32, #tpu.memory_space<hbm>> -> memref<64x384xf32, #tpu.memory_space<hbm>>
    %dma_start3A_312 = arith.constant 0 : i32
    %dma_start3A_313 = arith.constant 0 : i32
    %dma_start3A_314 = tpu.memref_slice %arg6[%dma_start3A_303, %dma_start3A_312, %dma_start3A_313] : memref<5x64x384xf32, #tpu.memory_space<vmem>> -> memref<1x64x384xf32, #tpu.memory_space<vmem>>
    %dma_start3A_315 = tpu.memref_squeeze %dma_start3A_314 : memref<1x64x384xf32, #tpu.memory_space<vmem>> -> memref<64x384xf32, #tpu.memory_space<vmem>>
    tpu.enqueue_dma source(%dma_start3A_315 : memref<64x384xf32, #tpu.memory_space<vmem>>) target(%dma_start3A_311 : memref<64x384xf32, #tpu.memory_space<hbm>>) target_semaphore(%arg8 : memref<!tpu.dma_semaphore, #tpu.memory_space<semaphore_mem>>)
    %dma_wait3A_316 = arith.constant 1 : i32
    %dma_wait3A_317 = arith.constant 0 : i32
    %dma_wait3A_318 = arith.constant 0 : i32
    %dma_wait3A_319 = tpu.memref_slice %arg6[%dma_wait3A_316, %dma_wait3A_317, %dma_wait3A_318] : memref<5x64x384xf32, #tpu.memory_space<vmem>> -> memref<1x64x384xf32, #tpu.memory_space<vmem>>
    %dma_wait3A_320 = tpu.memref_squeeze %dma_wait3A_319 : memref<1x64x384xf32, #tpu.memory_space<vmem>> -> memref<64x384xf32, #tpu.memory_space<vmem>>
    %dma_wait3A_321 = arith.constant 384 : i32
    %dma_wait3A_322 = tpu.memref_slice %arg5[%dma_wait3A_321] : memref<1024xi32, #tpu.memory_space<vmem>> -> memref<64xi32, #tpu.memory_space<vmem>>
    %dma_wait3A_323 = arith.constant 0 : i32
    %dma_wait3A_324 = arith.constant 0 : i32
    %dma_wait3A_325 = tpu.memref_slice %arg3[%dma_wait3A_323, %dma_wait3A_324] : memref<4096x384xf32, #tpu.memory_space<hbm>> -> memref<4096x384xf32, #tpu.memory_space<hbm>>
    tpu.wait_indirect_dma semaphore(%arg7 : memref<!tpu.dma_semaphore, #tpu.memory_space<semaphore_mem>>) src(%dma_wait3A_325 : memref<4096x384xf32, #tpu.memory_space<hbm>>) dst(%dma_wait3A_320 : memref<64x384xf32, #tpu.memory_space<vmem>>)
    %dma_wait3A_326 = arith.constant 0 : i32
    %dma_wait3A_327 = arith.constant 0 : i32
    %dma_wait3A_328 = arith.constant 0 : i32
    %dma_wait3A_329 = tpu.memref_slice %arg6[%dma_wait3A_326, %dma_wait3A_327, %dma_wait3A_328] : memref<5x64x384xf32, #tpu.memory_space<vmem>> -> memref<1x64x384xf32, #tpu.memory_space<vmem>>
    %dma_wait3A_330 = tpu.memref_squeeze %dma_wait3A_329 : memref<1x64x384xf32, #tpu.memory_space<vmem>> -> memref<64x384xf32, #tpu.memory_space<vmem>>
    %dma_wait3A_331 = arith.constant 0 : i32
    %dma_wait3A_332 = tpu.memref_slice %arg4[%add3A_302, %dma_wait3A_331] : memref<32768x384xf32, #tpu.memory_space<hbm>> -> memref<64x384xf32, #tpu.memory_space<hbm>>
    %dma_wait3A_333 = arith.constant 0 : i32
    %dma_wait3A_334 = tpu.memref_slice %arg4[%add3A_302, %dma_wait3A_333] : memref<32768x384xf32, #tpu.memory_space<hbm>> -> memref<64x384xf32, #tpu.memory_space<hbm>>
    %dma_wait3A_335 = arith.constant 0 : i32
    %dma_wait3A_336 = arith.constant 0 : i32
    %dma_wait3A_337 = tpu.memref_slice %arg6[%dma_wait3A_326, %dma_wait3A_335, %dma_wait3A_336] : memref<5x64x384xf32, #tpu.memory_space<vmem>> -> memref<1x64x384xf32, #tpu.memory_space<vmem>>
    %dma_wait3A_338 = tpu.memref_squeeze %dma_wait3A_337 : memref<1x64x384xf32, #tpu.memory_space<vmem>> -> memref<64x384xf32, #tpu.memory_space<vmem>>
    tpu.wait_dma2 semaphore(%arg8 : memref<!tpu.dma_semaphore, #tpu.memory_space<semaphore_mem>>) src(%dma_wait3A_338 : memref<64x384xf32, #tpu.memory_space<vmem>>) dst(%dma_wait3A_334 : memref<64x384xf32, #tpu.memory_space<hbm>>)
    %dma_start3A_339 = arith.constant 0 : i32
    %dma_start3A_340 = arith.constant 0 : i32
    %dma_start3A_341 = arith.constant 0 : i32
    %dma_start3A_342 = tpu.memref_slice %arg6[%dma_start3A_339, %dma_start3A_340, %dma_start3A_341] : memref<5x64x384xf32, #tpu.memory_space<vmem>> -> memref<1x64x384xf32, #tpu.memory_space<vmem>>
    %dma_start3A_343 = tpu.memref_squeeze %dma_start3A_342 : memref<1x64x384xf32, #tpu.memory_space<vmem>> -> memref<64x384xf32, #tpu.memory_space<vmem>>
    %dma_start3A_344 = arith.constant 640 : i32
    %dma_start3A_345 = tpu.memref_slice %arg5[%dma_start3A_344] : memref<1024xi32, #tpu.memory_space<vmem>> -> memref<64xi32, #tpu.memory_space<vmem>>
    %dma_start3A_346 = arith.constant 0 : i32
    %dma_start3A_347 = arith.constant 0 : i32
    %dma_start3A_348 = tpu.memref_slice %arg3[%dma_start3A_346, %dma_start3A_347] : memref<4096x384xf32, #tpu.memory_space<hbm>> -> memref<4096x384xf32, #tpu.memory_space<hbm>>
    tpu.enqueue_indirect_dma source(%dma_start3A_348 : memref<4096x384xf32, #tpu.memory_space<hbm>>) target(%dma_start3A_343 : memref<64x384xf32, #tpu.memory_space<vmem>>) offsets(%dma_start3A_345 : memref<64xi32, #tpu.memory_space<vmem>>) semaphore(%arg7 : memref<!tpu.dma_semaphore, #tpu.memory_space<semaphore_mem>>)
    %add3A_349 = arith.constant 384 : i32
    %add3A_350 = arith.addi %mul3A_2, %add3A_349 : i32
    %dma_start3A_351 = arith.constant 1 : i32
    %dma_start3A_352 = arith.constant 0 : i32
    %dma_start3A_353 = arith.constant 0 : i32
    %dma_start3A_354 = tpu.memref_slice %arg6[%dma_start3A_351, %dma_start3A_352, %dma_start3A_353] : memref<5x64x384xf32, #tpu.memory_space<vmem>> -> memref<1x64x384xf32, #tpu.memory_space<vmem>>
    %dma_start3A_355 = tpu.memref_squeeze %dma_start3A_354 : memref<1x64x384xf32, #tpu.memory_space<vmem>> -> memref<64x384xf32, #tpu.memory_space<vmem>>
    %dma_start3A_356 = arith.constant 0 : i32
    %dma_start3A_357 = tpu.memref_slice %arg4[%add3A_350, %dma_start3A_356] : memref<32768x384xf32, #tpu.memory_space<hbm>> -> memref<64x384xf32, #tpu.memory_space<hbm>>
    %dma_start3A_358 = arith.constant 0 : i32
    %dma_start3A_359 = tpu.memref_slice %arg4[%add3A_350, %dma_start3A_358] : memref<32768x384xf32, #tpu.memory_space<hbm>> -> memref<64x384xf32, #tpu.memory_space<hbm>>
    %dma_start3A_360 = arith.constant 0 : i32
    %dma_start3A_361 = arith.constant 0 : i32
    %dma_start3A_362 = tpu.memref_slice %arg6[%dma_start3A_351, %dma_start3A_360, %dma_start3A_361] : memref<5x64x384xf32, #tpu.memory_space<vmem>> -> memref<1x64x384xf32, #tpu.memory_space<vmem>>
    %dma_start3A_363 = tpu.memref_squeeze %dma_start3A_362 : memref<1x64x384xf32, #tpu.memory_space<vmem>> -> memref<64x384xf32, #tpu.memory_space<vmem>>
    tpu.enqueue_dma source(%dma_start3A_363 : memref<64x384xf32, #tpu.memory_space<vmem>>) target(%dma_start3A_359 : memref<64x384xf32, #tpu.memory_space<hbm>>) target_semaphore(%arg8 : memref<!tpu.dma_semaphore, #tpu.memory_space<semaphore_mem>>)
    %dma_wait3A_364 = arith.constant 2 : i32
    %dma_wait3A_365 = arith.constant 0 : i32
    %dma_wait3A_366 = arith.constant 0 : i32
    %dma_wait3A_367 = tpu.memref_slice %arg6[%dma_wait3A_364, %dma_wait3A_365, %dma_wait3A_366] : memref<5x64x384xf32, #tpu.memory_space<vmem>> -> memref<1x64x384xf32, #tpu.memory_space<vmem>>
    %dma_wait3A_368 = tpu.memref_squeeze %dma_wait3A_367 : memref<1x64x384xf32, #tpu.memory_space<vmem>> -> memref<64x384xf32, #tpu.memory_space<vmem>>
    %dma_wait3A_369 = arith.constant 448 : i32
    %dma_wait3A_370 = tpu.memref_slice %arg5[%dma_wait3A_369] : memref<1024xi32, #tpu.memory_space<vmem>> -> memref<64xi32, #tpu.memory_space<vmem>>
    %dma_wait3A_371 = arith.constant 0 : i32
    %dma_wait3A_372 = arith.constant 0 : i32
    %dma_wait3A_373 = tpu.memref_slice %arg3[%dma_wait3A_371, %dma_wait3A_372] : memref<4096x384xf32, #tpu.memory_space<hbm>> -> memref<4096x384xf32, #tpu.memory_space<hbm>>
    tpu.wait_indirect_dma semaphore(%arg7 : memref<!tpu.dma_semaphore, #tpu.memory_space<semaphore_mem>>) src(%dma_wait3A_373 : memref<4096x384xf32, #tpu.memory_space<hbm>>) dst(%dma_wait3A_368 : memref<64x384xf32, #tpu.memory_space<vmem>>)
    %dma_wait3A_374 = arith.constant 1 : i32
    %dma_wait3A_375 = arith.constant 0 : i32
    %dma_wait3A_376 = arith.constant 0 : i32
    %dma_wait3A_377 = tpu.memref_slice %arg6[%dma_wait3A_374, %dma_wait3A_375, %dma_wait3A_376] : memref<5x64x384xf32, #tpu.memory_space<vmem>> -> memref<1x64x384xf32, #tpu.memory_space<vmem>>
    %dma_wait3A_378 = tpu.memref_squeeze %dma_wait3A_377 : memref<1x64x384xf32, #tpu.memory_space<vmem>> -> memref<64x384xf32, #tpu.memory_space<vmem>>
    %dma_wait3A_379 = arith.constant 0 : i32
    %dma_wait3A_380 = tpu.memref_slice %arg4[%add3A_350, %dma_wait3A_379] : memref<32768x384xf32, #tpu.memory_space<hbm>> -> memref<64x384xf32, #tpu.memory_space<hbm>>
    %dma_wait3A_381 = arith.constant 0 : i32
    %dma_wait3A_382 = tpu.memref_slice %arg4[%add3A_350, %dma_wait3A_381] : memref<32768x384xf32, #tpu.memory_space<hbm>> -> memref<64x384xf32, #tpu.memory_space<hbm>>
    %dma_wait3A_383 = arith.constant 0 : i32
    %dma_wait3A_384 = arith.constant 0 : i32
    %dma_wait3A_385 = tpu.memref_slice %arg6[%dma_wait3A_374, %dma_wait3A_383, %dma_wait3A_384] : memref<5x64x384xf32, #tpu.memory_space<vmem>> -> memref<1x64x384xf32, #tpu.memory_space<vmem>>
    %dma_wait3A_386 = tpu.memref_squeeze %dma_wait3A_385 : memref<1x64x384xf32, #tpu.memory_space<vmem>> -> memref<64x384xf32, #tpu.memory_space<vmem>>
    tpu.wait_dma2 semaphore(%arg8 : memref<!tpu.dma_semaphore, #tpu.memory_space<semaphore_mem>>) src(%dma_wait3A_386 : memref<64x384xf32, #tpu.memory_space<vmem>>) dst(%dma_wait3A_382 : memref<64x384xf32, #tpu.memory_space<hbm>>)
    %dma_start3A_387 = arith.constant 1 : i32
    %dma_start3A_388 = arith.constant 0 : i32
    %dma_start3A_389 = arith.constant 0 : i32
    %dma_start3A_390 = tpu.memref_slice %arg6[%dma_start3A_387, %dma_start3A_388, %dma_start3A_389] : memref<5x64x384xf32, #tpu.memory_space<vmem>> -> memref<1x64x384xf32, #tpu.memory_space<vmem>>
    %dma_start3A_391 = tpu.memref_squeeze %dma_start3A_390 : memref<1x64x384xf32, #tpu.memory_space<vmem>> -> memref<64x384xf32, #tpu.memory_space<vmem>>
    %dma_start3A_392 = arith.constant 704 : i32
    %dma_start3A_393 = tpu.memref_slice %arg5[%dma_start3A_392] : memref<1024xi32, #tpu.memory_space<vmem>> -> memref<64xi32, #tpu.memory_space<vmem>>
    %dma_start3A_394 = arith.constant 0 : i32
    %dma_start3A_395 = arith.constant 0 : i32
    %dma_start3A_396 = tpu.memref_slice %arg3[%dma_start3A_394, %dma_start3A_395] : memref<4096x384xf32, #tpu.memory_space<hbm>> -> memref<4096x384xf32, #tpu.memory_space<hbm>>
    tpu.enqueue_indirect_dma source(%dma_start3A_396 : memref<4096x384xf32, #tpu.memory_space<hbm>>) target(%dma_start3A_391 : memref<64x384xf32, #tpu.memory_space<vmem>>) offsets(%dma_start3A_393 : memref<64xi32, #tpu.memory_space<vmem>>) semaphore(%arg7 : memref<!tpu.dma_semaphore, #tpu.memory_space<semaphore_mem>>)
    %add3A_397 = arith.constant 448 : i32
    %add3A_398 = arith.addi %mul3A_2, %add3A_397 : i32
    %dma_start3A_399 = arith.constant 2 : i32
    %dma_start3A_400 = arith.constant 0 : i32
    %dma_start3A_401 = arith.constant 0 : i32
    %dma_start3A_402 = tpu.memref_slice %arg6[%dma_start3A_399, %dma_start3A_400, %dma_start3A_401] : memref<5x64x384xf32, #tpu.memory_space<vmem>> -> memref<1x64x384xf32, #tpu.memory_space<vmem>>
    %dma_start3A_403 = tpu.memref_squeeze %dma_start3A_402 : memref<1x64x384xf32, #tpu.memory_space<vmem>> -> memref<64x384xf32, #tpu.memory_space<vmem>>
    %dma_start3A_404 = arith.constant 0 : i32
    %dma_start3A_405 = tpu.memref_slice %arg4[%add3A_398, %dma_start3A_404] : memref<32768x384xf32, #tpu.memory_space<hbm>> -> memref<64x384xf32, #tpu.memory_space<hbm>>
    %dma_start3A_406 = arith.constant 0 : i32
    %dma_start3A_407 = tpu.memref_slice %arg4[%add3A_398, %dma_start3A_406] : memref<32768x384xf32, #tpu.memory_space<hbm>> -> memref<64x384xf32, #tpu.memory_space<hbm>>
    %dma_start3A_408 = arith.constant 0 : i32
    %dma_start3A_409 = arith.constant 0 : i32
    %dma_start3A_410 = tpu.memref_slice %arg6[%dma_start3A_399, %dma_start3A_408, %dma_start3A_409] : memref<5x64x384xf32, #tpu.memory_space<vmem>> -> memref<1x64x384xf32, #tpu.memory_space<vmem>>
    %dma_start3A_411 = tpu.memref_squeeze %dma_start3A_410 : memref<1x64x384xf32, #tpu.memory_space<vmem>> -> memref<64x384xf32, #tpu.memory_space<vmem>>
    tpu.enqueue_dma source(%dma_start3A_411 : memref<64x384xf32, #tpu.memory_space<vmem>>) target(%dma_start3A_407 : memref<64x384xf32, #tpu.memory_space<hbm>>) target_semaphore(%arg8 : memref<!tpu.dma_semaphore, #tpu.memory_space<semaphore_mem>>)
    %dma_wait3A_412 = arith.constant 3 : i32
    %dma_wait3A_413 = arith.constant 0 : i32
    %dma_wait3A_414 = arith.constant 0 : i32
    %dma_wait3A_415 = tpu.memref_slice %arg6[%dma_wait3A_412, %dma_wait3A_413, %dma_wait3A_414] : memref<5x64x384xf32, #tpu.memory_space<vmem>> -> memref<1x64x384xf32, #tpu.memory_space<vmem>>
    %dma_wait3A_416 = tpu.memref_squeeze %dma_wait3A_415 : memref<1x64x384xf32, #tpu.memory_space<vmem>> -> memref<64x384xf32, #tpu.memory_space<vmem>>
    %dma_wait3A_417 = arith.constant 512 : i32
    %dma_wait3A_418 = tpu.memref_slice %arg5[%dma_wait3A_417] : memref<1024xi32, #tpu.memory_space<vmem>> -> memref<64xi32, #tpu.memory_space<vmem>>
    %dma_wait3A_419 = arith.constant 0 : i32
    %dma_wait3A_420 = arith.constant 0 : i32
    %dma_wait3A_421 = tpu.memref_slice %arg3[%dma_wait3A_419, %dma_wait3A_420] : memref<4096x384xf32, #tpu.memory_space<hbm>> -> memref<4096x384xf32, #tpu.memory_space<hbm>>
    tpu.wait_indirect_dma semaphore(%arg7 : memref<!tpu.dma_semaphore, #tpu.memory_space<semaphore_mem>>) src(%dma_wait3A_421 : memref<4096x384xf32, #tpu.memory_space<hbm>>) dst(%dma_wait3A_416 : memref<64x384xf32, #tpu.memory_space<vmem>>)
    %dma_wait3A_422 = arith.constant 2 : i32
    %dma_wait3A_423 = arith.constant 0 : i32
    %dma_wait3A_424 = arith.constant 0 : i32
    %dma_wait3A_425 = tpu.memref_slice %arg6[%dma_wait3A_422, %dma_wait3A_423, %dma_wait3A_424] : memref<5x64x384xf32, #tpu.memory_space<vmem>> -> memref<1x64x384xf32, #tpu.memory_space<vmem>>
    %dma_wait3A_426 = tpu.memref_squeeze %dma_wait3A_425 : memref<1x64x384xf32, #tpu.memory_space<vmem>> -> memref<64x384xf32, #tpu.memory_space<vmem>>
    %dma_wait3A_427 = arith.constant 0 : i32
    %dma_wait3A_428 = tpu.memref_slice %arg4[%add3A_398, %dma_wait3A_427] : memref<32768x384xf32, #tpu.memory_space<hbm>> -> memref<64x384xf32, #tpu.memory_space<hbm>>
    %dma_wait3A_429 = arith.constant 0 : i32
    %dma_wait3A_430 = tpu.memref_slice %arg4[%add3A_398, %dma_wait3A_429] : memref<32768x384xf32, #tpu.memory_space<hbm>> -> memref<64x384xf32, #tpu.memory_space<hbm>>
    %dma_wait3A_431 = arith.constant 0 : i32
    %dma_wait3A_432 = arith.constant 0 : i32
    %dma_wait3A_433 = tpu.memref_slice %arg6[%dma_wait3A_422, %dma_wait3A_431, %dma_wait3A_432] : memref<5x64x384xf32, #tpu.memory_space<vmem>> -> memref<1x64x384xf32, #tpu.memory_space<vmem>>
    %dma_wait3A_434 = tpu.memref_squeeze %dma_wait3A_433 : memref<1x64x384xf32, #tpu.memory_space<vmem>> -> memref<64x384xf32, #tpu.memory_space<vmem>>
    tpu.wait_dma2 semaphore(%arg8 : memref<!tpu.dma_semaphore, #tpu.memory_space<semaphore_mem>>) src(%dma_wait3A_434 : memref<64x384xf32, #tpu.memory_space<vmem>>) dst(%dma_wait3A_430 : memref<64x384xf32, #tpu.memory_space<hbm>>)
    %dma_start3A_435 = arith.constant 2 : i32
    %dma_start3A_436 = arith.constant 0 : i32
    %dma_start3A_437 = arith.constant 0 : i32
    %dma_start3A_438 = tpu.memref_slice %arg6[%dma_start3A_435, %dma_start3A_436, %dma_start3A_437] : memref<5x64x384xf32, #tpu.memory_space<vmem>> -> memref<1x64x384xf32, #tpu.memory_space<vmem>>
    %dma_start3A_439 = tpu.memref_squeeze %dma_start3A_438 : memref<1x64x384xf32, #tpu.memory_space<vmem>> -> memref<64x384xf32, #tpu.memory_space<vmem>>
    %dma_start3A_440 = arith.constant 768 : i32
    %dma_start3A_441 = tpu.memref_slice %arg5[%dma_start3A_440] : memref<1024xi32, #tpu.memory_space<vmem>> -> memref<64xi32, #tpu.memory_space<vmem>>
    %dma_start3A_442 = arith.constant 0 : i32
    %dma_start3A_443 = arith.constant 0 : i32
    %dma_start3A_444 = tpu.memref_slice %arg3[%dma_start3A_442, %dma_start3A_443] : memref<4096x384xf32, #tpu.memory_space<hbm>> -> memref<4096x384xf32, #tpu.memory_space<hbm>>
    tpu.enqueue_indirect_dma source(%dma_start3A_444 : memref<4096x384xf32, #tpu.memory_space<hbm>>) target(%dma_start3A_439 : memref<64x384xf32, #tpu.memory_space<vmem>>) offsets(%dma_start3A_441 : memref<64xi32, #tpu.memory_space<vmem>>) semaphore(%arg7 : memref<!tpu.dma_semaphore, #tpu.memory_space<semaphore_mem>>)
    %add3A_445 = arith.constant 512 : i32
    %add3A_446 = arith.addi %mul3A_2, %add3A_445 : i32
    %dma_start3A_447 = arith.constant 3 : i32
    %dma_start3A_448 = arith.constant 0 : i32
    %dma_start3A_449 = arith.constant 0 : i32
    %dma_start3A_450 = tpu.memref_slice %arg6[%dma_start3A_447, %dma_start3A_448, %dma_start3A_449] : memref<5x64x384xf32, #tpu.memory_space<vmem>> -> memref<1x64x384xf32, #tpu.memory_space<vmem>>
    %dma_start3A_451 = tpu.memref_squeeze %dma_start3A_450 : memref<1x64x384xf32, #tpu.memory_space<vmem>> -> memref<64x384xf32, #tpu.memory_space<vmem>>
    %dma_start3A_452 = arith.constant 0 : i32
    %dma_start3A_453 = tpu.memref_slice %arg4[%add3A_446, %dma_start3A_452] : memref<32768x384xf32, #tpu.memory_space<hbm>> -> memref<64x384xf32, #tpu.memory_space<hbm>>
    %dma_start3A_454 = arith.constant 0 : i32
    %dma_start3A_455 = tpu.memref_slice %arg4[%add3A_446, %dma_start3A_454] : memref<32768x384xf32, #tpu.memory_space<hbm>> -> memref<64x384xf32, #tpu.memory_space<hbm>>
    %dma_start3A_456 = arith.constant 0 : i32
    %dma_start3A_457 = arith.constant 0 : i32
    %dma_start3A_458 = tpu.memref_slice %arg6[%dma_start3A_447, %dma_start3A_456, %dma_start3A_457] : memref<5x64x384xf32, #tpu.memory_space<vmem>> -> memref<1x64x384xf32, #tpu.memory_space<vmem>>
    %dma_start3A_459 = tpu.memref_squeeze %dma_start3A_458 : memref<1x64x384xf32, #tpu.memory_space<vmem>> -> memref<64x384xf32, #tpu.memory_space<vmem>>
    tpu.enqueue_dma source(%dma_start3A_459 : memref<64x384xf32, #tpu.memory_space<vmem>>) target(%dma_start3A_455 : memref<64x384xf32, #tpu.memory_space<hbm>>) target_semaphore(%arg8 : memref<!tpu.dma_semaphore, #tpu.memory_space<semaphore_mem>>)
    %dma_wait3A_460 = arith.constant 4 : i32
    %dma_wait3A_461 = arith.constant 0 : i32
    %dma_wait3A_462 = arith.constant 0 : i32
    %dma_wait3A_463 = tpu.memref_slice %arg6[%dma_wait3A_460, %dma_wait3A_461, %dma_wait3A_462] : memref<5x64x384xf32, #tpu.memory_space<vmem>> -> memref<1x64x384xf32, #tpu.memory_space<vmem>>
    %dma_wait3A_464 = tpu.memref_squeeze %dma_wait3A_463 : memref<1x64x384xf32, #tpu.memory_space<vmem>> -> memref<64x384xf32, #tpu.memory_space<vmem>>
    %dma_wait3A_465 = arith.constant 576 : i32
    %dma_wait3A_466 = tpu.memref_slice %arg5[%dma_wait3A_465] : memref<1024xi32, #tpu.memory_space<vmem>> -> memref<64xi32, #tpu.memory_space<vmem>>
    %dma_wait3A_467 = arith.constant 0 : i32
    %dma_wait3A_468 = arith.constant 0 : i32
    %dma_wait3A_469 = tpu.memref_slice %arg3[%dma_wait3A_467, %dma_wait3A_468] : memref<4096x384xf32, #tpu.memory_space<hbm>> -> memref<4096x384xf32, #tpu.memory_space<hbm>>
    tpu.wait_indirect_dma semaphore(%arg7 : memref<!tpu.dma_semaphore, #tpu.memory_space<semaphore_mem>>) src(%dma_wait3A_469 : memref<4096x384xf32, #tpu.memory_space<hbm>>) dst(%dma_wait3A_464 : memref<64x384xf32, #tpu.memory_space<vmem>>)
    %dma_wait3A_470 = arith.constant 3 : i32
    %dma_wait3A_471 = arith.constant 0 : i32
    %dma_wait3A_472 = arith.constant 0 : i32
    %dma_wait3A_473 = tpu.memref_slice %arg6[%dma_wait3A_470, %dma_wait3A_471, %dma_wait3A_472] : memref<5x64x384xf32, #tpu.memory_space<vmem>> -> memref<1x64x384xf32, #tpu.memory_space<vmem>>
    %dma_wait3A_474 = tpu.memref_squeeze %dma_wait3A_473 : memref<1x64x384xf32, #tpu.memory_space<vmem>> -> memref<64x384xf32, #tpu.memory_space<vmem>>
    %dma_wait3A_475 = arith.constant 0 : i32
    %dma_wait3A_476 = tpu.memref_slice %arg4[%add3A_446, %dma_wait3A_475] : memref<32768x384xf32, #tpu.memory_space<hbm>> -> memref<64x384xf32, #tpu.memory_space<hbm>>
    %dma_wait3A_477 = arith.constant 0 : i32
    %dma_wait3A_478 = tpu.memref_slice %arg4[%add3A_446, %dma_wait3A_477] : memref<32768x384xf32, #tpu.memory_space<hbm>> -> memref<64x384xf32, #tpu.memory_space<hbm>>
    %dma_wait3A_479 = arith.constant 0 : i32
    %dma_wait3A_480 = arith.constant 0 : i32
    %dma_wait3A_481 = tpu.memref_slice %arg6[%dma_wait3A_470, %dma_wait3A_479, %dma_wait3A_480] : memref<5x64x384xf32, #tpu.memory_space<vmem>> -> memref<1x64x384xf32, #tpu.memory_space<vmem>>
    %dma_wait3A_482 = tpu.memref_squeeze %dma_wait3A_481 : memref<1x64x384xf32, #tpu.memory_space<vmem>> -> memref<64x384xf32, #tpu.memory_space<vmem>>
    tpu.wait_dma2 semaphore(%arg8 : memref<!tpu.dma_semaphore, #tpu.memory_space<semaphore_mem>>) src(%dma_wait3A_482 : memref<64x384xf32, #tpu.memory_space<vmem>>) dst(%dma_wait3A_478 : memref<64x384xf32, #tpu.memory_space<hbm>>)
    %dma_start3A_483 = arith.constant 3 : i32
    %dma_start3A_484 = arith.constant 0 : i32
    %dma_start3A_485 = arith.constant 0 : i32
    %dma_start3A_486 = tpu.memref_slice %arg6[%dma_start3A_483, %dma_start3A_484, %dma_start3A_485] : memref<5x64x384xf32, #tpu.memory_space<vmem>> -> memref<1x64x384xf32, #tpu.memory_space<vmem>>
    %dma_start3A_487 = tpu.memref_squeeze %dma_start3A_486 : memref<1x64x384xf32, #tpu.memory_space<vmem>> -> memref<64x384xf32, #tpu.memory_space<vmem>>
    %dma_start3A_488 = arith.constant 832 : i32
    %dma_start3A_489 = tpu.memref_slice %arg5[%dma_start3A_488] : memref<1024xi32, #tpu.memory_space<vmem>> -> memref<64xi32, #tpu.memory_space<vmem>>
    %dma_start3A_490 = arith.constant 0 : i32
    %dma_start3A_491 = arith.constant 0 : i32
    %dma_start3A_492 = tpu.memref_slice %arg3[%dma_start3A_490, %dma_start3A_491] : memref<4096x384xf32, #tpu.memory_space<hbm>> -> memref<4096x384xf32, #tpu.memory_space<hbm>>
    tpu.enqueue_indirect_dma source(%dma_start3A_492 : memref<4096x384xf32, #tpu.memory_space<hbm>>) target(%dma_start3A_487 : memref<64x384xf32, #tpu.memory_space<vmem>>) offsets(%dma_start3A_489 : memref<64xi32, #tpu.memory_space<vmem>>) semaphore(%arg7 : memref<!tpu.dma_semaphore, #tpu.memory_space<semaphore_mem>>)
    %add3A_493 = arith.constant 576 : i32
    %add3A_494 = arith.addi %mul3A_2, %add3A_493 : i32
    %dma_start3A_495 = arith.constant 4 : i32
    %dma_start3A_496 = arith.constant 0 : i32
    %dma_start3A_497 = arith.constant 0 : i32
    %dma_start3A_498 = tpu.memref_slice %arg6[%dma_start3A_495, %dma_start3A_496, %dma_start3A_497] : memref<5x64x384xf32, #tpu.memory_space<vmem>> -> memref<1x64x384xf32, #tpu.memory_space<vmem>>
    %dma_start3A_499 = tpu.memref_squeeze %dma_start3A_498 : memref<1x64x384xf32, #tpu.memory_space<vmem>> -> memref<64x384xf32, #tpu.memory_space<vmem>>
    %dma_start3A_500 = arith.constant 0 : i32
    %dma_start3A_501 = tpu.memref_slice %arg4[%add3A_494, %dma_start3A_500] : memref<32768x384xf32, #tpu.memory_space<hbm>> -> memref<64x384xf32, #tpu.memory_space<hbm>>
    %dma_start3A_502 = arith.constant 0 : i32
    %dma_start3A_503 = tpu.memref_slice %arg4[%add3A_494, %dma_start3A_502] : memref<32768x384xf32, #tpu.memory_space<hbm>> -> memref<64x384xf32, #tpu.memory_space<hbm>>
    %dma_start3A_504 = arith.constant 0 : i32
    %dma_start3A_505 = arith.constant 0 : i32
    %dma_start3A_506 = tpu.memref_slice %arg6[%dma_start3A_495, %dma_start3A_504, %dma_start3A_505] : memref<5x64x384xf32, #tpu.memory_space<vmem>> -> memref<1x64x384xf32, #tpu.memory_space<vmem>>
    %dma_start3A_507 = tpu.memref_squeeze %dma_start3A_506 : memref<1x64x384xf32, #tpu.memory_space<vmem>> -> memref<64x384xf32, #tpu.memory_space<vmem>>
    tpu.enqueue_dma source(%dma_start3A_507 : memref<64x384xf32, #tpu.memory_space<vmem>>) target(%dma_start3A_503 : memref<64x384xf32, #tpu.memory_space<hbm>>) target_semaphore(%arg8 : memref<!tpu.dma_semaphore, #tpu.memory_space<semaphore_mem>>)
    %dma_wait3A_508 = arith.constant 0 : i32
    %dma_wait3A_509 = arith.constant 0 : i32
    %dma_wait3A_510 = arith.constant 0 : i32
    %dma_wait3A_511 = tpu.memref_slice %arg6[%dma_wait3A_508, %dma_wait3A_509, %dma_wait3A_510] : memref<5x64x384xf32, #tpu.memory_space<vmem>> -> memref<1x64x384xf32, #tpu.memory_space<vmem>>
    %dma_wait3A_512 = tpu.memref_squeeze %dma_wait3A_511 : memref<1x64x384xf32, #tpu.memory_space<vmem>> -> memref<64x384xf32, #tpu.memory_space<vmem>>
    %dma_wait3A_513 = arith.constant 640 : i32
    %dma_wait3A_514 = tpu.memref_slice %arg5[%dma_wait3A_513] : memref<1024xi32, #tpu.memory_space<vmem>> -> memref<64xi32, #tpu.memory_space<vmem>>
    %dma_wait3A_515 = arith.constant 0 : i32
    %dma_wait3A_516 = arith.constant 0 : i32
    %dma_wait3A_517 = tpu.memref_slice %arg3[%dma_wait3A_515, %dma_wait3A_516] : memref<4096x384xf32, #tpu.memory_space<hbm>> -> memref<4096x384xf32, #tpu.memory_space<hbm>>
    tpu.wait_indirect_dma semaphore(%arg7 : memref<!tpu.dma_semaphore, #tpu.memory_space<semaphore_mem>>) src(%dma_wait3A_517 : memref<4096x384xf32, #tpu.memory_space<hbm>>) dst(%dma_wait3A_512 : memref<64x384xf32, #tpu.memory_space<vmem>>)
    %dma_wait3A_518 = arith.constant 4 : i32
    %dma_wait3A_519 = arith.constant 0 : i32
    %dma_wait3A_520 = arith.constant 0 : i32
    %dma_wait3A_521 = tpu.memref_slice %arg6[%dma_wait3A_518, %dma_wait3A_519, %dma_wait3A_520] : memref<5x64x384xf32, #tpu.memory_space<vmem>> -> memref<1x64x384xf32, #tpu.memory_space<vmem>>
    %dma_wait3A_522 = tpu.memref_squeeze %dma_wait3A_521 : memref<1x64x384xf32, #tpu.memory_space<vmem>> -> memref<64x384xf32, #tpu.memory_space<vmem>>
    %dma_wait3A_523 = arith.constant 0 : i32
    %dma_wait3A_524 = tpu.memref_slice %arg4[%add3A_494, %dma_wait3A_523] : memref<32768x384xf32, #tpu.memory_space<hbm>> -> memref<64x384xf32, #tpu.memory_space<hbm>>
    %dma_wait3A_525 = arith.constant 0 : i32
    %dma_wait3A_526 = tpu.memref_slice %arg4[%add3A_494, %dma_wait3A_525] : memref<32768x384xf32, #tpu.memory_space<hbm>> -> memref<64x384xf32, #tpu.memory_space<hbm>>
    %dma_wait3A_527 = arith.constant 0 : i32
    %dma_wait3A_528 = arith.constant 0 : i32
    %dma_wait3A_529 = tpu.memref_slice %arg6[%dma_wait3A_518, %dma_wait3A_527, %dma_wait3A_528] : memref<5x64x384xf32, #tpu.memory_space<vmem>> -> memref<1x64x384xf32, #tpu.memory_space<vmem>>
    %dma_wait3A_530 = tpu.memref_squeeze %dma_wait3A_529 : memref<1x64x384xf32, #tpu.memory_space<vmem>> -> memref<64x384xf32, #tpu.memory_space<vmem>>
    tpu.wait_dma2 semaphore(%arg8 : memref<!tpu.dma_semaphore, #tpu.memory_space<semaphore_mem>>) src(%dma_wait3A_530 : memref<64x384xf32, #tpu.memory_space<vmem>>) dst(%dma_wait3A_526 : memref<64x384xf32, #tpu.memory_space<hbm>>)
    %dma_start3A_531 = arith.constant 4 : i32
    %dma_start3A_532 = arith.constant 0 : i32
    %dma_start3A_533 = arith.constant 0 : i32
    %dma_start3A_534 = tpu.memref_slice %arg6[%dma_start3A_531, %dma_start3A_532, %dma_start3A_533] : memref<5x64x384xf32, #tpu.memory_space<vmem>> -> memref<1x64x384xf32, #tpu.memory_space<vmem>>
    %dma_start3A_535 = tpu.memref_squeeze %dma_start3A_534 : memref<1x64x384xf32, #tpu.memory_space<vmem>> -> memref<64x384xf32, #tpu.memory_space<vmem>>
    %dma_start3A_536 = arith.constant 896 : i32
    %dma_start3A_537 = tpu.memref_slice %arg5[%dma_start3A_536] : memref<1024xi32, #tpu.memory_space<vmem>> -> memref<64xi32, #tpu.memory_space<vmem>>
    %dma_start3A_538 = arith.constant 0 : i32
    %dma_start3A_539 = arith.constant 0 : i32
    %dma_start3A_540 = tpu.memref_slice %arg3[%dma_start3A_538, %dma_start3A_539] : memref<4096x384xf32, #tpu.memory_space<hbm>> -> memref<4096x384xf32, #tpu.memory_space<hbm>>
    tpu.enqueue_indirect_dma source(%dma_start3A_540 : memref<4096x384xf32, #tpu.memory_space<hbm>>) target(%dma_start3A_535 : memref<64x384xf32, #tpu.memory_space<vmem>>) offsets(%dma_start3A_537 : memref<64xi32, #tpu.memory_space<vmem>>) semaphore(%arg7 : memref<!tpu.dma_semaphore, #tpu.memory_space<semaphore_mem>>)
    %add3A_541 = arith.constant 640 : i32
    %add3A_542 = arith.addi %mul3A_2, %add3A_541 : i32
    %dma_start3A_543 = arith.constant 0 : i32
    %dma_start3A_544 = arith.constant 0 : i32
    %dma_start3A_545 = arith.constant 0 : i32
    %dma_start3A_546 = tpu.memref_slice %arg6[%dma_start3A_543, %dma_start3A_544, %dma_start3A_545] : memref<5x64x384xf32, #tpu.memory_space<vmem>> -> memref<1x64x384xf32, #tpu.memory_space<vmem>>
    %dma_start3A_547 = tpu.memref_squeeze %dma_start3A_546 : memref<1x64x384xf32, #tpu.memory_space<vmem>> -> memref<64x384xf32, #tpu.memory_space<vmem>>
    %dma_start3A_548 = arith.constant 0 : i32
    %dma_start3A_549 = tpu.memref_slice %arg4[%add3A_542, %dma_start3A_548] : memref<32768x384xf32, #tpu.memory_space<hbm>> -> memref<64x384xf32, #tpu.memory_space<hbm>>
    %dma_start3A_550 = arith.constant 0 : i32
    %dma_start3A_551 = tpu.memref_slice %arg4[%add3A_542, %dma_start3A_550] : memref<32768x384xf32, #tpu.memory_space<hbm>> -> memref<64x384xf32, #tpu.memory_space<hbm>>
    %dma_start3A_552 = arith.constant 0 : i32
    %dma_start3A_553 = arith.constant 0 : i32
    %dma_start3A_554 = tpu.memref_slice %arg6[%dma_start3A_543, %dma_start3A_552, %dma_start3A_553] : memref<5x64x384xf32, #tpu.memory_space<vmem>> -> memref<1x64x384xf32, #tpu.memory_space<vmem>>
    %dma_start3A_555 = tpu.memref_squeeze %dma_start3A_554 : memref<1x64x384xf32, #tpu.memory_space<vmem>> -> memref<64x384xf32, #tpu.memory_space<vmem>>
    tpu.enqueue_dma source(%dma_start3A_555 : memref<64x384xf32, #tpu.memory_space<vmem>>) target(%dma_start3A_551 : memref<64x384xf32, #tpu.memory_space<hbm>>) target_semaphore(%arg8 : memref<!tpu.dma_semaphore, #tpu.memory_space<semaphore_mem>>)
    %dma_wait3A_556 = arith.constant 1 : i32
    %dma_wait3A_557 = arith.constant 0 : i32
    %dma_wait3A_558 = arith.constant 0 : i32
    %dma_wait3A_559 = tpu.memref_slice %arg6[%dma_wait3A_556, %dma_wait3A_557, %dma_wait3A_558] : memref<5x64x384xf32, #tpu.memory_space<vmem>> -> memref<1x64x384xf32, #tpu.memory_space<vmem>>
    %dma_wait3A_560 = tpu.memref_squeeze %dma_wait3A_559 : memref<1x64x384xf32, #tpu.memory_space<vmem>> -> memref<64x384xf32, #tpu.memory_space<vmem>>
    %dma_wait3A_561 = arith.constant 704 : i32
    %dma_wait3A_562 = tpu.memref_slice %arg5[%dma_wait3A_561] : memref<1024xi32, #tpu.memory_space<vmem>> -> memref<64xi32, #tpu.memory_space<vmem>>
    %dma_wait3A_563 = arith.constant 0 : i32
    %dma_wait3A_564 = arith.constant 0 : i32
    %dma_wait3A_565 = tpu.memref_slice %arg3[%dma_wait3A_563, %dma_wait3A_564] : memref<4096x384xf32, #tpu.memory_space<hbm>> -> memref<4096x384xf32, #tpu.memory_space<hbm>>
    tpu.wait_indirect_dma semaphore(%arg7 : memref<!tpu.dma_semaphore, #tpu.memory_space<semaphore_mem>>) src(%dma_wait3A_565 : memref<4096x384xf32, #tpu.memory_space<hbm>>) dst(%dma_wait3A_560 : memref<64x384xf32, #tpu.memory_space<vmem>>)
    %dma_wait3A_566 = arith.constant 0 : i32
    %dma_wait3A_567 = arith.constant 0 : i32
    %dma_wait3A_568 = arith.constant 0 : i32
    %dma_wait3A_569 = tpu.memref_slice %arg6[%dma_wait3A_566, %dma_wait3A_567, %dma_wait3A_568] : memref<5x64x384xf32, #tpu.memory_space<vmem>> -> memref<1x64x384xf32, #tpu.memory_space<vmem>>
    %dma_wait3A_570 = tpu.memref_squeeze %dma_wait3A_569 : memref<1x64x384xf32, #tpu.memory_space<vmem>> -> memref<64x384xf32, #tpu.memory_space<vmem>>
    %dma_wait3A_571 = arith.constant 0 : i32
    %dma_wait3A_572 = tpu.memref_slice %arg4[%add3A_542, %dma_wait3A_571] : memref<32768x384xf32, #tpu.memory_space<hbm>> -> memref<64x384xf32, #tpu.memory_space<hbm>>
    %dma_wait3A_573 = arith.constant 0 : i32
    %dma_wait3A_574 = tpu.memref_slice %arg4[%add3A_542, %dma_wait3A_573] : memref<32768x384xf32, #tpu.memory_space<hbm>> -> memref<64x384xf32, #tpu.memory_space<hbm>>
    %dma_wait3A_575 = arith.constant 0 : i32
    %dma_wait3A_576 = arith.constant 0 : i32
    %dma_wait3A_577 = tpu.memref_slice %arg6[%dma_wait3A_566, %dma_wait3A_575, %dma_wait3A_576] : memref<5x64x384xf32, #tpu.memory_space<vmem>> -> memref<1x64x384xf32, #tpu.memory_space<vmem>>
    %dma_wait3A_578 = tpu.memref_squeeze %dma_wait3A_577 : memref<1x64x384xf32, #tpu.memory_space<vmem>> -> memref<64x384xf32, #tpu.memory_space<vmem>>
    tpu.wait_dma2 semaphore(%arg8 : memref<!tpu.dma_semaphore, #tpu.memory_space<semaphore_mem>>) src(%dma_wait3A_578 : memref<64x384xf32, #tpu.memory_space<vmem>>) dst(%dma_wait3A_574 : memref<64x384xf32, #tpu.memory_space<hbm>>)
    %dma_start3A_579 = arith.constant 0 : i32
    %dma_start3A_580 = arith.constant 0 : i32
    %dma_start3A_581 = arith.constant 0 : i32
    %dma_start3A_582 = tpu.memref_slice %arg6[%dma_start3A_579, %dma_start3A_580, %dma_start3A_581] : memref<5x64x384xf32, #tpu.memory_space<vmem>> -> memref<1x64x384xf32, #tpu.memory_space<vmem>>
    %dma_start3A_583 = tpu.memref_squeeze %dma_start3A_582 : memref<1x64x384xf32, #tpu.memory_space<vmem>> -> memref<64x384xf32, #tpu.memory_space<vmem>>
    %dma_start3A_584 = arith.constant 960 : i32
    %dma_start3A_585 = tpu.memref_slice %arg5[%dma_start3A_584] : memref<1024xi32, #tpu.memory_space<vmem>> -> memref<64xi32, #tpu.memory_space<vmem>>
    %dma_start3A_586 = arith.constant 0 : i32
    %dma_start3A_587 = arith.constant 0 : i32
    %dma_start3A_588 = tpu.memref_slice %arg3[%dma_start3A_586, %dma_start3A_587] : memref<4096x384xf32, #tpu.memory_space<hbm>> -> memref<4096x384xf32, #tpu.memory_space<hbm>>
    tpu.enqueue_indirect_dma source(%dma_start3A_588 : memref<4096x384xf32, #tpu.memory_space<hbm>>) target(%dma_start3A_583 : memref<64x384xf32, #tpu.memory_space<vmem>>) offsets(%dma_start3A_585 : memref<64xi32, #tpu.memory_space<vmem>>) semaphore(%arg7 : memref<!tpu.dma_semaphore, #tpu.memory_space<semaphore_mem>>)
    %add3A_589 = arith.constant 704 : i32
    %add3A_590 = arith.addi %mul3A_2, %add3A_589 : i32
    %dma_start3A_591 = arith.constant 1 : i32
    %dma_start3A_592 = arith.constant 0 : i32
    %dma_start3A_593 = arith.constant 0 : i32
    %dma_start3A_594 = tpu.memref_slice %arg6[%dma_start3A_591, %dma_start3A_592, %dma_start3A_593] : memref<5x64x384xf32, #tpu.memory_space<vmem>> -> memref<1x64x384xf32, #tpu.memory_space<vmem>>
    %dma_start3A_595 = tpu.memref_squeeze %dma_start3A_594 : memref<1x64x384xf32, #tpu.memory_space<vmem>> -> memref<64x384xf32, #tpu.memory_space<vmem>>
    %dma_start3A_596 = arith.constant 0 : i32
    %dma_start3A_597 = tpu.memref_slice %arg4[%add3A_590, %dma_start3A_596] : memref<32768x384xf32, #tpu.memory_space<hbm>> -> memref<64x384xf32, #tpu.memory_space<hbm>>
    %dma_start3A_598 = arith.constant 0 : i32
    %dma_start3A_599 = tpu.memref_slice %arg4[%add3A_590, %dma_start3A_598] : memref<32768x384xf32, #tpu.memory_space<hbm>> -> memref<64x384xf32, #tpu.memory_space<hbm>>
    %dma_start3A_600 = arith.constant 0 : i32
    %dma_start3A_601 = arith.constant 0 : i32
    %dma_start3A_602 = tpu.memref_slice %arg6[%dma_start3A_591, %dma_start3A_600, %dma_start3A_601] : memref<5x64x384xf32, #tpu.memory_space<vmem>> -> memref<1x64x384xf32, #tpu.memory_space<vmem>>
    %dma_start3A_603 = tpu.memref_squeeze %dma_start3A_602 : memref<1x64x384xf32, #tpu.memory_space<vmem>> -> memref<64x384xf32, #tpu.memory_space<vmem>>
    tpu.enqueue_dma source(%dma_start3A_603 : memref<64x384xf32, #tpu.memory_space<vmem>>) target(%dma_start3A_599 : memref<64x384xf32, #tpu.memory_space<hbm>>) target_semaphore(%arg8 : memref<!tpu.dma_semaphore, #tpu.memory_space<semaphore_mem>>)
    %dma_wait3A_604 = arith.constant 2 : i32
    %dma_wait3A_605 = arith.constant 0 : i32
    %dma_wait3A_606 = arith.constant 0 : i32
    %dma_wait3A_607 = tpu.memref_slice %arg6[%dma_wait3A_604, %dma_wait3A_605, %dma_wait3A_606] : memref<5x64x384xf32, #tpu.memory_space<vmem>> -> memref<1x64x384xf32, #tpu.memory_space<vmem>>
    %dma_wait3A_608 = tpu.memref_squeeze %dma_wait3A_607 : memref<1x64x384xf32, #tpu.memory_space<vmem>> -> memref<64x384xf32, #tpu.memory_space<vmem>>
    %dma_wait3A_609 = arith.constant 768 : i32
    %dma_wait3A_610 = tpu.memref_slice %arg5[%dma_wait3A_609] : memref<1024xi32, #tpu.memory_space<vmem>> -> memref<64xi32, #tpu.memory_space<vmem>>
    %dma_wait3A_611 = arith.constant 0 : i32
    %dma_wait3A_612 = arith.constant 0 : i32
    %dma_wait3A_613 = tpu.memref_slice %arg3[%dma_wait3A_611, %dma_wait3A_612] : memref<4096x384xf32, #tpu.memory_space<hbm>> -> memref<4096x384xf32, #tpu.memory_space<hbm>>
    tpu.wait_indirect_dma semaphore(%arg7 : memref<!tpu.dma_semaphore, #tpu.memory_space<semaphore_mem>>) src(%dma_wait3A_613 : memref<4096x384xf32, #tpu.memory_space<hbm>>) dst(%dma_wait3A_608 : memref<64x384xf32, #tpu.memory_space<vmem>>)
    %add3A_614 = arith.constant 768 : i32
    %add3A_615 = arith.addi %mul3A_2, %add3A_614 : i32
    %dma_start3A_616 = arith.constant 2 : i32
    %dma_start3A_617 = arith.constant 0 : i32
    %dma_start3A_618 = arith.constant 0 : i32
    %dma_start3A_619 = tpu.memref_slice %arg6[%dma_start3A_616, %dma_start3A_617, %dma_start3A_618] : memref<5x64x384xf32, #tpu.memory_space<vmem>> -> memref<1x64x384xf32, #tpu.memory_space<vmem>>
    %dma_start3A_620 = tpu.memref_squeeze %dma_start3A_619 : memref<1x64x384xf32, #tpu.memory_space<vmem>> -> memref<64x384xf32, #tpu.memory_space<vmem>>
    %dma_start3A_621 = arith.constant 0 : i32
    %dma_start3A_622 = tpu.memref_slice %arg4[%add3A_615, %dma_start3A_621] : memref<32768x384xf32, #tpu.memory_space<hbm>> -> memref<64x384xf32, #tpu.memory_space<hbm>>
    %dma_start3A_623 = arith.constant 0 : i32
    %dma_start3A_624 = tpu.memref_slice %arg4[%add3A_615, %dma_start3A_623] : memref<32768x384xf32, #tpu.memory_space<hbm>> -> memref<64x384xf32, #tpu.memory_space<hbm>>
    %dma_start3A_625 = arith.constant 0 : i32
    %dma_start3A_626 = arith.constant 0 : i32
    %dma_start3A_627 = tpu.memref_slice %arg6[%dma_start3A_616, %dma_start3A_625, %dma_start3A_626] : memref<5x64x384xf32, #tpu.memory_space<vmem>> -> memref<1x64x384xf32, #tpu.memory_space<vmem>>
    %dma_start3A_628 = tpu.memref_squeeze %dma_start3A_627 : memref<1x64x384xf32, #tpu.memory_space<vmem>> -> memref<64x384xf32, #tpu.memory_space<vmem>>
    tpu.enqueue_dma source(%dma_start3A_628 : memref<64x384xf32, #tpu.memory_space<vmem>>) target(%dma_start3A_624 : memref<64x384xf32, #tpu.memory_space<hbm>>) target_semaphore(%arg8 : memref<!tpu.dma_semaphore, #tpu.memory_space<semaphore_mem>>)
    %dma_wait3A_629 = arith.constant 3 : i32
    %dma_wait3A_630 = arith.constant 0 : i32
    %dma_wait3A_631 = arith.constant 0 : i32
    %dma_wait3A_632 = tpu.memref_slice %arg6[%dma_wait3A_629, %dma_wait3A_630, %dma_wait3A_631] : memref<5x64x384xf32, #tpu.memory_space<vmem>> -> memref<1x64x384xf32, #tpu.memory_space<vmem>>
    %dma_wait3A_633 = tpu.memref_squeeze %dma_wait3A_632 : memref<1x64x384xf32, #tpu.memory_space<vmem>> -> memref<64x384xf32, #tpu.memory_space<vmem>>
    %dma_wait3A_634 = arith.constant 832 : i32
    %dma_wait3A_635 = tpu.memref_slice %arg5[%dma_wait3A_634] : memref<1024xi32, #tpu.memory_space<vmem>> -> memref<64xi32, #tpu.memory_space<vmem>>
    %dma_wait3A_636 = arith.constant 0 : i32
    %dma_wait3A_637 = arith.constant 0 : i32
    %dma_wait3A_638 = tpu.memref_slice %arg3[%dma_wait3A_636, %dma_wait3A_637] : memref<4096x384xf32, #tpu.memory_space<hbm>> -> memref<4096x384xf32, #tpu.memory_space<hbm>>
    tpu.wait_indirect_dma semaphore(%arg7 : memref<!tpu.dma_semaphore, #tpu.memory_space<semaphore_mem>>) src(%dma_wait3A_638 : memref<4096x384xf32, #tpu.memory_space<hbm>>) dst(%dma_wait3A_633 : memref<64x384xf32, #tpu.memory_space<vmem>>)
    %add3A_639 = arith.constant 832 : i32
    %add3A_640 = arith.addi %mul3A_2, %add3A_639 : i32
    %dma_start3A_641 = arith.constant 3 : i32
    %dma_start3A_642 = arith.constant 0 : i32
    %dma_start3A_643 = arith.constant 0 : i32
    %dma_start3A_644 = tpu.memref_slice %arg6[%dma_start3A_641, %dma_start3A_642, %dma_start3A_643] : memref<5x64x384xf32, #tpu.memory_space<vmem>> -> memref<1x64x384xf32, #tpu.memory_space<vmem>>
    %dma_start3A_645 = tpu.memref_squeeze %dma_start3A_644 : memref<1x64x384xf32, #tpu.memory_space<vmem>> -> memref<64x384xf32, #tpu.memory_space<vmem>>
    %dma_start3A_646 = arith.constant 0 : i32
    %dma_start3A_647 = tpu.memref_slice %arg4[%add3A_640, %dma_start3A_646] : memref<32768x384xf32, #tpu.memory_space<hbm>> -> memref<64x384xf32, #tpu.memory_space<hbm>>
    %dma_start3A_648 = arith.constant 0 : i32
    %dma_start3A_649 = tpu.memref_slice %arg4[%add3A_640, %dma_start3A_648] : memref<32768x384xf32, #tpu.memory_space<hbm>> -> memref<64x384xf32, #tpu.memory_space<hbm>>
    %dma_start3A_650 = arith.constant 0 : i32
    %dma_start3A_651 = arith.constant 0 : i32
    %dma_start3A_652 = tpu.memref_slice %arg6[%dma_start3A_641, %dma_start3A_650, %dma_start3A_651] : memref<5x64x384xf32, #tpu.memory_space<vmem>> -> memref<1x64x384xf32, #tpu.memory_space<vmem>>
    %dma_start3A_653 = tpu.memref_squeeze %dma_start3A_652 : memref<1x64x384xf32, #tpu.memory_space<vmem>> -> memref<64x384xf32, #tpu.memory_space<vmem>>
    tpu.enqueue_dma source(%dma_start3A_653 : memref<64x384xf32, #tpu.memory_space<vmem>>) target(%dma_start3A_649 : memref<64x384xf32, #tpu.memory_space<hbm>>) target_semaphore(%arg8 : memref<!tpu.dma_semaphore, #tpu.memory_space<semaphore_mem>>)
    %dma_wait3A_654 = arith.constant 4 : i32
    %dma_wait3A_655 = arith.constant 0 : i32
    %dma_wait3A_656 = arith.constant 0 : i32
    %dma_wait3A_657 = tpu.memref_slice %arg6[%dma_wait3A_654, %dma_wait3A_655, %dma_wait3A_656] : memref<5x64x384xf32, #tpu.memory_space<vmem>> -> memref<1x64x384xf32, #tpu.memory_space<vmem>>
    %dma_wait3A_658 = tpu.memref_squeeze %dma_wait3A_657 : memref<1x64x384xf32, #tpu.memory_space<vmem>> -> memref<64x384xf32, #tpu.memory_space<vmem>>
    %dma_wait3A_659 = arith.constant 896 : i32
    %dma_wait3A_660 = tpu.memref_slice %arg5[%dma_wait3A_659] : memref<1024xi32, #tpu.memory_space<vmem>> -> memref<64xi32, #tpu.memory_space<vmem>>
    %dma_wait3A_661 = arith.constant 0 : i32
    %dma_wait3A_662 = arith.constant 0 : i32
    %dma_wait3A_663 = tpu.memref_slice %arg3[%dma_wait3A_661, %dma_wait3A_662] : memref<4096x384xf32, #tpu.memory_space<hbm>> -> memref<4096x384xf32, #tpu.memory_space<hbm>>
    tpu.wait_indirect_dma semaphore(%arg7 : memref<!tpu.dma_semaphore, #tpu.memory_space<semaphore_mem>>) src(%dma_wait3A_663 : memref<4096x384xf32, #tpu.memory_space<hbm>>) dst(%dma_wait3A_658 : memref<64x384xf32, #tpu.memory_space<vmem>>)
    %add3A_664 = arith.constant 896 : i32
    %add3A_665 = arith.addi %mul3A_2, %add3A_664 : i32
    %dma_start3A_666 = arith.constant 4 : i32
    %dma_start3A_667 = arith.constant 0 : i32
    %dma_start3A_668 = arith.constant 0 : i32
    %dma_start3A_669 = tpu.memref_slice %arg6[%dma_start3A_666, %dma_start3A_667, %dma_start3A_668] : memref<5x64x384xf32, #tpu.memory_space<vmem>> -> memref<1x64x384xf32, #tpu.memory_space<vmem>>
    %dma_start3A_670 = tpu.memref_squeeze %dma_start3A_669 : memref<1x64x384xf32, #tpu.memory_space<vmem>> -> memref<64x384xf32, #tpu.memory_space<vmem>>
    %dma_start3A_671 = arith.constant 0 : i32
    %dma_start3A_672 = tpu.memref_slice %arg4[%add3A_665, %dma_start3A_671] : memref<32768x384xf32, #tpu.memory_space<hbm>> -> memref<64x384xf32, #tpu.memory_space<hbm>>
    %dma_start3A_673 = arith.constant 0 : i32
    %dma_start3A_674 = tpu.memref_slice %arg4[%add3A_665, %dma_start3A_673] : memref<32768x384xf32, #tpu.memory_space<hbm>> -> memref<64x384xf32, #tpu.memory_space<hbm>>
    %dma_start3A_675 = arith.constant 0 : i32
    %dma_start3A_676 = arith.constant 0 : i32
    %dma_start3A_677 = tpu.memref_slice %arg6[%dma_start3A_666, %dma_start3A_675, %dma_start3A_676] : memref<5x64x384xf32, #tpu.memory_space<vmem>> -> memref<1x64x384xf32, #tpu.memory_space<vmem>>
    %dma_start3A_678 = tpu.memref_squeeze %dma_start3A_677 : memref<1x64x384xf32, #tpu.memory_space<vmem>> -> memref<64x384xf32, #tpu.memory_space<vmem>>
    tpu.enqueue_dma source(%dma_start3A_678 : memref<64x384xf32, #tpu.memory_space<vmem>>) target(%dma_start3A_674 : memref<64x384xf32, #tpu.memory_space<hbm>>) target_semaphore(%arg8 : memref<!tpu.dma_semaphore, #tpu.memory_space<semaphore_mem>>)
    %dma_wait3A_679 = arith.constant 0 : i32
    %dma_wait3A_680 = arith.constant 0 : i32
    %dma_wait3A_681 = arith.constant 0 : i32
    %dma_wait3A_682 = tpu.memref_slice %arg6[%dma_wait3A_679, %dma_wait3A_680, %dma_wait3A_681] : memref<5x64x384xf32, #tpu.memory_space<vmem>> -> memref<1x64x384xf32, #tpu.memory_space<vmem>>
    %dma_wait3A_683 = tpu.memref_squeeze %dma_wait3A_682 : memref<1x64x384xf32, #tpu.memory_space<vmem>> -> memref<64x384xf32, #tpu.memory_space<vmem>>
    %dma_wait3A_684 = arith.constant 960 : i32
    %dma_wait3A_685 = tpu.memref_slice %arg5[%dma_wait3A_684] : memref<1024xi32, #tpu.memory_space<vmem>> -> memref<64xi32, #tpu.memory_space<vmem>>
    %dma_wait3A_686 = arith.constant 0 : i32
    %dma_wait3A_687 = arith.constant 0 : i32
    %dma_wait3A_688 = tpu.memref_slice %arg3[%dma_wait3A_686, %dma_wait3A_687] : memref<4096x384xf32, #tpu.memory_space<hbm>> -> memref<4096x384xf32, #tpu.memory_space<hbm>>
    tpu.wait_indirect_dma semaphore(%arg7 : memref<!tpu.dma_semaphore, #tpu.memory_space<semaphore_mem>>) src(%dma_wait3A_688 : memref<4096x384xf32, #tpu.memory_space<hbm>>) dst(%dma_wait3A_683 : memref<64x384xf32, #tpu.memory_space<vmem>>)
    %add3A_689 = arith.constant 960 : i32
    %add3A_690 = arith.addi %mul3A_2, %add3A_689 : i32
    %dma_start3A_691 = arith.constant 0 : i32
    %dma_start3A_692 = arith.constant 0 : i32
    %dma_start3A_693 = arith.constant 0 : i32
    %dma_start3A_694 = tpu.memref_slice %arg6[%dma_start3A_691, %dma_start3A_692, %dma_start3A_693] : memref<5x64x384xf32, #tpu.memory_space<vmem>> -> memref<1x64x384xf32, #tpu.memory_space<vmem>>
    %dma_start3A_695 = tpu.memref_squeeze %dma_start3A_694 : memref<1x64x384xf32, #tpu.memory_space<vmem>> -> memref<64x384xf32, #tpu.memory_space<vmem>>
    %dma_start3A_696 = arith.constant 0 : i32
    %dma_start3A_697 = tpu.memref_slice %arg4[%add3A_690, %dma_start3A_696] : memref<32768x384xf32, #tpu.memory_space<hbm>> -> memref<64x384xf32, #tpu.memory_space<hbm>>
    %dma_start3A_698 = arith.constant 0 : i32
    %dma_start3A_699 = tpu.memref_slice %arg4[%add3A_690, %dma_start3A_698] : memref<32768x384xf32, #tpu.memory_space<hbm>> -> memref<64x384xf32, #tpu.memory_space<hbm>>
    %dma_start3A_700 = arith.constant 0 : i32
    %dma_start3A_701 = arith.constant 0 : i32
    %dma_start3A_702 = tpu.memref_slice %arg6[%dma_start3A_691, %dma_start3A_700, %dma_start3A_701] : memref<5x64x384xf32, #tpu.memory_space<vmem>> -> memref<1x64x384xf32, #tpu.memory_space<vmem>>
    %dma_start3A_703 = tpu.memref_squeeze %dma_start3A_702 : memref<1x64x384xf32, #tpu.memory_space<vmem>> -> memref<64x384xf32, #tpu.memory_space<vmem>>
    tpu.enqueue_dma source(%dma_start3A_703 : memref<64x384xf32, #tpu.memory_space<vmem>>) target(%dma_start3A_699 : memref<64x384xf32, #tpu.memory_space<hbm>>) target_semaphore(%arg8 : memref<!tpu.dma_semaphore, #tpu.memory_space<semaphore_mem>>)
    %dma_wait3A_704 = arith.constant 1 : i32
    %dma_wait3A_705 = arith.constant 0 : i32
    %dma_wait3A_706 = arith.constant 0 : i32
    %dma_wait3A_707 = tpu.memref_slice %arg6[%dma_wait3A_704, %dma_wait3A_705, %dma_wait3A_706] : memref<5x64x384xf32, #tpu.memory_space<vmem>> -> memref<1x64x384xf32, #tpu.memory_space<vmem>>
    %dma_wait3A_708 = tpu.memref_squeeze %dma_wait3A_707 : memref<1x64x384xf32, #tpu.memory_space<vmem>> -> memref<64x384xf32, #tpu.memory_space<vmem>>
    %dma_wait3A_709 = arith.constant 0 : i32
    %dma_wait3A_710 = tpu.memref_slice %arg4[%add3A_590, %dma_wait3A_709] : memref<32768x384xf32, #tpu.memory_space<hbm>> -> memref<64x384xf32, #tpu.memory_space<hbm>>
    %dma_wait3A_711 = arith.constant 0 : i32
    %dma_wait3A_712 = tpu.memref_slice %arg4[%add3A_590, %dma_wait3A_711] : memref<32768x384xf32, #tpu.memory_space<hbm>> -> memref<64x384xf32, #tpu.memory_space<hbm>>
    %dma_wait3A_713 = arith.constant 0 : i32
    %dma_wait3A_714 = arith.constant 0 : i32
    %dma_wait3A_715 = tpu.memref_slice %arg6[%dma_wait3A_704, %dma_wait3A_713, %dma_wait3A_714] : memref<5x64x384xf32, #tpu.memory_space<vmem>> -> memref<1x64x384xf32, #tpu.memory_space<vmem>>
    %dma_wait3A_716 = tpu.memref_squeeze %dma_wait3A_715 : memref<1x64x384xf32, #tpu.memory_space<vmem>> -> memref<64x384xf32, #tpu.memory_space<vmem>>
    tpu.wait_dma2 semaphore(%arg8 : memref<!tpu.dma_semaphore, #tpu.memory_space<semaphore_mem>>) src(%dma_wait3A_716 : memref<64x384xf32, #tpu.memory_space<vmem>>) dst(%dma_wait3A_712 : memref<64x384xf32, #tpu.memory_space<hbm>>)
    %dma_wait3A_717 = arith.constant 2 : i32
    %dma_wait3A_718 = arith.constant 0 : i32
    %dma_wait3A_719 = arith.constant 0 : i32
    %dma_wait3A_720 = tpu.memref_slice %arg6[%dma_wait3A_717, %dma_wait3A_718, %dma_wait3A_719] : memref<5x64x384xf32, #tpu.memory_space<vmem>> -> memref<1x64x384xf32, #tpu.memory_space<vmem>>
    %dma_wait3A_721 = tpu.memref_squeeze %dma_wait3A_720 : memref<1x64x384xf32, #tpu.memory_space<vmem>> -> memref<64x384xf32, #tpu.memory_space<vmem>>
    %dma_wait3A_722 = arith.constant 0 : i32
    %dma_wait3A_723 = tpu.memref_slice %arg4[%add3A_615, %dma_wait3A_722] : memref<32768x384xf32, #tpu.memory_space<hbm>> -> memref<64x384xf32, #tpu.memory_space<hbm>>
    %dma_wait3A_724 = arith.constant 0 : i32
    %dma_wait3A_725 = tpu.memref_slice %arg4[%add3A_615, %dma_wait3A_724] : memref<32768x384xf32, #tpu.memory_space<hbm>> -> memref<64x384xf32, #tpu.memory_space<hbm>>
    %dma_wait3A_726 = arith.constant 0 : i32
    %dma_wait3A_727 = arith.constant 0 : i32
    %dma_wait3A_728 = tpu.memref_slice %arg6[%dma_wait3A_717, %dma_wait3A_726, %dma_wait3A_727] : memref<5x64x384xf32, #tpu.memory_space<vmem>> -> memref<1x64x384xf32, #tpu.memory_space<vmem>>
    %dma_wait3A_729 = tpu.memref_squeeze %dma_wait3A_728 : memref<1x64x384xf32, #tpu.memory_space<vmem>> -> memref<64x384xf32, #tpu.memory_space<vmem>>
    tpu.wait_dma2 semaphore(%arg8 : memref<!tpu.dma_semaphore, #tpu.memory_space<semaphore_mem>>) src(%dma_wait3A_729 : memref<64x384xf32, #tpu.memory_space<vmem>>) dst(%dma_wait3A_725 : memref<64x384xf32, #tpu.memory_space<hbm>>)
    %dma_wait3A_730 = arith.constant 3 : i32
    %dma_wait3A_731 = arith.constant 0 : i32
    %dma_wait3A_732 = arith.constant 0 : i32
    %dma_wait3A_733 = tpu.memref_slice %arg6[%dma_wait3A_730, %dma_wait3A_731, %dma_wait3A_732] : memref<5x64x384xf32, #tpu.memory_space<vmem>> -> memref<1x64x384xf32, #tpu.memory_space<vmem>>
    %dma_wait3A_734 = tpu.memref_squeeze %dma_wait3A_733 : memref<1x64x384xf32, #tpu.memory_space<vmem>> -> memref<64x384xf32, #tpu.memory_space<vmem>>
    %dma_wait3A_735 = arith.constant 0 : i32
    %dma_wait3A_736 = tpu.memref_slice %arg4[%add3A_640, %dma_wait3A_735] : memref<32768x384xf32, #tpu.memory_space<hbm>> -> memref<64x384xf32, #tpu.memory_space<hbm>>
    %dma_wait3A_737 = arith.constant 0 : i32
    %dma_wait3A_738 = tpu.memref_slice %arg4[%add3A_640, %dma_wait3A_737] : memref<32768x384xf32, #tpu.memory_space<hbm>> -> memref<64x384xf32, #tpu.memory_space<hbm>>
    %dma_wait3A_739 = arith.constant 0 : i32
    %dma_wait3A_740 = arith.constant 0 : i32
    %dma_wait3A_741 = tpu.memref_slice %arg6[%dma_wait3A_730, %dma_wait3A_739, %dma_wait3A_740] : memref<5x64x384xf32, #tpu.memory_space<vmem>> -> memref<1x64x384xf32, #tpu.memory_space<vmem>>
    %dma_wait3A_742 = tpu.memref_squeeze %dma_wait3A_741 : memref<1x64x384xf32, #tpu.memory_space<vmem>> -> memref<64x384xf32, #tpu.memory_space<vmem>>
    tpu.wait_dma2 semaphore(%arg8 : memref<!tpu.dma_semaphore, #tpu.memory_space<semaphore_mem>>) src(%dma_wait3A_742 : memref<64x384xf32, #tpu.memory_space<vmem>>) dst(%dma_wait3A_738 : memref<64x384xf32, #tpu.memory_space<hbm>>)
    %dma_wait3A_743 = arith.constant 4 : i32
    %dma_wait3A_744 = arith.constant 0 : i32
    %dma_wait3A_745 = arith.constant 0 : i32
    %dma_wait3A_746 = tpu.memref_slice %arg6[%dma_wait3A_743, %dma_wait3A_744, %dma_wait3A_745] : memref<5x64x384xf32, #tpu.memory_space<vmem>> -> memref<1x64x384xf32, #tpu.memory_space<vmem>>
    %dma_wait3A_747 = tpu.memref_squeeze %dma_wait3A_746 : memref<1x64x384xf32, #tpu.memory_space<vmem>> -> memref<64x384xf32, #tpu.memory_space<vmem>>
    %dma_wait3A_748 = arith.constant 0 : i32
    %dma_wait3A_749 = tpu.memref_slice %arg4[%add3A_665, %dma_wait3A_748] : memref<32768x384xf32, #tpu.memory_space<hbm>> -> memref<64x384xf32, #tpu.memory_space<hbm>>
    %dma_wait3A_750 = arith.constant 0 : i32
    %dma_wait3A_751 = tpu.memref_slice %arg4[%add3A_665, %dma_wait3A_750] : memref<32768x384xf32, #tpu.memory_space<hbm>> -> memref<64x384xf32, #tpu.memory_space<hbm>>
    %dma_wait3A_752 = arith.constant 0 : i32
    %dma_wait3A_753 = arith.constant 0 : i32
    %dma_wait3A_754 = tpu.memref_slice %arg6[%dma_wait3A_743, %dma_wait3A_752, %dma_wait3A_753] : memref<5x64x384xf32, #tpu.memory_space<vmem>> -> memref<1x64x384xf32, #tpu.memory_space<vmem>>
    %dma_wait3A_755 = tpu.memref_squeeze %dma_wait3A_754 : memref<1x64x384xf32, #tpu.memory_space<vmem>> -> memref<64x384xf32, #tpu.memory_space<vmem>>
    tpu.wait_dma2 semaphore(%arg8 : memref<!tpu.dma_semaphore, #tpu.memory_space<semaphore_mem>>) src(%dma_wait3A_755 : memref<64x384xf32, #tpu.memory_space<vmem>>) dst(%dma_wait3A_751 : memref<64x384xf32, #tpu.memory_space<hbm>>)
    %dma_wait3A_756 = arith.constant 0 : i32
    %dma_wait3A_757 = arith.constant 0 : i32
    %dma_wait3A_758 = arith.constant 0 : i32
    %dma_wait3A_759 = tpu.memref_slice %arg6[%dma_wait3A_756, %dma_wait3A_757, %dma_wait3A_758] : memref<5x64x384xf32, #tpu.memory_space<vmem>> -> memref<1x64x384xf32, #tpu.memory_space<vmem>>
    %dma_wait3A_760 = tpu.memref_squeeze %dma_wait3A_759 : memref<1x64x384xf32, #tpu.memory_space<vmem>> -> memref<64x384xf32, #tpu.memory_space<vmem>>
    %dma_wait3A_761 = arith.constant 0 : i32
    %dma_wait3A_762 = tpu.memref_slice %arg4[%add3A_690, %dma_wait3A_761] : memref<32768x384xf32, #tpu.memory_space<hbm>> -> memref<64x384xf32, #tpu.memory_space<hbm>>
    %dma_wait3A_763 = arith.constant 0 : i32
    %dma_wait3A_764 = tpu.memref_slice %arg4[%add3A_690, %dma_wait3A_763] : memref<32768x384xf32, #tpu.memory_space<hbm>> -> memref<64x384xf32, #tpu.memory_space<hbm>>
    %dma_wait3A_765 = arith.constant 0 : i32
    %dma_wait3A_766 = arith.constant 0 : i32
    %dma_wait3A_767 = tpu.memref_slice %arg6[%dma_wait3A_756, %dma_wait3A_765, %dma_wait3A_766] : memref<5x64x384xf32, #tpu.memory_space<vmem>> -> memref<1x64x384xf32, #tpu.memory_space<vmem>>
    %dma_wait3A_768 = tpu.memref_squeeze %dma_wait3A_767 : memref<1x64x384xf32, #tpu.memory_space<vmem>> -> memref<64x384xf32, #tpu.memory_space<vmem>>
    tpu.wait_dma2 semaphore(%arg8 : memref<!tpu.dma_semaphore, #tpu.memory_space<semaphore_mem>>) src(%dma_wait3A_768 : memref<64x384xf32, #tpu.memory_space<vmem>>) dst(%dma_wait3A_764 : memref<64x384xf32, #tpu.memory_space<hbm>>)
    return
  }
}

module attributes {stable_mosaic.version = 14 : i64} {
  func.func @_prep_body(%arg0: memref<128x384xf32, #tpu.memory_space<vmem>>, %arg1: memref<32x384xf32, #tpu.memory_space<vmem>>, %arg2: memref<4x8192xi32, #tpu.memory_space<vmem>>, %arg3: memref<4x8192xi32, #tpu.memory_space<vmem>>, %arg4: memref<128x32x384xf32, #tpu.memory_space<vmem>>, %arg5: memref<4x8192xi32, #tpu.memory_space<vmem>>) attributes {dimension_semantics = [], scalar_prefetch = 0 : i64, scratch_operands = 0 : i64, tpu.core_type = #tpu.core_type<tc>} {
    %get3A = arith.constant 0 : index
    %get3A_0 = arith.constant 0 : index
    %get3A_1 = vector.load %arg0[%get3A, %get3A_0] : memref<128x384xf32, #tpu.memory_space<vmem>>, vector<128x384xf32>
    %get3A_2 = arith.constant 0 : index
    %get3A_3 = arith.constant 0 : index
    %get3A_4 = vector.load %arg1[%get3A_2, %get3A_3] : memref<32x384xf32, #tpu.memory_space<vmem>>, vector<32x384xf32>
    %broadcast_in_dim3A = vector.shape_cast %get3A_1 : vector<128x384xf32> to vector<128x1x384xf32>
    %broadcast_in_dim3A_5 = vector.shape_cast %get3A_4 : vector<32x384xf32> to vector<1x32x384xf32>
    %add3A = vector.broadcast %broadcast_in_dim3A : vector<128x1x384xf32> to vector<128x32x384xf32>
    %add3A_6 = vector.broadcast %broadcast_in_dim3A_5 : vector<1x32x384xf32> to vector<128x32x384xf32>
    %add3A_7 = arith.addf %add3A, %add3A_6 : vector<128x32x384xf32>
    %swap3A = arith.constant 0 : index
    %swap3A_8 = arith.constant 0 : index
    %swap3A_9 = arith.constant 0 : index
    %swap3A_10 = vector.load %arg4[%swap3A, %swap3A_8, %swap3A_9] : memref<128x32x384xf32, #tpu.memory_space<vmem>>, vector<128x32x384xf32>
    tpu.vector_store %arg4[%swap3A, %swap3A_8, %swap3A_9], %add3A_7 {strides = array<i32>} : memref<128x32x384xf32, #tpu.memory_space<vmem>>, vector<128x32x384xf32>,
    %get3A_11 = arith.constant 0 : index
    %get3A_12 = arith.constant 0 : index
    %get3A_13 = vector.load %arg2[%get3A_11, %get3A_12] : memref<4x8192xi32, #tpu.memory_space<vmem>>, vector<4x8192xi32>
    %mul3A = arith.constant 32 : i32
    %mul3A_14 = vector.broadcast %mul3A : i32 to vector<4x8192xi32>
    %mul3A_15 = arith.muli %get3A_13, %mul3A_14 : vector<4x8192xi32>
    %get3A_16 = arith.constant 0 : index
    %get3A_17 = arith.constant 0 : index
    %get3A_18 = vector.load %arg3[%get3A_16, %get3A_17] : memref<4x8192xi32, #tpu.memory_space<vmem>>, vector<4x8192xi32>
    %add3A_19 = arith.addi %mul3A_15, %get3A_18 : vector<4x8192xi32>
    %swap3A_20 = arith.constant 0 : index
    %swap3A_21 = arith.constant 0 : index
    %swap3A_22 = vector.load %arg5[%swap3A_20, %swap3A_21] : memref<4x8192xi32, #tpu.memory_space<vmem>>, vector<4x8192xi32>
    tpu.vector_store %arg5[%swap3A_20, %swap3A_21], %add3A_19 {strides = array<i32>} : memref<4x8192xi32, #tpu.memory_space<vmem>>, vector<4x8192xi32>,
    return
  }
}

</mosaic_0001>

<sc_bundles>
// kernel: _run.4.cloned.1.call-start
scs
__scs_entry_jumppad:
0x0: {  	(pc) =	sbr.rel $0x88, $3  }
0x1: {  	(tag) =	ssettag $0x0;
	lr =	simm.s32 $0x1  }
0x2: {  	[smem:$0x3F9D] =	sst lr;
	_ =	strace $0xD0000000  }
0x3: {  	_ = 	snop  }
0x4: {  	_ = 	snop  }
0x5: {  	_ = 	snop  }
0x6: {  	_ = 	snop  }
0x7: {  	_ = 	snop  }
__scs_overlays_trampoline_lowered:
0x8: {  	[smem:$0x3FAC] =	sst s0  }
0x9: {  	[smem:$0x3FAD] =	sst s1  }
0xa: {  	[smem:$0x3FAE] =	sst s2  }
0xb: {  	[smem:$0x3FAF] =	sst s3  }
0xc: {  	[smem:$0x3FB0] =	sst s4  }
0xd: {  	[smem:$0x3FB1] =	sst s5  }
0xe: {  	[smem:$0x3FB2] =	sst s6  }
0xf: {  	[smem:$0x3FB3] =	sst s7  }
0x10: {  	[smem:$0x3FB4] =	sst s8  }
0x11: {  	[smem:$0x3FB5] =	sst s9;
	s0 =	simm.s32 @!p0 $0x0  }
0x12: {  	s1 =	sld [smem:$0x3F9B];
	s0 =	simm.s32 @p0 $0x1  }
0x13: {  	[smem:$0x3FB6] =	sst s0;
	s0 =	simm.s32 @!p1 $0x0  }
0x14: {  	s2 =	sld [smem:$0x3F9A];
	s0 =	simm.s32 @p1 $0x1  }
0x15: {  	[smem:$0x3FB7] =	sst s0;
	s0 =	simm.s32 @!p2 $0x0  }
0x16: {  	s3 =	sld [smem:$0x3FDB];
	s0 =	simm.s32 @p2 $0x1  }
0x17: {  	s4 =	simm.s32 $0x1BF5;
	[smem:$0x3FB9] =	sst s0  }
0x18: {  	s0 =	sld [smem:$0x3F9C];
	_ =	swait.ge [sflag:s4], $0x0  }
0x19: {  	s7 =	sld [smem:$0x3F9D]  }
0x1a: {  	s8 =	sadd.s32 $0xFFFFE003, lr  }
0x1b: {  	s9 =	sadd.s32 $0xFFFFFEF7, lr;
	s5 =	simm.s32 $0xFFFFFFFF;
	p2 =	slt.u32 s8, $0xFFFFF086  }
0x1c: {  	p1 =	slt.u32 s9, $0xF7A;
	s5 =	simm.s32 @!p2 $0x0  }
0x1d: {  	s5 =	simm.s32 @p1 $0x1;
	p0 =	seq.s32 s7, s2  }
0x1e: {  	s7 =	smul.u32 @!p0 $0xF7A, s2;
	p2 =	seq.s32 @!p0 s5, $0x0  }
0x1f: {  	s9 =	smul.u32 $0xF7A, s1;
	s8 =	simm.s32 @!p0 $0x1BF5;
	p2 =	por !p2, p0  }
0x20: {  	[sflag:s8] =	ssyncset.s32 @!p0 $0xFFFFF086;
	s6 =	sadd.s32 @!p0 s3, s7;
	s7 =	simm.s32 @!p0 $0x108  }
0x21: {  	s3 =	sadd.s32 s3, s9;
	s6 =	sadd.s32 @!p0 $0x88, s6;
	s7 =	simm.s32 @p2 $0x1082  }
0x22: {  	[simem:s7], [sflag:s8] =	dma.local @!p0 [hbm:s6], $0xF7A  }
0x23: {  	s9 =	sor.u32 $0xD0000000, s2;
	s6 =	simm.s32 $0x108;
	_ =	swait.ge @!p0 [sflag:s8], $0x0  }
0x24: {  	s3 =	sadd.s32 $0x88, s3;
	s6 =	simm.s32 @!p1 $0x1082;
	[sflag:s4] =	ssyncset.s32 $0xFFFFF086  }
0x25: {  	[simem:s6], [sflag:s4] =	dma.local [hbm:s3], $0xF7A  }
0x26: {  	[smem:$0x3F9D] =	sst s1;
	(tag) =	ssettag s2;
	_ =	strace s9  }
0x27: {  	s1 =	sld [smem:$0x3FAD]  }
0x28: {  	s2 =	sld [smem:$0x3FAE]  }
0x29: {  	s4 =	sld [smem:$0x3FB0]  }
0x2a: {  	p0 =	seq.s32 s5, $0x0;
	s5 =	sld [smem:$0x3FB1]  }
0x2b: {  	s6 =	sld [smem:$0x3FB2]  }
0x2c: {  	s7 =	sld [smem:$0x3FB3]  }
0x2d: {  	s3 =	simm.s32 $0x108;
	s8 =	sld [smem:$0x3FB4]  }
0x2e: {  	s3 =	simm.s32 @!p0 $0x1082;
	s9 =	sld [smem:$0x3FB5]  }
0x2f: {  	lr =	sadd.s32 s0, s3;
	s0 =	sld [smem:$0x3FAC]  }
0x30: {  	s3 =	sld [smem:$0x3FAF]  }
0x31: {  	[smem:$0x3FB8] =	sst s10  }
0x32: {  	s10 =	sld [smem:$0x3FB6];
	_ =	sdelay $0x3  }
0x33: {  	p0 =	seq.s32 s10, $0x1;
	s10 =	sld [smem:$0x3FB8];
	_ =	sdelay $0x3  }
0x34: {  	[smem:$0x3FB8] =	sst s10  }
0x35: {  	s10 =	sld [smem:$0x3FB7];
	_ =	sdelay $0x3  }
0x36: {  	p1 =	seq.s32 s10, $0x1;
	s10 =	sld [smem:$0x3FB8];
	_ =	sdelay $0x3  }
0x37: {  	[smem:$0x3FB8] =	sst s10  }
0x38: {  	s10 =	sld [smem:$0x3FB9]  }
0x39: {  	_ = 	snop;
	(pc) =	sbr.ind lr, $3  }
0x3a: {  	_ = 	snop  }
0x3b: {  	_ = 	snop  }
0x3c: {  	p2 =	seq.s32 s10, $0x1;
	s10 =	sld [smem:$0x3FB8]  }
0x3d: {  	_ =	shalt  }
0x3e: {  	_ =	shalt  }
0x3f: {  	_ =	shalt  }
0x40: {  	_ =	shalt  }
0x41: {  	_ =	shalt  }
0x42: {  	_ =	shalt  }
0x43: {  	_ =	shalt  }
0x44: {  	_ =	shalt  }
0x45: {  	_ =	shalt  }
0x46: {  	_ =	shalt  }
0x47: {  	_ =	shalt  }
0x48: {  	_ =	shalt  }
0x49: {  	_ =	shalt  }
0x4a: {  	_ =	shalt  }
0x4b: {  	_ =	shalt  }
0x4c: {  	_ =	shalt  }
0x4d: {  	_ =	shalt  }
0x4e: {  	_ =	shalt  }
0x4f: {  	_ =	shalt  }
0x50: {  	_ =	shalt  }
0x51: {  	_ =	shalt  }
0x52: {  	_ =	shalt  }
0x53: {  	_ =	shalt  }
0x54: {  	_ =	shalt  }
0x55: {  	_ =	shalt  }
0x56: {  	_ =	shalt  }
0x57: {  	_ =	shalt  }
0x58: {  	_ =	shalt  }
0x59: {  	_ =	shalt  }
0x5a: {  	_ =	shalt  }
0x5b: {  	_ =	shalt  }
0x5c: {  	_ =	shalt  }
0x5d: {  	_ =	shalt  }
0x5e: {  	_ =	shalt  }
0x5f: {  	_ =	shalt  }
0x60: {  	_ =	shalt  }
0x61: {  	_ =	shalt  }
0x62: {  	_ =	shalt  }
0x63: {  	_ =	shalt  }
0x64: {  	_ =	shalt  }
0x65: {  	_ =	shalt  }
0x66: {  	_ =	shalt  }
0x67: {  	_ =	shalt  }
0x68: {  	_ =	shalt  }
0x69: {  	_ =	shalt  }
0x6a: {  	_ =	shalt  }
0x6b: {  	_ =	shalt  }
0x6c: {  	_ =	shalt  }
0x6d: {  	_ =	shalt  }
0x6e: {  	_ =	shalt  }
0x6f: {  	_ =	shalt  }
0x70: {  	_ =	shalt  }
0x71: {  	_ =	shalt  }
0x72: {  	_ =	shalt  }
0x73: {  	_ =	shalt  }
0x74: {  	_ =	shalt  }
0x75: {  	_ =	shalt  }
0x76: {  	_ =	shalt  }
0x77: {  	_ =	shalt  }
0x78: {  	_ =	shalt  }
0x79: {  	_ =	shalt  }
0x7a: {  	_ =	shalt  }
0x7b: {  	_ =	shalt  }
0x7c: {  	_ =	shalt  }
0x7d: {  	_ =	shalt  }
0x7e: {  	_ =	shalt  }
0x7f: {  	_ =	shalt  }
0x80: {  	_ =	shalt  }
0x81: {  	_ =	shalt  }
0x82: {  	_ =	shalt  }
0x83: {  	_ =	shalt  }
0x84: {  	_ =	shalt  }
0x85: {  	_ =	shalt  }
0x86: {  	_ =	shalt  }
0x87: {  	_ =	shalt  }
.Lfunc_end0:
.L_simem_size_0:
called_computation_lowered:
.L_overlay_start_0:
0x88: {  	s2 =	sld [smem:$0x3FD9]  }
0x89: {  	s3 =	sld [smem:$0x3FFE];
	_ =	sdelay $0x1  }
0x8a: {  	s1 =	srdreg.scid  }
0x8b: {  	s0 =	sand.u32 $0x1, s1  }
0x8c: {  	s17 =	sshll.u32 s0, $0xA;
	s2 =	sadd.s32 s3, s2  }
0x8d: {  	s2 =	sadd.s32 s2, s17  }
0x8e: {  	[smem:$0x3FC4] =	sst s2  }
0x8f: {  	_ = 	snop  }
0x90: {  	s2 =	sld [smem:$0x3FD0];
	(tm) =	ssettm $0x1  }
0x91: {  	s18 =	sld [smem:$0x3FFB];
	_ =	sdelay $0x3  }
0x92: {  	_ =	strace s18  }
0x93: {  	s3 =	sld [smem:$0x3FFC];
	_ =	sdelay $0x3  }
0x94: {  	_ =	strace s3  }
0x95: {  	s3 =	sld [smem:$0x3FFD];
	_ =	sdelay $0x3  }
0x96: {  	_ =	strace s3  }
0x97: {  	_ =	strace $0x8FFFFFFF  }
0x98: {  	s19 =	sld [smem:$0x3FDB];
	_ =	sdelay $0x1  }
0x99: {  	s4 =	simm.s32 $_scs_section_size  }
0x9a: {  	s5 =	simm.s32 $_size__tile_overlayer_lowered;
	s6 =	simm.s32 $_tile_overlayer_lowered  }
0x9b: {  	s22 =	simm.s32 $0x1BFF;
	s21 =	sshll.u32 s6, $0x1;
	s3 =	sadd.s32 s4, s19  }
0x9c: {  	s7 =	simm.s32 $0x0;
	s20 =	sshll.u32 s5, $0x1;
	s5 =	sadd.s32 s21, s3  }
0x9d: {  	[timem:s7], [sflag:s22] =	dma.local [hbm:s5], s20  }
0x9e: {  	_ =	swait.ge [sflag:s22], s20  }
0x9f: {  	s4 =	ssub.s32 $0x0, s20;
	[sflag:s22] =	ssyncset.done $0x0  }
0xa0: {  	[sflag:s22] =	ssyncadd.s32 s4;
	_ =	sdelay $0x1  }
0xa1: {  	s23 =	simm.s32 $0x1B8B  }
0xa2: {  	_ =	swait.ge [sflag:s23], $0x1  }
0xa3: {  	[sflag:s23] =	ssyncset.done $0x0  }
0xa4: {  	s25 =	simm.s32 $0x1B8E;
	s24 =	sld [smem:$0x3FFE];
	[sflag:s23] =	ssyncadd.s32 $0xFFFFFFFF  }
0xa5: {  	s26 =	simm.s32 $execute0_lowered;
	[smem:$0x3FD2] =	sst s25  }
0xa6: {  	s5 =	sshll.u32 s26, $0x1;
	_ =	strace $0x80000046;
	[dreg:$0x1] =	wrdreg $0xFFFFFFFF  }
0xa7: {  	s28 =	simm.s32 $_size_execute0_lowered;
	s3 =	sadd.s32 s3, s5;
	[dreg:$0x0] =	wrdreg $0x0  }
0xa8: {  	s5 =	sshll.u32 s28, $0x1;
	[dreg:$0x2] =	wrdreg s3  }
0xa9: {  	[dreg:$0x3] =	wrdreg s5  }
0xaa: {  	[dreg:$0x4] =	wrdreg $0xC0  }
0xab: {  	_ =	task [dreg:s7], $0x5FFFF  }
0xac: {  	[dreg:$0x1] =	wrdreg $0xFFFFFFFF  }
0xad: {  	[dreg:$0x0] =	wrdreg $0x60  }
0xae: {  	[dreg:$0x2] =	wrdreg s24  }
0xaf: {  	[dreg:$0x3] =	wrdreg s2  }
0xb0: {  	[dreg:$0x4] =	wrdreg $0x9  }
0xb1: {  	_ =	task.clear_ibuf [dreg:s7], $0x5FFFF;
	_ =	strace $0x90000046  }
0xb2: {  	s29 =	simm.s32 $0x9;
	_ =	strace $0x80000048  }
0xb3: {  	_ =	swait.ge [sflag:s29], $0x1  }
0xb4: {  	[sflag:s29] =	ssyncadd.s32 $0xFFFFFFFF  }
0xb5: {  	_ =	strace $0x90000048  }
0xb6: {  	_ =	sfence  }
0xb7: {  	s30 =	sld [smem:$0x0];
	_ =	sdelay $0x2  }
0xb8: {  	s31 =	sshll.u32 s1, $0xD;
	s1 =	sshrl.u32 s1, $0x2  }
0xb9: {  	s3 =	sand.u32 $0x4000, s31;
	s1 =	sadd.s32 s1, s30  }
0xba: {  	s0 =	sor.u32 s3, s0;
	s1 =	sshll.u32 s1, $0x11  }
0xbb: {  	s0 =	sor.u32 s1, s0  }
0xbc: {  	s0 =	sadd.s32 $0x8F2B, s0  }
0xbd: {  	[sflag:s0] =	ssyncadd.remote.s32 $0x1  }
0xbe: {  	_ =	sfence.sel $0xFFFF  }
0xbf: {  	[dreg:$0x0] =	wrdreg $0xFFFFFFFF;
	(pc) =	sbr.abs _section_cstart, $3  }
0xc0: {  	[dreg:$0x1] =	wrdreg $0xFFFFFFFF  }
0xc1: {  	_ =	task.clear_ibuf [dreg:s7], $0x2FFFF;
	_ =	strace $0x9FFFFFFF  }
0xc2: {  	(tm) =	ssettm $0x7FFFFFFF  }
0xc3: {  	_ =	shalt  }
tec
execute0_lowered:
.L_overlay_start_1:
0x0: {  	(tag) =	ssettag $0x1  }
0x1: {  	s0 =	srdreg.scid  }
0x2: {  	s2 =	stileid.u32;
	s0 =	sand.u32 $0x1, s0  }
0x3: {  	s1 =	rddreg [dreg:$0x0];
	s2 =	sshll.u32 s2, $0x8;
	s3 =	sshll.u32 s0, $0x7  }
0x4: {  	s4 =	rddreg [dreg:$0x1];
	s3 =	sor.u32 s3, s2  }
0x5: {  	s2 =	simm.s32 $0x0;
	s5 =	smul.u32 $0x180, s3;
	s6 =	sadd.s32 s3, s1  }
0x6: {  	[smem:$0x7FF] =	sst s2;
	s6 =	sadd.s32 $0x31000, s6  }
0x7: {  	_ =	strace $0x80000047;
	s7 =	sadd.s32 s4, s5;
	[dreg:$0x3] =	wrdreg s6  }
0x8: {  	s5 =	sadd.s32 $0xC00, s7;
	[dreg:$0x13] =	wrdreg s7  }
0x9: {  	s3 =	smul.u32 $0xC00, s3;
	s15 =	sadd.s32 $0x1800, s7;
	[dreg:$0x4] =	wrdreg s5  }
0xa: {  	s16 =	sadd.s32 $0x2400, s7;
	[dreg:$0x5] =	wrdreg s15  }
0xb: {  	s3 =	sshrl.u32 s3, $0x3;
	s17 =	sadd.s32 $0x3000, s7;
	[dreg:$0x6] =	wrdreg s16  }
0xc: {  	s18 =	sadd.s32 $0x3C00, s7;
	s3 =	sadd.s32 s4, s3;
	[dreg:$0x7] =	wrdreg s17  }
0xd: {  	s31 =	simm.s32 $0x6400;
	[dreg:$0x8] =	wrdreg s18;
	s4 =	sadd.s32 $0x4800, s3  }
0xe: {  	s30 =	simm.s32 $0x7000;
	s19 =	sadd.s32 $0x5400, s3;
	[dreg:$0x9] =	wrdreg s4  }
0xf: {  	s28 =	simm.s32 $0xC400;
	s20 =	sadd.s32 $0x6000, s3;
	[dreg:$0xa] =	wrdreg s19  }
0x10: {  	s8 =	simm.s32 $0x18400;
	s21 =	sadd.s32 $0x6C00, s3;
	[dreg:$0xb] =	wrdreg s20  }
0x11: {  	s0 =	ssub.s32 $0x2, s0;
	s22 =	sadd.s32 $0x7800, s3;
	[dreg:$0xc] =	wrdreg s21  }
0x12: {  	s29 =	sshrl.u32 s0, $0x1;
	s23 =	sadd.s32 $0x8400, s3;
	[dreg:$0xd] =	wrdreg s22  }
0x13: {  	s0 =	ssub.s32 s0, s29;
	s24 =	sadd.s32 $0x9000, s3;
	[dreg:$0xe] =	wrdreg s23  }
0x14: {  	s6 =	smax.u32 s0, $0x1;
	s25 =	sadd.s32 $0x9C00, s3;
	[dreg:$0xf] =	wrdreg s24  }
0x15: {  	s26 =	sadd.s32 $0xA800, s3;
	s3 =	sadd.s32 $0xB400, s3;
	[dreg:$0x10] =	wrdreg s25  }
0x16: {  	v2 =	vlaneseq.u32;
	s5 =	sadd.s32 $0x1100, s1;
	s18 =	simm.s32 $0x400;
	[dreg:$0x11] =	wrdreg s26  }
0x17: {  	vm0 =	vmmov $0xffff;
	vm1 =	vmmov $0xff;
	v1 =	vshrl.u32 v2, $0x3;
	s4 =	sadd.s32 $0x1000, s1;
	[dreg:$0x12] =	wrdreg s3;
	s26 =	simm.s32 $0x1  }
0x18: {  	v0 =	vand.u32 $0x7, v2;
	v2 =	vor.u32 $0x8, v2;
	v1 =	vmul.u32 $0x8, v1;
	s3 =	simm.s32 $0x2;
	s25 =	simm.s32 $0x6C00;
	s20 =	simm.s32 $0x7800  }
.LBB2_1:
0x19: {  	s7 =	rddreg [dreg:$0x3];
	s17 =	simm.s32 $0x3  }
0x1a: {  	[tilespmem:s2], [sflag:$0x3] =	stream.linear.gather [hbm4b:s7+s2], $0x400, $0x38;
	[tilespmem:$0x1E400] =	vst v63  }
0x1b: {  	_ =	swait.ge [sflag:s17], $0x400  }
0x1c: {  	[sflag:s17] =	ssyncset.done $0x0  }
0x1d: {  	[sflag:s17] =	ssyncadd.s32 $0xFFFFFC00  }
0x1e: {  	v3 =	vld [tilespmem:$0x0];
	_ =	sdelay $0x4  }
0x1f: {  	v4 =	vshrl.u32 v3, $0x3  }
0x20: {  	v4 =	vmul.u32 $0x18, v4  }
0x21: {  	v3 =	vand.u32 $0x7, v3  }
0x22: {  	v3 =	vor.u32 v3, v4  }
0x23: {  	v4 =	vperm.xlane v3, v0;
	_ =	sdelay $0x1  }
0x24: {  	v4 =	vadd.s32 v1, v4;
	_ =	sdelay $0x1  }
0x25: {  	v3 =	vperm.xlane v3, v2;
	_ =	sdelay $0x1  }
0x26: {  	v3 =	vadd.s32 v1, v3  }
0x27: {  	[tilespmem:s18], [sflag:$0x1] =	stream.indirect_vreg.gather [hbm4b:s4+s2], $0x80, v4, vm0, $0xb8;
	[tilespmem:$0x1E400] =	vst v63  }
0x28: {  	s0 =	simm.s32 $0xC00  }
0x29: {  	[tilespmem:s0], [sflag:$0x1] =	stream.indirect_vreg.gather [hbm4b:s5+s2], $0x80, v4, vm1, $0xb8;
	[tilespmem:$0x1E400] =	vst v63  }
0x2a: {  	s19 =	simm.s32 $0x1000  }
0x2b: {  	[tilespmem:s19], [sflag:$0x1] =	stream.indirect_vreg.gather [hbm4b:s4+s2], $0x80, v3, vm0, $0xb8;
	[tilespmem:$0x1E400] =	vst v63  }
0x2c: {  	s21 =	simm.s32 $0x1800  }
0x2d: {  	[tilespmem:s21], [sflag:$0x1] =	stream.indirect_vreg.gather [hbm4b:s5+s2], $0x80, v3, vm1, $0xb8;
	[tilespmem:$0x1E400] =	vst v63  }
0x2e: {  	v3 =	vld [tilespmem:$0x10];
	_ =	sdelay $0x4  }
0x2f: {  	v57 =	vshrl.u32 v3, $0x3  }
0x30: {  	v4 =	vmul.u32 $0x18, v57  }
0x31: {  	v3 =	vand.u32 $0x7, v3  }
0x32: {  	v3 =	vor.u32 v3, v4  }
0x33: {  	v4 =	vperm.xlane v3, v0;
	_ =	sdelay $0x1  }
0x34: {  	v4 =	vadd.s32 v1, v4;
	_ =	sdelay $0x1  }
0x35: {  	v3 =	vperm.xlane v3, v2;
	_ =	sdelay $0x1  }
0x36: {  	s22 =	simm.s32 $0x1C00;
	v3 =	vadd.s32 v1, v3  }
0x37: {  	[tilespmem:s22], [sflag:$0x1] =	stream.indirect_vreg.gather [hbm4b:s4+s2], $0x80, v4, vm0, $0xb8;
	[tilespmem:$0x1E400] =	vst v63  }
0x38: {  	s23 =	simm.s32 $0x2400  }
0x39: {  	[tilespmem:s23], [sflag:$0x1] =	stream.indirect_vreg.gather [hbm4b:s5+s2], $0x80, v4, vm1, $0xb8;
	[tilespmem:$0x1E400] =	vst v63  }
0x3a: {  	s24 =	simm.s32 $0x2800  }
0x3b: {  	[tilespmem:s24], [sflag:$0x1] =	stream.indirect_vreg.gather [hbm4b:s4+s2], $0x80, v3, vm0, $0xb8;
	[tilespmem:$0x1E400] =	vst v63  }
0x3c: {  	s29 =	simm.s32 $0x3000  }
0x3d: {  	[tilespmem:s29], [sflag:$0x1] =	stream.indirect_vreg.gather [hbm4b:s5+s2], $0x80, v3, vm1, $0xb8;
	[tilespmem:$0x1E400] =	vst v63  }
0x3e: {  	v3 =	vld [tilespmem:$0x20];
	_ =	sdelay $0x4  }
0x3f: {  	v58 =	vshrl.u32 v3, $0x3  }
0x40: {  	v4 =	vmul.u32 $0x18, v58  }
0x41: {  	v3 =	vand.u32 $0x7, v3  }
0x42: {  	v3 =	vor.u32 v3, v4  }
0x43: {  	v4 =	vperm.xlane v3, v0;
	_ =	sdelay $0x1  }
0x44: {  	v4 =	vadd.s32 v1, v4;
	_ =	sdelay $0x1  }
0x45: {  	v3 =	vperm.xlane v3, v2;
	_ =	sdelay $0x1  }
0x46: {  	s1 =	simm.s32 $0x3400;
	v3 =	vadd.s32 v1, v3  }
0x47: {  	[tilespmem:s1], [sflag:$0x1] =	stream.indirect_vreg.gather [hbm4b:s4+s2], $0x80, v4, vm0, $0xb8;
	[tilespmem:$0x1E400] =	vst v63  }
0x48: {  	s7 =	simm.s32 $0x3C00  }
0x49: {  	[tilespmem:s7], [sflag:$0x1] =	stream.indirect_vreg.gather [hbm4b:s5+s2], $0x80, v4, vm1, $0xb8;
	[tilespmem:$0x1E400] =	vst v63  }
0x4a: {  	s11 =	simm.s32 $0x4000  }
0x4b: {  	[tilespmem:s11], [sflag:$0x1] =	stream.indirect_vreg.gather [hbm4b:s4+s2], $0x80, v3, vm0, $0xb8;
	[tilespmem:$0x1E400] =	vst v63  }
0x4c: {  	s12 =	simm.s32 $0x4800  }
0x4d: {  	[tilespmem:s12], [sflag:$0x1] =	stream.indirect_vreg.gather [hbm4b:s5+s2], $0x80, v3, vm1, $0xb8;
	[tilespmem:$0x1E400] =	vst v63  }
0x4e: {  	v3 =	vld [tilespmem:$0x30];
	_ =	sdelay $0x4  }
0x4f: {  	v59 =	vshrl.u32 v3, $0x3  }
0x50: {  	v4 =	vmul.u32 $0x18, v59  }
0x51: {  	v3 =	vand.u32 $0x7, v3  }
0x52: {  	v3 =	vor.u32 v3, v4  }
0x53: {  	v4 =	vperm.xlane v3, v0;
	_ =	sdelay $0x1  }
0x54: {  	v4 =	vadd.s32 v1, v4;
	_ =	sdelay $0x1  }
0x55: {  	v3 =	vperm.xlane v3, v2;
	_ =	sdelay $0x1  }
0x56: {  	s13 =	simm.s32 $0x4C00;
	v3 =	vadd.s32 v1, v3  }
0x57: {  	[tilespmem:s13], [sflag:$0x1] =	stream.indirect_vreg.gather [hbm4b:s4+s2], $0x80, v4, vm0, $0xb8;
	[tilespmem:$0x1E400] =	vst v63  }
0x58: {  	s14 =	simm.s32 $0x5400  }
0x59: {  	[tilespmem:s14], [sflag:$0x1] =	stream.indirect_vreg.gather [hbm4b:s5+s2], $0x80, v4, vm1, $0xb8;
	[tilespmem:$0x1E400] =	vst v63  }
0x5a: {  	s15 =	simm.s32 $0x5800  }
0x5b: {  	[tilespmem:s15], [sflag:$0x1] =	stream.indirect_vreg.gather [hbm4b:s4+s2], $0x80, v3, vm0, $0xb8;
	[tilespmem:$0x1E400] =	vst v63  }
0x5c: {  	s16 =	simm.s32 $0x6000  }
0x5d: {  	[tilespmem:s16], [sflag:$0x1] =	stream.indirect_vreg.gather [hbm4b:s5+s2], $0x80, v3, vm1, $0xb8;
	[tilespmem:$0x1E400] =	vst v63  }
0x5e: {  	v3 =	vld [tilespmem:$0x40];
	_ =	sdelay $0x4  }
0x5f: {  	v60 =	vshrl.u32 v3, $0x3  }
0x60: {  	v4 =	vmul.u32 $0x18, v60  }
0x61: {  	v3 =	vand.u32 $0x7, v3  }
0x62: {  	v3 =	vor.u32 v3, v4  }
0x63: {  	v4 =	vperm.xlane v3, v0;
	_ =	sdelay $0x1  }
0x64: {  	v4 =	vadd.s32 v1, v4;
	_ =	sdelay $0x1  }
0x65: {  	v3 =	vperm.xlane v3, v2;
	_ =	sdelay $0x1  }
0x66: {  	v3 =	vadd.s32 v1, v3  }
0x67: {  	[tilespmem:s31], [sflag:$0x1] =	stream.indirect_vreg.gather [hbm4b:s4+s2], $0x80, v4, vm0, $0xb8;
	[tilespmem:$0x1E400] =	vst v63  }
0x68: {  	_ = 	snop  }
0x69: {  	[tilespmem:s25], [sflag:$0x1] =	stream.indirect_vreg.gather [hbm4b:s5+s2], $0x80, v4, vm1, $0xb8;
	[tilespmem:$0x1E400] =	vst v63  }
0x6a: {  	_ = 	snop  }
0x6b: {  	[tilespmem:s30], [sflag:$0x1] =	stream.indirect_vreg.gather [hbm4b:s4+s2], $0x80, v3, vm0, $0xb8;
	[tilespmem:$0x1E400] =	vst v63  }
0x6c: {  	_ = 	snop  }
0x6d: {  	[tilespmem:s20], [sflag:$0x1] =	stream.indirect_vreg.gather [hbm4b:s5+s2], $0x80, v3, vm1, $0xb8;
	[tilespmem:$0x1E400] =	vst v63  }
0x6e: {  	v3 =	vld [tilespmem:$0x50];
	_ =	sdelay $0x4  }
0x6f: {  	v61 =	vshrl.u32 v3, $0x3  }
0x70: {  	v4 =	vmul.u32 $0x18, v61  }
0x71: {  	v3 =	vand.u32 $0x7, v3  }
0x72: {  	v3 =	vor.u32 v3, v4  }
0x73: {  	v4 =	vperm.xlane v3, v0;
	_ =	sdelay $0x1  }
0x74: {  	v4 =	vadd.s32 v1, v4;
	_ =	sdelay $0x1  }
0x75: {  	v3 =	vperm.xlane v3, v2;
	_ =	sdelay $0x1  }
0x76: {  	s19 =	simm.s32 $0x7C00;
	v3 =	vadd.s32 v1, v3  }
0x77: {  	[tilespmem:s19], [sflag:$0x1] =	stream.indirect_vreg.gather [hbm4b:s4+s2], $0x80, v4, vm0, $0xb8;
	[tilespmem:$0x1E400] =	vst v63  }
0x78: {  	s17 =	simm.s32 $0x8400  }
0x79: {  	[tilespmem:s17], [sflag:$0x1] =	stream.indirect_vreg.gather [hbm4b:s5+s2], $0x80, v4, vm1, $0xb8;
	[tilespmem:$0x1E400] =	vst v63  }
0x7a: {  	s21 =	simm.s32 $0x8800  }
0x7b: {  	[tilespmem:s21], [sflag:$0x1] =	stream.indirect_vreg.gather [hbm4b:s4+s2], $0x80, v3, vm0, $0xb8;
	[tilespmem:$0x1E400] =	vst v63  }
0x7c: {  	s22 =	simm.s32 $0x9000  }
0x7d: {  	[tilespmem:s22], [sflag:$0x1] =	stream.indirect_vreg.gather [hbm4b:s5+s2], $0x80, v3, vm1, $0xb8;
	[tilespmem:$0x1E400] =	vst v63  }
0x7e: {  	v3 =	vld [tilespmem:$0x60];
	_ =	sdelay $0x4  }
0x7f: {  	v62 =	vshrl.u32 v3, $0x3  }
0x80: {  	v4 =	vmul.u32 $0x18, v62  }
0x81: {  	v3 =	vand.u32 $0x7, v3  }
0x82: {  	v3 =	vor.u32 v3, v4  }
0x83: {  	v4 =	vperm.xlane v3, v0;
	_ =	sdelay $0x1  }
0x84: {  	v4 =	vadd.s32 v1, v4;
	_ =	sdelay $0x1  }
0x85: {  	v3 =	vperm.xlane v3, v2;
	_ =	sdelay $0x1  }
0x86: {  	s23 =	simm.s32 $0x9400;
	v3 =	vadd.s32 v1, v3  }
0x87: {  	[tilespmem:s23], [sflag:$0x1] =	stream.indirect_vreg.gather [hbm4b:s4+s2], $0x80, v4, vm0, $0xb8;
	[tilespmem:$0x1E400] =	vst v63  }
0x88: {  	s24 =	simm.s32 $0x9C00  }
0x89: {  	[tilespmem:s24], [sflag:$0x1] =	stream.indirect_vreg.gather [hbm4b:s5+s2], $0x80, v4, vm1, $0xb8;
	[tilespmem:$0x1E400] =	vst v63  }
0x8a: {  	s29 =	simm.s32 $0xA000  }
0x8b: {  	[tilespmem:s29], [sflag:$0x1] =	stream.indirect_vreg.gather [hbm4b:s4+s2], $0x80, v3, vm0, $0xb8;
	[tilespmem:$0x1E400] =	vst v63  }
0x8c: {  	s7 =	simm.s32 $0xA800  }
0x8d: {  	[tilespmem:s7], [sflag:$0x1] =	stream.indirect_vreg.gather [hbm4b:s5+s2], $0x80, v3, vm1, $0xb8;
	[tilespmem:$0x1E400] =	vst v63  }
0x8e: {  	v3 =	vld [tilespmem:$0x70];
	_ =	sdelay $0x4  }
0x8f: {  	v63 =	vshrl.u32 v3, $0x3  }
0x90: {  	v4 =	vmul.u32 $0x18, v63  }
0x91: {  	v3 =	vand.u32 $0x7, v3  }
0x92: {  	v3 =	vor.u32 v3, v4  }
0x93: {  	v4 =	vperm.xlane v3, v0;
	_ =	sdelay $0x1  }
0x94: {  	v4 =	vadd.s32 v1, v4;
	_ =	sdelay $0x1  }
0x95: {  	v3 =	vperm.xlane v3, v2;
	_ =	sdelay $0x1  }
0x96: {  	s11 =	simm.s32 $0xAC00;
	v3 =	vadd.s32 v1, v3  }
0x97: {  	[tilespmem:s11], [sflag:$0x1] =	stream.indirect_vreg.gather [hbm4b:s4+s2], $0x80, v4, vm0, $0xb8;
	[tilespmem:$0x1E400] =	vst v63  }
0x98: {  	s13 =	simm.s32 $0xB400  }
0x99: {  	[tilespmem:s13], [sflag:$0x1] =	stream.indirect_vreg.gather [hbm4b:s5+s2], $0x80, v4, vm1, $0xb8;
	[tilespmem:$0x1E400] =	vst v63  }
0x9a: {  	s14 =	simm.s32 $0xB800  }
0x9b: {  	[tilespmem:s14], [sflag:$0x1] =	stream.indirect_vreg.gather [hbm4b:s4+s2], $0x80, v3, vm0, $0xb8;
	[tilespmem:$0x1E400] =	vst v63  }
0x9c: {  	s21 =	simm.s32 $0xC000  }
0x9d: {  	[tilespmem:s21], [sflag:$0x1] =	stream.indirect_vreg.gather [hbm4b:s5+s2], $0x80, v3, vm1, $0xb8;
	[tilespmem:$0x1E400] =	vst v63  }
0x9e: {  	v3 =	vld [tilespmem:$0x80];
	_ =	sdelay $0x4  }
0x9f: {  	v8 =	vshrl.u32 v3, $0x3  }
0xa0: {  	v4 =	vmul.u32 $0x18, v8  }
0xa1: {  	v3 =	vand.u32 $0x7, v3  }
0xa2: {  	v3 =	vor.u32 v3, v4  }
0xa3: {  	v4 =	vperm.xlane v3, v0;
	_ =	sdelay $0x1  }
0xa4: {  	v4 =	vadd.s32 v1, v4;
	_ =	sdelay $0x1  }
0xa5: {  	v3 =	vperm.xlane v3, v2;
	_ =	sdelay $0x1  }
0xa6: {  	v3 =	vadd.s32 v1, v3  }
0xa7: {  	[tilespmem:s28], [sflag:$0x1] =	stream.indirect_vreg.gather [hbm4b:s4+s2], $0x80, v4, vm0, $0xb8;
	[tilespmem:$0x1E400] =	vst v63  }
0xa8: {  	s22 =	simm.s32 $0xCC00  }
0xa9: {  	[tilespmem:s22], [sflag:$0x1] =	stream.indirect_vreg.gather [hbm4b:s5+s2], $0x80, v4, vm1, $0xb8;
	[tilespmem:$0x1E400] =	vst v63  }
0xaa: {  	s23 =	simm.s32 $0xD000  }
0xab: {  	[tilespmem:s23], [sflag:$0x1] =	stream.indirect_vreg.gather [hbm4b:s4+s2], $0x80, v3, vm0, $0xb8;
	[tilespmem:$0x1E400] =	vst v63  }
0xac: {  	s24 =	simm.s32 $0xD800  }
0xad: {  	[tilespmem:s24], [sflag:$0x1] =	stream.indirect_vreg.gather [hbm4b:s5+s2], $0x80, v3, vm1, $0xb8;
	[tilespmem:$0x1E400] =	vst v63  }
0xae: {  	v3 =	vld [tilespmem:$0x90];
	_ =	sdelay $0x4  }
0xaf: {  	v9 =	vshrl.u32 v3, $0x3  }
0xb0: {  	v4 =	vmul.u32 $0x18, v9  }
0xb1: {  	v3 =	vand.u32 $0x7, v3  }
0xb2: {  	v3 =	vor.u32 v3, v4  }
0xb3: {  	v4 =	vperm.xlane v3, v0;
	_ =	sdelay $0x1  }
0xb4: {  	v4 =	vadd.s32 v1, v4;
	_ =	sdelay $0x1  }
0xb5: {  	v3 =	vperm.xlane v3, v2;
	_ =	sdelay $0x1  }
0xb6: {  	s29 =	simm.s32 $0xDC00;
	v3 =	vadd.s32 v1, v3  }
0xb7: {  	[tilespmem:s29], [sflag:$0x1] =	stream.indirect_vreg.gather [hbm4b:s4+s2], $0x80, v4, vm0, $0xb8;
	[tilespmem:$0x1E400] =	vst v63  }
0xb8: {  	s7 =	simm.s32 $0xE400  }
0xb9: {  	[tilespmem:s7], [sflag:$0x1] =	stream.indirect_vreg.gather [hbm4b:s5+s2], $0x80, v4, vm1, $0xb8;
	[tilespmem:$0x1E400] =	vst v63  }
0xba: {  	s11 =	simm.s32 $0xE800  }
0xbb: {  	[tilespmem:s11], [sflag:$0x1] =	stream.indirect_vreg.gather [hbm4b:s4+s2], $0x80, v3, vm0, $0xb8;
	[tilespmem:$0x1E400] =	vst v63  }
0xbc: {  	s13 =	simm.s32 $0xF000  }
0xbd: {  	[tilespmem:s13], [sflag:$0x1] =	stream.indirect_vreg.gather [hbm4b:s5+s2], $0x80, v3, vm1, $0xb8;
	[tilespmem:$0x1E400] =	vst v63  }
0xbe: {  	v3 =	vld [tilespmem:$0xA0];
	_ =	sdelay $0x4  }
0xbf: {  	v10 =	vshrl.u32 v3, $0x3  }
0xc0: {  	v4 =	vmul.u32 $0x18, v10  }
0xc1: {  	v3 =	vand.u32 $0x7, v3  }
0xc2: {  	v3 =	vor.u32 v3, v4  }
0xc3: {  	v4 =	vperm.xlane v3, v0;
	_ =	sdelay $0x1  }
0xc4: {  	v4 =	vadd.s32 v1, v4;
	_ =	sdelay $0x1  }
0xc5: {  	v3 =	vperm.xlane v3, v2;
	_ =	sdelay $0x1  }
0xc6: {  	s14 =	simm.s32 $0xF400;
	v3 =	vadd.s32 v1, v3  }
0xc7: {  	[tilespmem:s14], [sflag:$0x1] =	stream.indirect_vreg.gather [hbm4b:s4+s2], $0x80, v4, vm0, $0xb8;
	[tilespmem:$0x1E400] =	vst v63  }
0xc8: {  	s21 =	simm.s32 $0xFC00  }
0xc9: {  	[tilespmem:s21], [sflag:$0x1] =	stream.indirect_vreg.gather [hbm4b:s5+s2], $0x80, v4, vm1, $0xb8;
	[tilespmem:$0x1E400] =	vst v63  }
0xca: {  	s22 =	simm.s32 $0x10000  }
0xcb: {  	[tilespmem:s22], [sflag:$0x1] =	stream.indirect_vreg.gather [hbm4b:s4+s2], $0x80, v3, vm0, $0xb8;
	[tilespmem:$0x1E400] =	vst v63  }
0xcc: {  	s23 =	simm.s32 $0x10800  }
0xcd: {  	[tilespmem:s23], [sflag:$0x1] =	stream.indirect_vreg.gather [hbm4b:s5+s2], $0x80, v3, vm1, $0xb8;
	[tilespmem:$0x1E400] =	vst v63  }
0xce: {  	v3 =	vld [tilespmem:$0xB0];
	_ =	sdelay $0x4  }
0xcf: {  	v11 =	vshrl.u32 v3, $0x3  }
0xd0: {  	v4 =	vmul.u32 $0x18, v11  }
0xd1: {  	v3 =	vand.u32 $0x7, v3  }
0xd2: {  	v3 =	vor.u32 v3, v4  }
0xd3: {  	v4 =	vperm.xlane v3, v0;
	_ =	sdelay $0x1  }
0xd4: {  	v4 =	vadd.s32 v1, v4;
	_ =	sdelay $0x1  }
0xd5: {  	v3 =	vperm.xlane v3, v2;
	_ =	sdelay $0x1  }
0xd6: {  	s24 =	simm.s32 $0x10C00;
	v3 =	vadd.s32 v1, v3  }
0xd7: {  	[tilespmem:s24], [sflag:$0x1] =	stream.indirect_vreg.gather [hbm4b:s4+s2], $0x80, v4, vm0, $0xb8;
	[tilespmem:$0x1E400] =	vst v63  }
0xd8: {  	s29 =	simm.s32 $0x11400  }
0xd9: {  	[tilespmem:s29], [sflag:$0x1] =	stream.indirect_vreg.gather [hbm4b:s5+s2], $0x80, v4, vm1, $0xb8;
	[tilespmem:$0x1E400] =	vst v63  }
0xda: {  	s7 =	simm.s32 $0x11800  }
0xdb: {  	[tilespmem:s7], [sflag:$0x1] =	stream.indirect_vreg.gather [hbm4b:s4+s2], $0x80, v3, vm0, $0xb8;
	[tilespmem:$0x1E400] =	vst v63  }
0xdc: {  	s11 =	simm.s32 $0x12000  }
0xdd: {  	[tilespmem:s11], [sflag:$0x1] =	stream.indirect_vreg.gather [hbm4b:s5+s2], $0x80, v3, vm1, $0xb8;
	[tilespmem:$0x1E400] =	vst v63  }
0xde: {  	v3 =	vld [tilespmem:$0xC0];
	_ =	sdelay $0x4  }
0xdf: {  	v12 =	vshrl.u32 v3, $0x3  }
0xe0: {  	v4 =	vmul.u32 $0x18, v12  }
0xe1: {  	v3 =	vand.u32 $0x7, v3  }
0xe2: {  	v3 =	vor.u32 v3, v4  }
0xe3: {  	v4 =	vperm.xlane v3, v0;
	_ =	sdelay $0x1  }
0xe4: {  	v4 =	vadd.s32 v1, v4;
	_ =	sdelay $0x1  }
0xe5: {  	v3 =	vperm.xlane v3, v2;
	_ =	sdelay $0x1  }
0xe6: {  	s0 =	simm.s32 $0x12400;
	v3 =	vadd.s32 v1, v3  }
0xe7: {  	[tilespmem:s0], [sflag:$0x1] =	stream.indirect_vreg.gather [hbm4b:s4+s2], $0x80, v4, vm0, $0xb8;
	[tilespmem:$0x1E400] =	vst v63  }
0xe8: {  	s13 =	simm.s32 $0x12C00  }
0xe9: {  	[tilespmem:s13], [sflag:$0x1] =	stream.indirect_vreg.gather [hbm4b:s5+s2], $0x80, v4, vm1, $0xb8;
	[tilespmem:$0x1E400] =	vst v63  }
0xea: {  	s14 =	simm.s32 $0x13000  }
0xeb: {  	[tilespmem:s14], [sflag:$0x1] =	stream.indirect_vreg.gather [hbm4b:s4+s2], $0x80, v3, vm0, $0xb8;
	[tilespmem:$0x1E400] =	vst v63  }
0xec: {  	s21 =	simm.s32 $0x13800  }
0xed: {  	[tilespmem:s21], [sflag:$0x1] =	stream.indirect_vreg.gather [hbm4b:s5+s2], $0x80, v3, vm1, $0xb8;
	[tilespmem:$0x1E400] =	vst v63  }
0xee: {  	v3 =	vld [tilespmem:$0xD0];
	_ =	sdelay $0x4  }
0xef: {  	v13 =	vshrl.u32 v3, $0x3  }
0xf0: {  	v4 =	vmul.u32 $0x18, v13  }
0xf1: {  	v3 =	vand.u32 $0x7, v3  }
0xf2: {  	v3 =	vor.u32 v3, v4  }
0xf3: {  	v4 =	vperm.xlane v3, v0;
	_ =	sdelay $0x1  }
0xf4: {  	v4 =	vadd.s32 v1, v4;
	_ =	sdelay $0x1  }
0xf5: {  	v3 =	vperm.xlane v3, v2;
	_ =	sdelay $0x1  }
0xf6: {  	s22 =	simm.s32 $0x13C00;
	v3 =	vadd.s32 v1, v3  }
0xf7: {  	[tilespmem:s22], [sflag:$0x1] =	stream.indirect_vreg.gather [hbm4b:s4+s2], $0x80, v4, vm0, $0xb8;
	[tilespmem:$0x1E400] =	vst v63  }
0xf8: {  	s23 =	simm.s32 $0x14400  }
0xf9: {  	[tilespmem:s23], [sflag:$0x1] =	stream.indirect_vreg.gather [hbm4b:s5+s2], $0x80, v4, vm1, $0xb8;
	[tilespmem:$0x1E400] =	vst v63  }
0xfa: {  	s24 =	simm.s32 $0x14800  }
0xfb: {  	[tilespmem:s24], [sflag:$0x1] =	stream.indirect_vreg.gather [hbm4b:s4+s2], $0x80, v3, vm0, $0xb8;
	[tilespmem:$0x1E400] =	vst v63  }
0xfc: {  	s29 =	simm.s32 $0x15000  }
0xfd: {  	[tilespmem:s29], [sflag:$0x1] =	stream.indirect_vreg.gather [hbm4b:s5+s2], $0x80, v3, vm1, $0xb8;
	[tilespmem:$0x1E400] =	vst v63  }
0xfe: {  	v3 =	vld [tilespmem:$0xE0];
	_ =	sdelay $0x4  }
0xff: {  	v14 =	vshrl.u32 v3, $0x3  }
0x100: {  	v4 =	vmul.u32 $0x18, v14  }
0x101: {  	v3 =	vand.u32 $0x7, v3  }
0x102: {  	v3 =	vor.u32 v3, v4  }
0x103: {  	v4 =	vperm.xlane v3, v0;
	_ =	sdelay $0x1  }
0x104: {  	v4 =	vadd.s32 v1, v4;
	_ =	sdelay $0x1  }
0x105: {  	v3 =	vperm.xlane v3, v2;
	_ =	sdelay $0x1  }
0x106: {  	s11 =	simm.s32 $0x15400;
	v3 =	vadd.s32 v1, v3  }
0x107: {  	[tilespmem:s11], [sflag:$0x1] =	stream.indirect_vreg.gather [hbm4b:s4+s2], $0x80, v4, vm0, $0xb8;
	[tilespmem:$0x1E400] =	vst v63  }
0x108: {  	s13 =	simm.s32 $0x15C00  }
0x109: {  	[tilespmem:s13], [sflag:$0x1] =	stream.indirect_vreg.gather [hbm4b:s5+s2], $0x80, v4, vm1, $0xb8;
	[tilespmem:$0x1E400] =	vst v63  }
0x10a: {  	s14 =	simm.s32 $0x16000  }
0x10b: {  	[tilespmem:s14], [sflag:$0x1] =	stream.indirect_vreg.gather [hbm4b:s4+s2], $0x80, v3, vm0, $0xb8;
	[tilespmem:$0x1E400] =	vst v63  }
0x10c: {  	s21 =	simm.s32 $0x16800  }
0x10d: {  	[tilespmem:s21], [sflag:$0x1] =	stream.indirect_vreg.gather [hbm4b:s5+s2], $0x80, v3, vm1, $0xb8;
	[tilespmem:$0x1E400] =	vst v63  }
0x10e: {  	v3 =	vld [tilespmem:$0xF0];
	_ =	sdelay $0x4  }
0x10f: {  	v15 =	vshrl.u32 v3, $0x3  }
0x110: {  	v4 =	vmul.u32 $0x18, v15  }
0x111: {  	v3 =	vand.u32 $0x7, v3  }
0x112: {  	v3 =	vor.u32 v3, v4  }
0x113: {  	v4 =	vperm.xlane v3, v0;
	_ =	sdelay $0x1  }
0x114: {  	v4 =	vadd.s32 v1, v4;
	_ =	sdelay $0x1  }
0x115: {  	v3 =	vperm.xlane v3, v2;
	_ =	sdelay $0x1  }
0x116: {  	s22 =	simm.s32 $0x16C00;
	v3 =	vadd.s32 v1, v3  }
0x117: {  	[tilespmem:s22], [sflag:$0x1] =	stream.indirect_vreg.gather [hbm4b:s4+s2], $0x80, v4, vm0, $0xb8;
	[tilespmem:$0x1E400] =	vst v63  }
0x118: {  	s23 =	simm.s32 $0x17400  }
0x119: {  	[tilespmem:s23], [sflag:$0x1] =	stream.indirect_vreg.gather [hbm4b:s5+s2], $0x80, v4, vm1, $0xb8;
	[tilespmem:$0x1E400] =	vst v63  }
0x11a: {  	s24 =	simm.s32 $0x17800  }
0x11b: {  	[tilespmem:s24], [sflag:$0x1] =	stream.indirect_vreg.gather [hbm4b:s4+s2], $0x80, v3, vm0, $0xb8;
	[tilespmem:$0x1E400] =	vst v63  }
0x11c: {  	s29 =	simm.s32 $0x18000  }
0x11d: {  	[tilespmem:s29], [sflag:$0x1] =	stream.indirect_vreg.gather [hbm4b:s5+s2], $0x80, v3, vm1, $0xb8;
	[tilespmem:$0x1E400] =	vst v63  }
0x11e: {  	_ =	swait.ge [sflag:s26], $0x6000  }
0x11f: {  	[sflag:s26] =	ssyncset.done $0x0  }
0x120: {  	[sflag:s26] =	ssyncadd.s32 $0xFFFFA000  }
0x121: {  	v3 =	vld [tilespmem:$0x100];
	_ =	sdelay $0x4  }
0x122: {  	v16 =	vshrl.u32 v3, $0x3  }
0x123: {  	v4 =	vmul.u32 $0x18, v16  }
0x124: {  	v3 =	vand.u32 $0x7, v3  }
0x125: {  	v3 =	vor.u32 v3, v4  }
0x126: {  	v4 =	vperm.xlane v3, v0;
	_ =	sdelay $0x1  }
0x127: {  	v4 =	vadd.s32 v1, v4;
	_ =	sdelay $0x1  }
0x128: {  	v3 =	vperm.xlane v3, v2;
	_ =	sdelay $0x1  }
0x129: {  	v3 =	vadd.s32 v1, v3  }
0x12a: {  	[tilespmem:s8], [sflag:$0x1] =	stream.indirect_vreg.gather [hbm4b:s4+s2], $0x80, v4, vm0, $0xb8;
	[tilespmem:$0x1E400] =	vst v63  }
0x12b: {  	s11 =	simm.s32 $0x18C00  }
0x12c: {  	[tilespmem:s11], [sflag:$0x1] =	stream.indirect_vreg.gather [hbm4b:s5+s2], $0x80, v4, vm1, $0xb8;
	[tilespmem:$0x1E400] =	vst v63  }
0x12d: {  	s13 =	simm.s32 $0x19000  }
0x12e: {  	[tilespmem:s13], [sflag:$0x1] =	stream.indirect_vreg.gather [hbm4b:s4+s2], $0x80, v3, vm0, $0xb8;
	[tilespmem:$0x1E400] =	vst v63  }
0x12f: {  	s14 =	simm.s32 $0x19800  }
0x130: {  	[tilespmem:s14], [sflag:$0x1] =	stream.indirect_vreg.gather [hbm4b:s5+s2], $0x80, v3, vm1, $0xb8;
	[tilespmem:$0x1E400] =	vst v63  }
0x131: {  	v3 =	vld [tilespmem:$0x110];
	_ =	sdelay $0x4  }
0x132: {  	v17 =	vshrl.u32 v3, $0x3  }
0x133: {  	v4 =	vmul.u32 $0x18, v17  }
0x134: {  	v3 =	vand.u32 $0x7, v3  }
0x135: {  	v3 =	vor.u32 v3, v4  }
0x136: {  	v4 =	vperm.xlane v3, v0;
	_ =	sdelay $0x1  }
0x137: {  	v4 =	vadd.s32 v1, v4;
	_ =	sdelay $0x1  }
0x138: {  	v3 =	vperm.xlane v3, v2;
	_ =	sdelay $0x1  }
0x139: {  	s21 =	simm.s32 $0x19C00;
	v3 =	vadd.s32 v1, v3  }
0x13a: {  	[tilespmem:s21], [sflag:$0x1] =	stream.indirect_vreg.gather [hbm4b:s4+s2], $0x80, v4, vm0, $0xb8;
	[tilespmem:$0x1E400] =	vst v63  }
0x13b: {  	s22 =	simm.s32 $0x1A400  }
0x13c: {  	[tilespmem:s22], [sflag:$0x1] =	stream.indirect_vreg.gather [hbm4b:s5+s2], $0x80, v4, vm1, $0xb8;
	[tilespmem:$0x1E400] =	vst v63  }
0x13d: {  	s23 =	simm.s32 $0x1A800  }
0x13e: {  	[tilespmem:s23], [sflag:$0x1] =	stream.indirect_vreg.gather [hbm4b:s4+s2], $0x80, v3, vm0, $0xb8;
	[tilespmem:$0x1E400] =	vst v63  }
0x13f: {  	s24 =	simm.s32 $0x1B000  }
0x140: {  	[tilespmem:s24], [sflag:$0x1] =	stream.indirect_vreg.gather [hbm4b:s5+s2], $0x80, v3, vm1, $0xb8;
	[tilespmem:$0x1E400] =	vst v63  }
0x141: {  	v3 =	vld [tilespmem:$0x120];
	_ =	sdelay $0x4  }
0x142: {  	v18 =	vshrl.u32 v3, $0x3  }
0x143: {  	v4 =	vmul.u32 $0x18, v18  }
0x144: {  	v3 =	vand.u32 $0x7, v3  }
0x145: {  	v3 =	vor.u32 v3, v4  }
0x146: {  	v4 =	vperm.xlane v3, v0;
	_ =	sdelay $0x1  }
0x147: {  	v4 =	vadd.s32 v1, v4;
	_ =	sdelay $0x1  }
0x148: {  	v3 =	vperm.xlane v3, v2;
	_ =	sdelay $0x1  }
0x149: {  	s29 =	simm.s32 $0x1B400;
	v3 =	vadd.s32 v1, v3  }
0x14a: {  	[tilespmem:s29], [sflag:$0x1] =	stream.indirect_vreg.gather [hbm4b:s4+s2], $0x80, v4, vm0, $0xb8;
	[tilespmem:$0x1E400] =	vst v63  }
0x14b: {  	s11 =	simm.s32 $0x1BC00  }
0x14c: {  	[tilespmem:s11], [sflag:$0x1] =	stream.indirect_vreg.gather [hbm4b:s5+s2], $0x80, v4, vm1, $0xb8;
	[tilespmem:$0x1E400] =	vst v63  }
0x14d: {  	s13 =	simm.s32 $0x1C000  }
0x14e: {  	[tilespmem:s13], [sflag:$0x1] =	stream.indirect_vreg.gather [hbm4b:s4+s2], $0x80, v3, vm0, $0xb8;
	[tilespmem:$0x1E400] =	vst v63  }
0x14f: {  	s14 =	simm.s32 $0x1C800  }
0x150: {  	[tilespmem:s14], [sflag:$0x1] =	stream.indirect_vreg.gather [hbm4b:s5+s2], $0x80, v3, vm1, $0xb8;
	[tilespmem:$0x1E400] =	vst v63  }
0x151: {  	v3 =	vld [tilespmem:$0x130];
	_ =	sdelay $0x4  }
0x152: {  	v19 =	vshrl.u32 v3, $0x3  }
0x153: {  	v4 =	vmul.u32 $0x18, v19  }
0x154: {  	v3 =	vand.u32 $0x7, v3  }
0x155: {  	v3 =	vor.u32 v3, v4  }
0x156: {  	v4 =	vperm.xlane v3, v0;
	_ =	sdelay $0x1  }
0x157: {  	v4 =	vadd.s32 v1, v4;
	_ =	sdelay $0x1  }
0x158: {  	v3 =	vperm.xlane v3, v2;
	_ =	sdelay $0x1  }
0x159: {  	s21 =	simm.s32 $0x1CC00;
	v3 =	vadd.s32 v1, v3  }
0x15a: {  	[tilespmem:s21], [sflag:$0x1] =	stream.indirect_vreg.gather [hbm4b:s4+s2], $0x80, v4, vm0, $0xb8;
	[tilespmem:$0x1E400] =	vst v63  }
0x15b: {  	s22 =	simm.s32 $0x1D400  }
0x15c: {  	[tilespmem:s22], [sflag:$0x1] =	stream.indirect_vreg.gather [hbm4b:s5+s2], $0x80, v4, vm1, $0xb8;
	[tilespmem:$0x1E400] =	vst v63  }
0x15d: {  	s23 =	simm.s32 $0x1D800  }
0x15e: {  	[tilespmem:s23], [sflag:$0x1] =	stream.indirect_vreg.gather [hbm4b:s4+s2], $0x80, v3, vm0, $0xb8;
	[tilespmem:$0x1E400] =	vst v63  }
0x15f: {  	s24 =	simm.s32 $0x1E000  }
0x160: {  	[tilespmem:s24], [sflag:$0x1] =	stream.indirect_vreg.gather [hbm4b:s5+s2], $0x80, v3, vm1, $0xb8;
	[tilespmem:$0x1E400] =	vst v63  }
0x161: {  	s29 =	rddreg [dreg:$0x13]  }
0x162: {  	[hbm4b:s29+s2] =	stream.linear.scatter [tilespmem:s18], [sflag:$0x2], $0x6000, $0x38;
	[tilespmem:$0x1E400] =	vst v63  }
0x163: {  	_ =	swait.ge [sflag:s26], $0x6000  }
0x164: {  	[sflag:s26] =	ssyncset.done $0x0  }
0x165: {  	[sflag:s26] =	ssyncadd.s32 $0xFFFFA000  }
0x166: {  	_ =	swait.ge [sflag:s3], $0x6000  }
0x167: {  	[sflag:s3] =	ssyncset.done $0x0  }
0x168: {  	[sflag:s3] =	ssyncadd.s32 $0xFFFFA000  }
0x169: {  	v3 =	vld [tilespmem:$0x140];
	_ =	sdelay $0x4  }
0x16a: {  	v20 =	vshrl.u32 v3, $0x3  }
0x16b: {  	v4 =	vmul.u32 $0x18, v20  }
0x16c: {  	v3 =	vand.u32 $0x7, v3  }
0x16d: {  	v3 =	vor.u32 v3, v4  }
0x16e: {  	v4 =	vperm.xlane v3, v0;
	_ =	sdelay $0x1  }
0x16f: {  	v4 =	vadd.s32 v1, v4;
	_ =	sdelay $0x1  }
0x170: {  	v3 =	vperm.xlane v3, v2;
	_ =	sdelay $0x1  }
0x171: {  	v3 =	vadd.s32 v1, v3  }
0x172: {  	[tilespmem:s18], [sflag:$0x1] =	stream.indirect_vreg.gather [hbm4b:s4+s2], $0x80, v4, vm0, $0xb8;
	[tilespmem:$0x1E400] =	vst v63  }
0x173: {  	s21 =	simm.s32 $0xC00  }
0x174: {  	[tilespmem:s21], [sflag:$0x1] =	stream.indirect_vreg.gather [hbm4b:s5+s2], $0x80, v4, vm1, $0xb8;
	[tilespmem:$0x1E400] =	vst v63  }
0x175: {  	s23 =	simm.s32 $0x1000  }
0x176: {  	[tilespmem:s23], [sflag:$0x1] =	stream.indirect_vreg.gather [hbm4b:s4+s2], $0x80, v3, vm0, $0xb8;
	[tilespmem:$0x1E400] =	vst v63  }
0x177: {  	s9 =	simm.s32 $0x1800  }
0x178: {  	[tilespmem:s9], [sflag:$0x1] =	stream.indirect_vreg.gather [hbm4b:s5+s2], $0x80, v3, vm1, $0xb8;
	[tilespmem:$0x1E400] =	vst v63  }
0x179: {  	v3 =	vld [tilespmem:$0x150];
	_ =	sdelay $0x4  }
0x17a: {  	v21 =	vshrl.u32 v3, $0x3  }
0x17b: {  	v4 =	vmul.u32 $0x18, v21  }
0x17c: {  	v3 =	vand.u32 $0x7, v3  }
0x17d: {  	v3 =	vor.u32 v3, v4  }
0x17e: {  	v4 =	vperm.xlane v3, v0;
	_ =	sdelay $0x1  }
0x17f: {  	v4 =	vadd.s32 v1, v4;
	_ =	sdelay $0x1  }
0x180: {  	v3 =	vperm.xlane v3, v2;
	_ =	sdelay $0x1  }
0x181: {  	s24 =	simm.s32 $0x1C00;
	v3 =	vadd.s32 v1, v3  }
0x182: {  	[tilespmem:s24], [sflag:$0x1] =	stream.indirect_vreg.gather [hbm4b:s4+s2], $0x80, v4, vm0, $0xb8;
	[tilespmem:$0x1E400] =	vst v63  }
0x183: {  	s29 =	simm.s32 $0x2400  }
0x184: {  	[tilespmem:s29], [sflag:$0x1] =	stream.indirect_vreg.gather [hbm4b:s5+s2], $0x80, v4, vm1, $0xb8;
	[tilespmem:$0x1E400] =	vst v63  }
0x185: {  	s22 =	simm.s32 $0x2800  }
0x186: {  	[tilespmem:s22], [sflag:$0x1] =	stream.indirect_vreg.gather [hbm4b:s4+s2], $0x80, v3, vm0, $0xb8;
	[tilespmem:$0x1E400] =	vst v63  }
0x187: {  	s10 =	simm.s32 $0x3000  }
0x188: {  	[tilespmem:s10], [sflag:$0x1] =	stream.indirect_vreg.gather [hbm4b:s5+s2], $0x80, v3, vm1, $0xb8;
	[tilespmem:$0x1E400] =	vst v63  }
0x189: {  	v3 =	vld [tilespmem:$0x160];
	_ =	sdelay $0x4  }
0x18a: {  	v22 =	vshrl.u32 v3, $0x3  }
0x18b: {  	v4 =	vmul.u32 $0x18, v22  }
0x18c: {  	v3 =	vand.u32 $0x7, v3  }
0x18d: {  	v3 =	vor.u32 v3, v4  }
0x18e: {  	v4 =	vperm.xlane v3, v0;
	_ =	sdelay $0x1  }
0x18f: {  	v4 =	vadd.s32 v1, v4;
	_ =	sdelay $0x1  }
0x190: {  	v3 =	vperm.xlane v3, v2;
	_ =	sdelay $0x1  }
0x191: {  	s9 =	simm.s32 $0x3400;
	v3 =	vadd.s32 v1, v3  }
0x192: {  	[tilespmem:s9], [sflag:$0x1] =	stream.indirect_vreg.gather [hbm4b:s4+s2], $0x80, v4, vm0, $0xb8;
	[tilespmem:$0x1E400] =	vst v63  }
0x193: {  	s10 =	simm.s32 $0x3C00  }
0x194: {  	[tilespmem:s10], [sflag:$0x1] =	stream.indirect_vreg.gather [hbm4b:s5+s2], $0x80, v4, vm1, $0xb8;
	[tilespmem:$0x1E400] =	vst v63  }
0x195: {  	s11 =	simm.s32 $0x4000  }
0x196: {  	[tilespmem:s11], [sflag:$0x1] =	stream.indirect_vreg.gather [hbm4b:s4+s2], $0x80, v3, vm0, $0xb8;
	[tilespmem:$0x1E400] =	vst v63  }
0x197: {  	s12 =	simm.s32 $0x4800  }
0x198: {  	[tilespmem:s12], [sflag:$0x1] =	stream.indirect_vreg.gather [hbm4b:s5+s2], $0x80, v3, vm1, $0xb8;
	[tilespmem:$0x1E400] =	vst v63  }
0x199: {  	v3 =	vld [tilespmem:$0x170];
	_ =	sdelay $0x4  }
0x19a: {  	v23 =	vshrl.u32 v3, $0x3  }
0x19b: {  	v4 =	vmul.u32 $0x18, v23  }
0x19c: {  	v3 =	vand.u32 $0x7, v3  }
0x19d: {  	v3 =	vor.u32 v3, v4  }
0x19e: {  	v4 =	vperm.xlane v3, v0;
	_ =	sdelay $0x1  }
0x19f: {  	v4 =	vadd.s32 v1, v4;
	_ =	sdelay $0x1  }
0x1a0: {  	v3 =	vperm.xlane v3, v2;
	_ =	sdelay $0x1  }
0x1a1: {  	s12 =	simm.s32 $0x4C00;
	v3 =	vadd.s32 v1, v3  }
0x1a2: {  	[tilespmem:s12], [sflag:$0x1] =	stream.indirect_vreg.gather [hbm4b:s4+s2], $0x80, v4, vm0, $0xb8;
	[tilespmem:$0x1E400] =	vst v63  }
0x1a3: {  	s13 =	simm.s32 $0x5400  }
0x1a4: {  	[tilespmem:s13], [sflag:$0x1] =	stream.indirect_vreg.gather [hbm4b:s5+s2], $0x80, v4, vm1, $0xb8;
	[tilespmem:$0x1E400] =	vst v63  }
0x1a5: {  	s14 =	simm.s32 $0x5800  }
0x1a6: {  	[tilespmem:s14], [sflag:$0x1] =	stream.indirect_vreg.gather [hbm4b:s4+s2], $0x80, v3, vm0, $0xb8;
	[tilespmem:$0x1E400] =	vst v63  }
0x1a7: {  	s1 =	simm.s32 $0x6000  }
0x1a8: {  	[tilespmem:s1], [sflag:$0x1] =	stream.indirect_vreg.gather [hbm4b:s5+s2], $0x80, v3, vm1, $0xb8;
	[tilespmem:$0x1E400] =	vst v63  }
0x1a9: {  	s7 =	rddreg [dreg:$0x4]  }
0x1aa: {  	[hbm4b:s7+s2] =	stream.linear.scatter [tilespmem:s31], [sflag:$0x2], $0x6000, $0x38;
	[tilespmem:$0x1E400] =	vst v63  }
0x1ab: {  	_ =	swait.ge [sflag:s26], $0x6000  }
0x1ac: {  	[sflag:s26] =	ssyncset.done $0x0  }
0x1ad: {  	[sflag:s26] =	ssyncadd.s32 $0xFFFFA000  }
0x1ae: {  	_ =	swait.ge [sflag:s3], $0x6000  }
0x1af: {  	[sflag:s3] =	ssyncset.done $0x0  }
0x1b0: {  	[sflag:s3] =	ssyncadd.s32 $0xFFFFA000  }
0x1b1: {  	v3 =	vld [tilespmem:$0x180];
	_ =	sdelay $0x4  }
0x1b2: {  	v24 =	vshrl.u32 v3, $0x3  }
0x1b3: {  	v4 =	vmul.u32 $0x18, v24  }
0x1b4: {  	v3 =	vand.u32 $0x7, v3  }
0x1b5: {  	v3 =	vor.u32 v3, v4  }
0x1b6: {  	v4 =	vperm.xlane v3, v0;
	_ =	sdelay $0x1  }
0x1b7: {  	v4 =	vadd.s32 v1, v4;
	_ =	sdelay $0x1  }
0x1b8: {  	v3 =	vperm.xlane v3, v2;
	_ =	sdelay $0x1  }
0x1b9: {  	v3 =	vadd.s32 v1, v3  }
0x1ba: {  	[tilespmem:s31], [sflag:$0x1] =	stream.indirect_vreg.gather [hbm4b:s4+s2], $0x80, v4, vm0, $0xb8;
	[tilespmem:$0x1E400] =	vst v63  }
0x1bb: {  	_ = 	snop  }
0x1bc: {  	[tilespmem:s25], [sflag:$0x1] =	stream.indirect_vreg.gather [hbm4b:s5+s2], $0x80, v4, vm1, $0xb8;
	[tilespmem:$0x1E400] =	vst v63  }
0x1bd: {  	_ = 	snop  }
0x1be: {  	[tilespmem:s30], [sflag:$0x1] =	stream.indirect_vreg.gather [hbm4b:s4+s2], $0x80, v3, vm0, $0xb8;
	[tilespmem:$0x1E400] =	vst v63  }
0x1bf: {  	_ = 	snop  }
0x1c0: {  	[tilespmem:s20], [sflag:$0x1] =	stream.indirect_vreg.gather [hbm4b:s5+s2], $0x80, v3, vm1, $0xb8;
	[tilespmem:$0x1E400] =	vst v63  }
0x1c1: {  	v3 =	vld [tilespmem:$0x190];
	_ =	sdelay $0x4  }
0x1c2: {  	v25 =	vshrl.u32 v3, $0x3  }
0x1c3: {  	v4 =	vmul.u32 $0x18, v25  }
0x1c4: {  	v3 =	vand.u32 $0x7, v3  }
0x1c5: {  	v3 =	vor.u32 v3, v4  }
0x1c6: {  	v4 =	vperm.xlane v3, v0;
	_ =	sdelay $0x1  }
0x1c7: {  	v4 =	vadd.s32 v1, v4;
	_ =	sdelay $0x1  }
0x1c8: {  	v3 =	vperm.xlane v3, v2;
	_ =	sdelay $0x1  }
0x1c9: {  	v3 =	vadd.s32 v1, v3  }
0x1ca: {  	[tilespmem:s19], [sflag:$0x1] =	stream.indirect_vreg.gather [hbm4b:s4+s2], $0x80, v4, vm0, $0xb8;
	[tilespmem:$0x1E400] =	vst v63  }
0x1cb: {  	s7 =	simm.s32 $0x8400  }
0x1cc: {  	[tilespmem:s7], [sflag:$0x1] =	stream.indirect_vreg.gather [hbm4b:s5+s2], $0x80, v4, vm1, $0xb8;
	[tilespmem:$0x1E400] =	vst v63  }
0x1cd: {  	s7 =	simm.s32 $0x8800  }
0x1ce: {  	[tilespmem:s7], [sflag:$0x1] =	stream.indirect_vreg.gather [hbm4b:s4+s2], $0x80, v3, vm0, $0xb8;
	[tilespmem:$0x1E400] =	vst v63  }
0x1cf: {  	s15 =	simm.s32 $0x9000  }
0x1d0: {  	[tilespmem:s15], [sflag:$0x1] =	stream.indirect_vreg.gather [hbm4b:s5+s2], $0x80, v3, vm1, $0xb8;
	[tilespmem:$0x1E400] =	vst v63  }
0x1d1: {  	v3 =	vld [tilespmem:$0x1A0];
	_ =	sdelay $0x4  }
0x1d2: {  	v26 =	vshrl.u32 v3, $0x3  }
0x1d3: {  	v4 =	vmul.u32 $0x18, v26  }
0x1d4: {  	v3 =	vand.u32 $0x7, v3  }
0x1d5: {  	v3 =	vor.u32 v3, v4  }
0x1d6: {  	v4 =	vperm.xlane v3, v0;
	_ =	sdelay $0x1  }
0x1d7: {  	v4 =	vadd.s32 v1, v4;
	_ =	sdelay $0x1  }
0x1d8: {  	v3 =	vperm.xlane v3, v2;
	_ =	sdelay $0x1  }
0x1d9: {  	s17 =	simm.s32 $0x9400;
	v3 =	vadd.s32 v1, v3  }
0x1da: {  	[tilespmem:s17], [sflag:$0x1] =	stream.indirect_vreg.gather [hbm4b:s4+s2], $0x80, v4, vm0, $0xb8;
	[tilespmem:$0x1E400] =	vst v63  }
0x1db: {  	s7 =	simm.s32 $0x9C00  }
0x1dc: {  	[tilespmem:s7], [sflag:$0x1] =	stream.indirect_vreg.gather [hbm4b:s5+s2], $0x80, v4, vm1, $0xb8;
	[tilespmem:$0x1E400] =	vst v63  }
0x1dd: {  	s15 =	simm.s32 $0xA000  }
0x1de: {  	[tilespmem:s15], [sflag:$0x1] =	stream.indirect_vreg.gather [hbm4b:s4+s2], $0x80, v3, vm0, $0xb8;
	[tilespmem:$0x1E400] =	vst v63  }
0x1df: {  	s16 =	simm.s32 $0xA800  }
0x1e0: {  	[tilespmem:s16], [sflag:$0x1] =	stream.indirect_vreg.gather [hbm4b:s5+s2], $0x80, v3, vm1, $0xb8;
	[tilespmem:$0x1E400] =	vst v63  }
0x1e1: {  	v3 =	vld [tilespmem:$0x1B0];
	_ =	sdelay $0x4  }
0x1e2: {  	v27 =	vshrl.u32 v3, $0x3  }
0x1e3: {  	v4 =	vmul.u32 $0x18, v27  }
0x1e4: {  	v3 =	vand.u32 $0x7, v3  }
0x1e5: {  	v3 =	vor.u32 v3, v4  }
0x1e6: {  	v4 =	vperm.xlane v3, v0;
	_ =	sdelay $0x1  }
0x1e7: {  	v4 =	vadd.s32 v1, v4;
	_ =	sdelay $0x1  }
0x1e8: {  	v3 =	vperm.xlane v3, v2;
	_ =	sdelay $0x1  }
0x1e9: {  	s17 =	simm.s32 $0xAC00;
	v3 =	vadd.s32 v1, v3  }
0x1ea: {  	[tilespmem:s17], [sflag:$0x1] =	stream.indirect_vreg.gather [hbm4b:s4+s2], $0x80, v4, vm0, $0xb8;
	[tilespmem:$0x1E400] =	vst v63  }
0x1eb: {  	s7 =	simm.s32 $0xB400  }
0x1ec: {  	[tilespmem:s7], [sflag:$0x1] =	stream.indirect_vreg.gather [hbm4b:s5+s2], $0x80, v4, vm1, $0xb8;
	[tilespmem:$0x1E400] =	vst v63  }
0x1ed: {  	s15 =	simm.s32 $0xB800  }
0x1ee: {  	[tilespmem:s15], [sflag:$0x1] =	stream.indirect_vreg.gather [hbm4b:s4+s2], $0x80, v3, vm0, $0xb8;
	[tilespmem:$0x1E400] =	vst v63  }
0x1ef: {  	s17 =	simm.s32 $0xC000  }
0x1f0: {  	[tilespmem:s17], [sflag:$0x1] =	stream.indirect_vreg.gather [hbm4b:s5+s2], $0x80, v3, vm1, $0xb8;
	[tilespmem:$0x1E400] =	vst v63  }
0x1f1: {  	s16 =	rddreg [dreg:$0x5]  }
0x1f2: {  	[hbm4b:s16+s2] =	stream.linear.scatter [tilespmem:s28], [sflag:$0x2], $0x6000, $0x38;
	[tilespmem:$0x1E400] =	vst v63  }
0x1f3: {  	_ =	swait.ge [sflag:s26], $0x6000  }
0x1f4: {  	[sflag:s26] =	ssyncset.done $0x0  }
0x1f5: {  	[sflag:s26] =	ssyncadd.s32 $0xFFFFA000  }
0x1f6: {  	_ =	swait.ge [sflag:s3], $0x6000  }
0x1f7: {  	[sflag:s3] =	ssyncset.done $0x0  }
0x1f8: {  	[sflag:s3] =	ssyncadd.s32 $0xFFFFA000  }
0x1f9: {  	v3 =	vld [tilespmem:$0x1C0];
	_ =	sdelay $0x4  }
0x1fa: {  	v28 =	vshrl.u32 v3, $0x3  }
0x1fb: {  	v4 =	vmul.u32 $0x18, v28  }
0x1fc: {  	v3 =	vand.u32 $0x7, v3  }
0x1fd: {  	v3 =	vor.u32 v3, v4  }
0x1fe: {  	v4 =	vperm.xlane v3, v0;
	_ =	sdelay $0x1  }
0x1ff: {  	v4 =	vadd.s32 v1, v4;
	_ =	sdelay $0x1  }
0x200: {  	v3 =	vperm.xlane v3, v2;
	_ =	sdelay $0x1  }
0x201: {  	v3 =	vadd.s32 v1, v3  }
0x202: {  	[tilespmem:s28], [sflag:$0x1] =	stream.indirect_vreg.gather [hbm4b:s4+s2], $0x80, v4, vm0, $0xb8;
	[tilespmem:$0x1E400] =	vst v63  }
0x203: {  	s7 =	simm.s32 $0xCC00  }
0x204: {  	[tilespmem:s7], [sflag:$0x1] =	stream.indirect_vreg.gather [hbm4b:s5+s2], $0x80, v4, vm1, $0xb8;
	[tilespmem:$0x1E400] =	vst v63  }
0x205: {  	s15 =	simm.s32 $0xD000  }
0x206: {  	[tilespmem:s15], [sflag:$0x1] =	stream.indirect_vreg.gather [hbm4b:s4+s2], $0x80, v3, vm0, $0xb8;
	[tilespmem:$0x1E400] =	vst v63  }
0x207: {  	s16 =	simm.s32 $0xD800  }
0x208: {  	[tilespmem:s16], [sflag:$0x1] =	stream.indirect_vreg.gather [hbm4b:s5+s2], $0x80, v3, vm1, $0xb8;
	[tilespmem:$0x1E400] =	vst v63  }
0x209: {  	v3 =	vld [tilespmem:$0x1D0];
	_ =	sdelay $0x4  }
0x20a: {  	v29 =	vshrl.u32 v3, $0x3  }
0x20b: {  	v4 =	vmul.u32 $0x18, v29  }
0x20c: {  	v3 =	vand.u32 $0x7, v3  }
0x20d: {  	v3 =	vor.u32 v3, v4  }
0x20e: {  	v4 =	vperm.xlane v3, v0;
	_ =	sdelay $0x1  }
0x20f: {  	v4 =	vadd.s32 v1, v4;
	_ =	sdelay $0x1  }
0x210: {  	v3 =	vperm.xlane v3, v2;
	_ =	sdelay $0x1  }
0x211: {  	s17 =	simm.s32 $0xDC00;
	v3 =	vadd.s32 v1, v3  }
0x212: {  	[tilespmem:s17], [sflag:$0x1] =	stream.indirect_vreg.gather [hbm4b:s4+s2], $0x80, v4, vm0, $0xb8;
	[tilespmem:$0x1E400] =	vst v63  }
0x213: {  	s7 =	simm.s32 $0xE400  }
0x214: {  	[tilespmem:s7], [sflag:$0x1] =	stream.indirect_vreg.gather [hbm4b:s5+s2], $0x80, v4, vm1, $0xb8;
	[tilespmem:$0x1E400] =	vst v63  }
0x215: {  	s15 =	simm.s32 $0xE800  }
0x216: {  	[tilespmem:s15], [sflag:$0x1] =	stream.indirect_vreg.gather [hbm4b:s4+s2], $0x80, v3, vm0, $0xb8;
	[tilespmem:$0x1E400] =	vst v63  }
0x217: {  	s16 =	simm.s32 $0xF000  }
0x218: {  	[tilespmem:s16], [sflag:$0x1] =	stream.indirect_vreg.gather [hbm4b:s5+s2], $0x80, v3, vm1, $0xb8;
	[tilespmem:$0x1E400] =	vst v63  }
0x219: {  	v3 =	vld [tilespmem:$0x1E0];
	_ =	sdelay $0x4  }
0x21a: {  	v30 =	vshrl.u32 v3, $0x3  }
0x21b: {  	v4 =	vmul.u32 $0x18, v30  }
0x21c: {  	v3 =	vand.u32 $0x7, v3  }
0x21d: {  	v3 =	vor.u32 v3, v4  }
0x21e: {  	v4 =	vperm.xlane v3, v0;
	_ =	sdelay $0x1  }
0x21f: {  	v4 =	vadd.s32 v1, v4;
	_ =	sdelay $0x1  }
0x220: {  	v3 =	vperm.xlane v3, v2;
	_ =	sdelay $0x1  }
0x221: {  	s17 =	simm.s32 $0xF400;
	v3 =	vadd.s32 v1, v3  }
0x222: {  	[tilespmem:s17], [sflag:$0x1] =	stream.indirect_vreg.gather [hbm4b:s4+s2], $0x80, v4, vm0, $0xb8;
	[tilespmem:$0x1E400] =	vst v63  }
0x223: {  	s7 =	simm.s32 $0xFC00  }
0x224: {  	[tilespmem:s7], [sflag:$0x1] =	stream.indirect_vreg.gather [hbm4b:s5+s2], $0x80, v4, vm1, $0xb8;
	[tilespmem:$0x1E400] =	vst v63  }
0x225: {  	s15 =	simm.s32 $0x10000  }
0x226: {  	[tilespmem:s15], [sflag:$0x1] =	stream.indirect_vreg.gather [hbm4b:s4+s2], $0x80, v3, vm0, $0xb8;
	[tilespmem:$0x1E400] =	vst v63  }
0x227: {  	s16 =	simm.s32 $0x10800  }
0x228: {  	[tilespmem:s16], [sflag:$0x1] =	stream.indirect_vreg.gather [hbm4b:s5+s2], $0x80, v3, vm1, $0xb8;
	[tilespmem:$0x1E400] =	vst v63  }
0x229: {  	v3 =	vld [tilespmem:$0x1F0];
	_ =	sdelay $0x4  }
0x22a: {  	v31 =	vshrl.u32 v3, $0x3  }
0x22b: {  	v4 =	vmul.u32 $0x18, v31  }
0x22c: {  	v3 =	vand.u32 $0x7, v3  }
0x22d: {  	v3 =	vor.u32 v3, v4  }
0x22e: {  	v4 =	vperm.xlane v3, v0;
	_ =	sdelay $0x1  }
0x22f: {  	v4 =	vadd.s32 v1, v4;
	_ =	sdelay $0x1  }
0x230: {  	v3 =	vperm.xlane v3, v2;
	_ =	sdelay $0x1  }
0x231: {  	s17 =	simm.s32 $0x10C00;
	v3 =	vadd.s32 v1, v3  }
0x232: {  	[tilespmem:s17], [sflag:$0x1] =	stream.indirect_vreg.gather [hbm4b:s4+s2], $0x80, v4, vm0, $0xb8;
	[tilespmem:$0x1E400] =	vst v63  }
0x233: {  	s7 =	simm.s32 $0x11400  }
0x234: {  	[tilespmem:s7], [sflag:$0x1] =	stream.indirect_vreg.gather [hbm4b:s5+s2], $0x80, v4, vm1, $0xb8;
	[tilespmem:$0x1E400] =	vst v63  }
0x235: {  	s15 =	simm.s32 $0x11800  }
0x236: {  	[tilespmem:s15], [sflag:$0x1] =	stream.indirect_vreg.gather [hbm4b:s4+s2], $0x80, v3, vm0, $0xb8;
	[tilespmem:$0x1E400] =	vst v63  }
0x237: {  	s17 =	simm.s32 $0x12000  }
0x238: {  	[tilespmem:s17], [sflag:$0x1] =	stream.indirect_vreg.gather [hbm4b:s5+s2], $0x80, v3, vm1, $0xb8;
	[tilespmem:$0x1E400] =	vst v63  }
0x239: {  	s16 =	rddreg [dreg:$0x6]  }
0x23a: {  	[hbm4b:s16+s2] =	stream.linear.scatter [tilespmem:s0], [sflag:$0x2], $0x6000, $0x38;
	[tilespmem:$0x1E400] =	vst v63  }
0x23b: {  	_ =	swait.ge [sflag:s26], $0x6000  }
0x23c: {  	[sflag:s26] =	ssyncset.done $0x0  }
0x23d: {  	[sflag:s26] =	ssyncadd.s32 $0xFFFFA000  }
0x23e: {  	_ =	swait.ge [sflag:s3], $0x6000  }
0x23f: {  	[sflag:s3] =	ssyncset.done $0x0  }
0x240: {  	[sflag:s3] =	ssyncadd.s32 $0xFFFFA000  }
0x241: {  	v3 =	vld [tilespmem:$0x200];
	_ =	sdelay $0x4  }
0x242: {  	v32 =	vshrl.u32 v3, $0x3  }
0x243: {  	v4 =	vmul.u32 $0x18, v32  }
0x244: {  	v3 =	vand.u32 $0x7, v3  }
0x245: {  	v3 =	vor.u32 v3, v4  }
0x246: {  	v4 =	vperm.xlane v3, v0;
	_ =	sdelay $0x1  }
0x247: {  	v4 =	vadd.s32 v1, v4;
	_ =	sdelay $0x1  }
0x248: {  	v3 =	vperm.xlane v3, v2;
	_ =	sdelay $0x1  }
0x249: {  	v3 =	vadd.s32 v1, v3  }
0x24a: {  	[tilespmem:s0], [sflag:$0x1] =	stream.indirect_vreg.gather [hbm4b:s4+s2], $0x80, v4, vm0, $0xb8;
	[tilespmem:$0x1E400] =	vst v63  }
0x24b: {  	s7 =	simm.s32 $0x12C00  }
0x24c: {  	[tilespmem:s7], [sflag:$0x1] =	stream.indirect_vreg.gather [hbm4b:s5+s2], $0x80, v4, vm1, $0xb8;
	[tilespmem:$0x1E400] =	vst v63  }
0x24d: {  	s15 =	simm.s32 $0x13000  }
0x24e: {  	[tilespmem:s15], [sflag:$0x1] =	stream.indirect_vreg.gather [hbm4b:s4+s2], $0x80, v3, vm0, $0xb8;
	[tilespmem:$0x1E400] =	vst v63  }
0x24f: {  	s16 =	simm.s32 $0x13800  }
0x250: {  	[tilespmem:s16], [sflag:$0x1] =	stream.indirect_vreg.gather [hbm4b:s5+s2], $0x80, v3, vm1, $0xb8;
	[tilespmem:$0x1E400] =	vst v63  }
0x251: {  	v3 =	vld [tilespmem:$0x210];
	_ =	sdelay $0x4  }
0x252: {  	v33 =	vshrl.u32 v3, $0x3  }
0x253: {  	v4 =	vmul.u32 $0x18, v33  }
0x254: {  	v3 =	vand.u32 $0x7, v3  }
0x255: {  	v3 =	vor.u32 v3, v4  }
0x256: {  	v4 =	vperm.xlane v3, v0;
	_ =	sdelay $0x1  }
0x257: {  	v4 =	vadd.s32 v1, v4;
	_ =	sdelay $0x1  }
0x258: {  	v3 =	vperm.xlane v3, v2;
	_ =	sdelay $0x1  }
0x259: {  	s17 =	simm.s32 $0x13C00;
	v3 =	vadd.s32 v1, v3  }
0x25a: {  	[tilespmem:s17], [sflag:$0x1] =	stream.indirect_vreg.gather [hbm4b:s4+s2], $0x80, v4, vm0, $0xb8;
	[tilespmem:$0x1E400] =	vst v63  }
0x25b: {  	s7 =	simm.s32 $0x14400  }
0x25c: {  	[tilespmem:s7], [sflag:$0x1] =	stream.indirect_vreg.gather [hbm4b:s5+s2], $0x80, v4, vm1, $0xb8;
	[tilespmem:$0x1E400] =	vst v63  }
0x25d: {  	s15 =	simm.s32 $0x14800  }
0x25e: {  	[tilespmem:s15], [sflag:$0x1] =	stream.indirect_vreg.gather [hbm4b:s4+s2], $0x80, v3, vm0, $0xb8;
	[tilespmem:$0x1E400] =	vst v63  }
0x25f: {  	s16 =	simm.s32 $0x15000  }
0x260: {  	[tilespmem:s16], [sflag:$0x1] =	stream.indirect_vreg.gather [hbm4b:s5+s2], $0x80, v3, vm1, $0xb8;
	[tilespmem:$0x1E400] =	vst v63  }
0x261: {  	v3 =	vld [tilespmem:$0x220];
	_ =	sdelay $0x4  }
0x262: {  	v34 =	vshrl.u32 v3, $0x3  }
0x263: {  	v4 =	vmul.u32 $0x18, v34  }
0x264: {  	v3 =	vand.u32 $0x7, v3  }
0x265: {  	v3 =	vor.u32 v3, v4  }
0x266: {  	v4 =	vperm.xlane v3, v0;
	_ =	sdelay $0x1  }
0x267: {  	v4 =	vadd.s32 v1, v4;
	_ =	sdelay $0x1  }
0x268: {  	v3 =	vperm.xlane v3, v2;
	_ =	sdelay $0x1  }
0x269: {  	s17 =	simm.s32 $0x15400;
	v3 =	vadd.s32 v1, v3  }
0x26a: {  	[tilespmem:s17], [sflag:$0x1] =	stream.indirect_vreg.gather [hbm4b:s4+s2], $0x80, v4, vm0, $0xb8;
	[tilespmem:$0x1E400] =	vst v63  }
0x26b: {  	s7 =	simm.s32 $0x15C00  }
0x26c: {  	[tilespmem:s7], [sflag:$0x1] =	stream.indirect_vreg.gather [hbm4b:s5+s2], $0x80, v4, vm1, $0xb8;
	[tilespmem:$0x1E400] =	vst v63  }
0x26d: {  	s15 =	simm.s32 $0x16000  }
0x26e: {  	[tilespmem:s15], [sflag:$0x1] =	stream.indirect_vreg.gather [hbm4b:s4+s2], $0x80, v3, vm0, $0xb8;
	[tilespmem:$0x1E400] =	vst v63  }
0x26f: {  	s16 =	simm.s32 $0x16800  }
0x270: {  	[tilespmem:s16], [sflag:$0x1] =	stream.indirect_vreg.gather [hbm4b:s5+s2], $0x80, v3, vm1, $0xb8;
	[tilespmem:$0x1E400] =	vst v63  }
0x271: {  	v3 =	vld [tilespmem:$0x230];
	_ =	sdelay $0x4  }
0x272: {  	v35 =	vshrl.u32 v3, $0x3  }
0x273: {  	v4 =	vmul.u32 $0x18, v35  }
0x274: {  	v3 =	vand.u32 $0x7, v3  }
0x275: {  	v3 =	vor.u32 v3, v4  }
0x276: {  	v4 =	vperm.xlane v3, v0;
	_ =	sdelay $0x1  }
0x277: {  	v4 =	vadd.s32 v1, v4;
	_ =	sdelay $0x1  }
0x278: {  	v3 =	vperm.xlane v3, v2;
	_ =	sdelay $0x1  }
0x279: {  	s17 =	simm.s32 $0x16C00;
	v3 =	vadd.s32 v1, v3  }
0x27a: {  	[tilespmem:s17], [sflag:$0x1] =	stream.indirect_vreg.gather [hbm4b:s4+s2], $0x80, v4, vm0, $0xb8;
	[tilespmem:$0x1E400] =	vst v63  }
0x27b: {  	s7 =	simm.s32 $0x17400  }
0x27c: {  	[tilespmem:s7], [sflag:$0x1] =	stream.indirect_vreg.gather [hbm4b:s5+s2], $0x80, v4, vm1, $0xb8;
	[tilespmem:$0x1E400] =	vst v63  }
0x27d: {  	s15 =	simm.s32 $0x17800  }
0x27e: {  	[tilespmem:s15], [sflag:$0x1] =	stream.indirect_vreg.gather [hbm4b:s4+s2], $0x80, v3, vm0, $0xb8;
	[tilespmem:$0x1E400] =	vst v63  }
0x27f: {  	s17 =	simm.s32 $0x18000  }
0x280: {  	[tilespmem:s17], [sflag:$0x1] =	stream.indirect_vreg.gather [hbm4b:s5+s2], $0x80, v3, vm1, $0xb8;
	[tilespmem:$0x1E400] =	vst v63  }
0x281: {  	s16 =	rddreg [dreg:$0x7]  }
0x282: {  	[hbm4b:s16+s2] =	stream.linear.scatter [tilespmem:s8], [sflag:$0x2], $0x6000, $0x38;
	[tilespmem:$0x1E400] =	vst v63  }
0x283: {  	_ =	swait.ge [sflag:s26], $0x6000  }
0x284: {  	[sflag:s26] =	ssyncset.done $0x0  }
0x285: {  	[sflag:s26] =	ssyncadd.s32 $0xFFFFA000  }
0x286: {  	_ =	swait.ge [sflag:s3], $0x6000  }
0x287: {  	[sflag:s3] =	ssyncset.done $0x0  }
0x288: {  	[sflag:s3] =	ssyncadd.s32 $0xFFFFA000  }
0x289: {  	v3 =	vld [tilespmem:$0x240];
	_ =	sdelay $0x4  }
0x28a: {  	v36 =	vshrl.u32 v3, $0x3  }
0x28b: {  	v4 =	vmul.u32 $0x18, v36  }
0x28c: {  	v3 =	vand.u32 $0x7, v3  }
0x28d: {  	v3 =	vor.u32 v3, v4  }
0x28e: {  	v4 =	vperm.xlane v3, v0;
	_ =	sdelay $0x1  }
0x28f: {  	v4 =	vadd.s32 v1, v4;
	_ =	sdelay $0x1  }
0x290: {  	v3 =	vperm.xlane v3, v2;
	_ =	sdelay $0x1  }
0x291: {  	v3 =	vadd.s32 v1, v3  }
0x292: {  	[tilespmem:s8], [sflag:$0x1] =	stream.indirect_vreg.gather [hbm4b:s4+s2], $0x80, v4, vm0, $0xb8;
	[tilespmem:$0x1E400] =	vst v63  }
0x293: {  	s7 =	simm.s32 $0x18C00  }
0x294: {  	[tilespmem:s7], [sflag:$0x1] =	stream.indirect_vreg.gather [hbm4b:s5+s2], $0x80, v4, vm1, $0xb8;
	[tilespmem:$0x1E400] =	vst v63  }
0x295: {  	s15 =	simm.s32 $0x19000  }
0x296: {  	[tilespmem:s15], [sflag:$0x1] =	stream.indirect_vreg.gather [hbm4b:s4+s2], $0x80, v3, vm0, $0xb8;
	[tilespmem:$0x1E400] =	vst v63  }
0x297: {  	s16 =	simm.s32 $0x19800  }
0x298: {  	[tilespmem:s16], [sflag:$0x1] =	stream.indirect_vreg.gather [hbm4b:s5+s2], $0x80, v3, vm1, $0xb8;
	[tilespmem:$0x1E400] =	vst v63  }
0x299: {  	v3 =	vld [tilespmem:$0x250];
	_ =	sdelay $0x4  }
0x29a: {  	v37 =	vshrl.u32 v3, $0x3  }
0x29b: {  	v4 =	vmul.u32 $0x18, v37  }
0x29c: {  	v3 =	vand.u32 $0x7, v3  }
0x29d: {  	v3 =	vor.u32 v3, v4  }
0x29e: {  	v4 =	vperm.xlane v3, v0;
	_ =	sdelay $0x1  }
0x29f: {  	v4 =	vadd.s32 v1, v4;
	_ =	sdelay $0x1  }
0x2a0: {  	v3 =	vperm.xlane v3, v2;
	_ =	sdelay $0x1  }
0x2a1: {  	s17 =	simm.s32 $0x19C00;
	v3 =	vadd.s32 v1, v3  }
0x2a2: {  	[tilespmem:s17], [sflag:$0x1] =	stream.indirect_vreg.gather [hbm4b:s4+s2], $0x80, v4, vm0, $0xb8;
	[tilespmem:$0x1E400] =	vst v63  }
0x2a3: {  	s7 =	simm.s32 $0x1A400  }
0x2a4: {  	[tilespmem:s7], [sflag:$0x1] =	stream.indirect_vreg.gather [hbm4b:s5+s2], $0x80, v4, vm1, $0xb8;
	[tilespmem:$0x1E400] =	vst v63  }
0x2a5: {  	s15 =	simm.s32 $0x1A800  }
0x2a6: {  	[tilespmem:s15], [sflag:$0x1] =	stream.indirect_vreg.gather [hbm4b:s4+s2], $0x80, v3, vm0, $0xb8;
	[tilespmem:$0x1E400] =	vst v63  }
0x2a7: {  	s16 =	simm.s32 $0x1B000  }
0x2a8: {  	[tilespmem:s16], [sflag:$0x1] =	stream.indirect_vreg.gather [hbm4b:s5+s2], $0x80, v3, vm1, $0xb8;
	[tilespmem:$0x1E400] =	vst v63  }
0x2a9: {  	v3 =	vld [tilespmem:$0x260];
	_ =	sdelay $0x4  }
0x2aa: {  	v38 =	vshrl.u32 v3, $0x3  }
0x2ab: {  	v4 =	vmul.u32 $0x18, v38  }
0x2ac: {  	v3 =	vand.u32 $0x7, v3  }
0x2ad: {  	v3 =	vor.u32 v3, v4  }
0x2ae: {  	v4 =	vperm.xlane v3, v0;
	_ =	sdelay $0x1  }
0x2af: {  	v4 =	vadd.s32 v1, v4;
	_ =	sdelay $0x1  }
0x2b0: {  	v3 =	vperm.xlane v3, v2;
	_ =	sdelay $0x1  }
0x2b1: {  	s17 =	simm.s32 $0x1B400;
	v3 =	vadd.s32 v1, v3  }
0x2b2: {  	[tilespmem:s17], [sflag:$0x1] =	stream.indirect_vreg.gather [hbm4b:s4+s2], $0x80, v4, vm0, $0xb8;
	[tilespmem:$0x1E400] =	vst v63  }
0x2b3: {  	s7 =	simm.s32 $0x1BC00  }
0x2b4: {  	[tilespmem:s7], [sflag:$0x1] =	stream.indirect_vreg.gather [hbm4b:s5+s2], $0x80, v4, vm1, $0xb8;
	[tilespmem:$0x1E400] =	vst v63  }
0x2b5: {  	s15 =	simm.s32 $0x1C000  }
0x2b6: {  	[tilespmem:s15], [sflag:$0x1] =	stream.indirect_vreg.gather [hbm4b:s4+s2], $0x80, v3, vm0, $0xb8;
	[tilespmem:$0x1E400] =	vst v63  }
0x2b7: {  	s16 =	simm.s32 $0x1C800  }
0x2b8: {  	[tilespmem:s16], [sflag:$0x1] =	stream.indirect_vreg.gather [hbm4b:s5+s2], $0x80, v3, vm1, $0xb8;
	[tilespmem:$0x1E400] =	vst v63  }
0x2b9: {  	v3 =	vld [tilespmem:$0x270];
	_ =	sdelay $0x4  }
0x2ba: {  	v39 =	vshrl.u32 v3, $0x3  }
0x2bb: {  	v4 =	vmul.u32 $0x18, v39  }
0x2bc: {  	v3 =	vand.u32 $0x7, v3  }
0x2bd: {  	v3 =	vor.u32 v3, v4  }
0x2be: {  	v4 =	vperm.xlane v3, v0;
	_ =	sdelay $0x1  }
0x2bf: {  	v4 =	vadd.s32 v1, v4;
	_ =	sdelay $0x1  }
0x2c0: {  	v3 =	vperm.xlane v3, v2;
	_ =	sdelay $0x1  }
0x2c1: {  	s17 =	simm.s32 $0x1CC00;
	v3 =	vadd.s32 v1, v3  }
0x2c2: {  	[tilespmem:s17], [sflag:$0x1] =	stream.indirect_vreg.gather [hbm4b:s4+s2], $0x80, v4, vm0, $0xb8;
	[tilespmem:$0x1E400] =	vst v63  }
0x2c3: {  	s7 =	simm.s32 $0x1D400  }
0x2c4: {  	[tilespmem:s7], [sflag:$0x1] =	stream.indirect_vreg.gather [hbm4b:s5+s2], $0x80, v4, vm1, $0xb8;
	[tilespmem:$0x1E400] =	vst v63  }
0x2c5: {  	s15 =	simm.s32 $0x1D800  }
0x2c6: {  	[tilespmem:s15], [sflag:$0x1] =	stream.indirect_vreg.gather [hbm4b:s4+s2], $0x80, v3, vm0, $0xb8;
	[tilespmem:$0x1E400] =	vst v63  }
0x2c7: {  	s17 =	simm.s32 $0x1E000  }
0x2c8: {  	[tilespmem:s17], [sflag:$0x1] =	stream.indirect_vreg.gather [hbm4b:s5+s2], $0x80, v3, vm1, $0xb8;
	[tilespmem:$0x1E400] =	vst v63  }
0x2c9: {  	s16 =	rddreg [dreg:$0x8]  }
0x2ca: {  	[hbm4b:s16+s2] =	stream.linear.scatter [tilespmem:s18], [sflag:$0x2], $0x6000, $0x38;
	[tilespmem:$0x1E400] =	vst v63  }
0x2cb: {  	_ =	swait.ge [sflag:s26], $0x6000  }
0x2cc: {  	[sflag:s26] =	ssyncset.done $0x0  }
0x2cd: {  	[sflag:s26] =	ssyncadd.s32 $0xFFFFA000  }
0x2ce: {  	_ =	swait.ge [sflag:s3], $0x6000  }
0x2cf: {  	[sflag:s3] =	ssyncset.done $0x0  }
0x2d0: {  	[sflag:s3] =	ssyncadd.s32 $0xFFFFA000  }
0x2d1: {  	v3 =	vld [tilespmem:$0x280];
	_ =	sdelay $0x4  }
0x2d2: {  	v40 =	vshrl.u32 v3, $0x3  }
0x2d3: {  	v4 =	vmul.u32 $0x18, v40  }
0x2d4: {  	v3 =	vand.u32 $0x7, v3  }
0x2d5: {  	v3 =	vor.u32 v3, v4  }
0x2d6: {  	v4 =	vperm.xlane v3, v0;
	_ =	sdelay $0x1  }
0x2d7: {  	v4 =	vadd.s32 v1, v4;
	_ =	sdelay $0x1  }
0x2d8: {  	v3 =	vperm.xlane v3, v2;
	_ =	sdelay $0x1  }
0x2d9: {  	v3 =	vadd.s32 v1, v3  }
0x2da: {  	[tilespmem:s18], [sflag:$0x1] =	stream.indirect_vreg.gather [hbm4b:s4+s2], $0x80, v4, vm0, $0xb8;
	[tilespmem:$0x1E400] =	vst v63  }
0x2db: {  	_ = 	snop  }
0x2dc: {  	[tilespmem:s21], [sflag:$0x1] =	stream.indirect_vreg.gather [hbm4b:s5+s2], $0x80, v4, vm1, $0xb8;
	[tilespmem:$0x1E400] =	vst v63  }
0x2dd: {  	_ = 	snop  }
0x2de: {  	[tilespmem:s23], [sflag:$0x1] =	stream.indirect_vreg.gather [hbm4b:s4+s2], $0x80, v3, vm0, $0xb8;
	[tilespmem:$0x1E400] =	vst v63  }
0x2df: {  	s15 =	simm.s32 $0x1800  }
0x2e0: {  	[tilespmem:s15], [sflag:$0x1] =	stream.indirect_vreg.gather [hbm4b:s5+s2], $0x80, v3, vm1, $0xb8;
	[tilespmem:$0x1E400] =	vst v63  }
0x2e1: {  	v3 =	vld [tilespmem:$0x290];
	_ =	sdelay $0x4  }
0x2e2: {  	v41 =	vshrl.u32 v3, $0x3  }
0x2e3: {  	v4 =	vmul.u32 $0x18, v41  }
0x2e4: {  	v3 =	vand.u32 $0x7, v3  }
0x2e5: {  	v3 =	vor.u32 v3, v4  }
0x2e6: {  	v4 =	vperm.xlane v3, v0;
	_ =	sdelay $0x1  }
0x2e7: {  	v4 =	vadd.s32 v1, v4;
	_ =	sdelay $0x1  }
0x2e8: {  	v3 =	vperm.xlane v3, v2;
	_ =	sdelay $0x1  }
0x2e9: {  	v3 =	vadd.s32 v1, v3  }
0x2ea: {  	[tilespmem:s24], [sflag:$0x1] =	stream.indirect_vreg.gather [hbm4b:s4+s2], $0x80, v4, vm0, $0xb8;
	[tilespmem:$0x1E400] =	vst v63  }
0x2eb: {  	_ = 	snop  }
0x2ec: {  	[tilespmem:s29], [sflag:$0x1] =	stream.indirect_vreg.gather [hbm4b:s5+s2], $0x80, v4, vm1, $0xb8;
	[tilespmem:$0x1E400] =	vst v63  }
0x2ed: {  	_ = 	snop  }
0x2ee: {  	[tilespmem:s22], [sflag:$0x1] =	stream.indirect_vreg.gather [hbm4b:s4+s2], $0x80, v3, vm0, $0xb8;
	[tilespmem:$0x1E400] =	vst v63  }
0x2ef: {  	s16 =	simm.s32 $0x3000  }
0x2f0: {  	[tilespmem:s16], [sflag:$0x1] =	stream.indirect_vreg.gather [hbm4b:s5+s2], $0x80, v3, vm1, $0xb8;
	[tilespmem:$0x1E400] =	vst v63  }
0x2f1: {  	v3 =	vld [tilespmem:$0x2A0];
	_ =	sdelay $0x4  }
0x2f2: {  	v42 =	vshrl.u32 v3, $0x3  }
0x2f3: {  	v4 =	vmul.u32 $0x18, v42  }
0x2f4: {  	v3 =	vand.u32 $0x7, v3  }
0x2f5: {  	v3 =	vor.u32 v3, v4  }
0x2f6: {  	v4 =	vperm.xlane v3, v0;
	_ =	sdelay $0x1  }
0x2f7: {  	v4 =	vadd.s32 v1, v4;
	_ =	sdelay $0x1  }
0x2f8: {  	v3 =	vperm.xlane v3, v2;
	_ =	sdelay $0x1  }
0x2f9: {  	v3 =	vadd.s32 v1, v3  }
0x2fa: {  	[tilespmem:s9], [sflag:$0x1] =	stream.indirect_vreg.gather [hbm4b:s4+s2], $0x80, v4, vm0, $0xb8;
	[tilespmem:$0x1E400] =	vst v63  }
0x2fb: {  	_ = 	snop  }
0x2fc: {  	[tilespmem:s10], [sflag:$0x1] =	stream.indirect_vreg.gather [hbm4b:s5+s2], $0x80, v4, vm1, $0xb8;
	[tilespmem:$0x1E400] =	vst v63  }
0x2fd: {  	_ = 	snop  }
0x2fe: {  	[tilespmem:s11], [sflag:$0x1] =	stream.indirect_vreg.gather [hbm4b:s4+s2], $0x80, v3, vm0, $0xb8;
	[tilespmem:$0x1E400] =	vst v63  }
0x2ff: {  	s17 =	simm.s32 $0x4800  }
0x300: {  	[tilespmem:s17], [sflag:$0x1] =	stream.indirect_vreg.gather [hbm4b:s5+s2], $0x80, v3, vm1, $0xb8;
	[tilespmem:$0x1E400] =	vst v63  }
0x301: {  	v3 =	vld [tilespmem:$0x2B0];
	_ =	sdelay $0x4  }
0x302: {  	v43 =	vshrl.u32 v3, $0x3  }
0x303: {  	v4 =	vmul.u32 $0x18, v43  }
0x304: {  	v3 =	vand.u32 $0x7, v3  }
0x305: {  	v3 =	vor.u32 v3, v4  }
0x306: {  	v4 =	vperm.xlane v3, v0;
	_ =	sdelay $0x1  }
0x307: {  	v4 =	vadd.s32 v1, v4;
	_ =	sdelay $0x1  }
0x308: {  	v3 =	vperm.xlane v3, v2;
	_ =	sdelay $0x1  }
0x309: {  	v3 =	vadd.s32 v1, v3  }
0x30a: {  	[tilespmem:s12], [sflag:$0x1] =	stream.indirect_vreg.gather [hbm4b:s4+s2], $0x80, v4, vm0, $0xb8;
	[tilespmem:$0x1E400] =	vst v63  }
0x30b: {  	_ = 	snop  }
0x30c: {  	[tilespmem:s13], [sflag:$0x1] =	stream.indirect_vreg.gather [hbm4b:s5+s2], $0x80, v4, vm1, $0xb8;
	[tilespmem:$0x1E400] =	vst v63  }
0x30d: {  	_ = 	snop  }
0x30e: {  	[tilespmem:s14], [sflag:$0x1] =	stream.indirect_vreg.gather [hbm4b:s4+s2], $0x80, v3, vm0, $0xb8;
	[tilespmem:$0x1E400] =	vst v63  }
0x30f: {  	s29 =	simm.s32 $0x6000  }
0x310: {  	[tilespmem:s29], [sflag:$0x1] =	stream.indirect_vreg.gather [hbm4b:s5+s2], $0x80, v3, vm1, $0xb8;
	[tilespmem:$0x1E400] =	vst v63  }
0x311: {  	s7 =	rddreg [dreg:$0x9]  }
0x312: {  	[hbm4b:s7+s2] =	stream.linear.scatter [tilespmem:s31], [sflag:$0x2], $0x6000, $0x38;
	[tilespmem:$0x1E400] =	vst v63  }
0x313: {  	_ =	swait.ge [sflag:s26], $0x6000  }
0x314: {  	[sflag:s26] =	ssyncset.done $0x0  }
0x315: {  	[sflag:s26] =	ssyncadd.s32 $0xFFFFA000  }
0x316: {  	_ =	swait.ge [sflag:s3], $0x6000  }
0x317: {  	[sflag:s3] =	ssyncset.done $0x0  }
0x318: {  	[sflag:s3] =	ssyncadd.s32 $0xFFFFA000  }
0x319: {  	v3 =	vld [tilespmem:$0x2C0];
	_ =	sdelay $0x4  }
0x31a: {  	v44 =	vshrl.u32 v3, $0x3  }
0x31b: {  	v4 =	vmul.u32 $0x18, v44  }
0x31c: {  	v3 =	vand.u32 $0x7, v3  }
0x31d: {  	v3 =	vor.u32 v3, v4  }
0x31e: {  	v4 =	vperm.xlane v3, v0;
	_ =	sdelay $0x1  }
0x31f: {  	v4 =	vadd.s32 v1, v4;
	_ =	sdelay $0x1  }
0x320: {  	v3 =	vperm.xlane v3, v2;
	_ =	sdelay $0x1  }
0x321: {  	v3 =	vadd.s32 v1, v3  }
0x322: {  	[tilespmem:s31], [sflag:$0x1] =	stream.indirect_vreg.gather [hbm4b:s4+s2], $0x80, v4, vm0, $0xb8;
	[tilespmem:$0x1E400] =	vst v63  }
0x323: {  	_ = 	snop  }
0x324: {  	[tilespmem:s25], [sflag:$0x1] =	stream.indirect_vreg.gather [hbm4b:s5+s2], $0x80, v4, vm1, $0xb8;
	[tilespmem:$0x1E400] =	vst v63  }
0x325: {  	_ = 	snop  }
0x326: {  	[tilespmem:s30], [sflag:$0x1] =	stream.indirect_vreg.gather [hbm4b:s4+s2], $0x80, v3, vm0, $0xb8;
	[tilespmem:$0x1E400] =	vst v63  }
0x327: {  	_ = 	snop  }
0x328: {  	[tilespmem:s20], [sflag:$0x1] =	stream.indirect_vreg.gather [hbm4b:s5+s2], $0x80, v3, vm1, $0xb8;
	[tilespmem:$0x1E400] =	vst v63  }
0x329: {  	v3 =	vld [tilespmem:$0x2D0];
	_ =	sdelay $0x4  }
0x32a: {  	v45 =	vshrl.u32 v3, $0x3  }
0x32b: {  	v4 =	vmul.u32 $0x18, v45  }
0x32c: {  	v3 =	vand.u32 $0x7, v3  }
0x32d: {  	v3 =	vor.u32 v3, v4  }
0x32e: {  	v4 =	vperm.xlane v3, v0;
	_ =	sdelay $0x1  }
0x32f: {  	v4 =	vadd.s32 v1, v4;
	_ =	sdelay $0x1  }
0x330: {  	v3 =	vperm.xlane v3, v2;
	_ =	sdelay $0x1  }
0x331: {  	v3 =	vadd.s32 v1, v3  }
0x332: {  	[tilespmem:s19], [sflag:$0x1] =	stream.indirect_vreg.gather [hbm4b:s4+s2], $0x80, v4, vm0, $0xb8;
	[tilespmem:$0x1E400] =	vst v63  }
0x333: {  	s19 =	simm.s32 $0x8400  }
0x334: {  	[tilespmem:s19], [sflag:$0x1] =	stream.indirect_vreg.gather [hbm4b:s5+s2], $0x80, v4, vm1, $0xb8;
	[tilespmem:$0x1E400] =	vst v63  }
0x335: {  	s19 =	simm.s32 $0x8800  }
0x336: {  	[tilespmem:s19], [sflag:$0x1] =	stream.indirect_vreg.gather [hbm4b:s4+s2], $0x80, v3, vm0, $0xb8;
	[tilespmem:$0x1E400] =	vst v63  }
0x337: {  	s19 =	simm.s32 $0x9000  }
0x338: {  	[tilespmem:s19], [sflag:$0x1] =	stream.indirect_vreg.gather [hbm4b:s5+s2], $0x80, v3, vm1, $0xb8;
	[tilespmem:$0x1E400] =	vst v63  }
0x339: {  	v3 =	vld [tilespmem:$0x2E0];
	_ =	sdelay $0x4  }
0x33a: {  	v46 =	vshrl.u32 v3, $0x3  }
0x33b: {  	v4 =	vmul.u32 $0x18, v46  }
0x33c: {  	v3 =	vand.u32 $0x7, v3  }
0x33d: {  	v3 =	vor.u32 v3, v4  }
0x33e: {  	v4 =	vperm.xlane v3, v0;
	_ =	sdelay $0x1  }
0x33f: {  	v4 =	vadd.s32 v1, v4;
	_ =	sdelay $0x1  }
0x340: {  	v3 =	vperm.xlane v3, v2;
	_ =	sdelay $0x1  }
0x341: {  	s19 =	simm.s32 $0x9400;
	v3 =	vadd.s32 v1, v3  }
0x342: {  	[tilespmem:s19], [sflag:$0x1] =	stream.indirect_vreg.gather [hbm4b:s4+s2], $0x80, v4, vm0, $0xb8;
	[tilespmem:$0x1E400] =	vst v63  }
0x343: {  	s19 =	simm.s32 $0x9C00  }
0x344: {  	[tilespmem:s19], [sflag:$0x1] =	stream.indirect_vreg.gather [hbm4b:s5+s2], $0x80, v4, vm1, $0xb8;
	[tilespmem:$0x1E400] =	vst v63  }
0x345: {  	s19 =	simm.s32 $0xA000  }
0x346: {  	[tilespmem:s19], [sflag:$0x1] =	stream.indirect_vreg.gather [hbm4b:s4+s2], $0x80, v3, vm0, $0xb8;
	[tilespmem:$0x1E400] =	vst v63  }
0x347: {  	s19 =	simm.s32 $0xA800  }
0x348: {  	[tilespmem:s19], [sflag:$0x1] =	stream.indirect_vreg.gather [hbm4b:s5+s2], $0x80, v3, vm1, $0xb8;
	[tilespmem:$0x1E400] =	vst v63  }
0x349: {  	v3 =	vld [tilespmem:$0x2F0];
	_ =	sdelay $0x4  }
0x34a: {  	v47 =	vshrl.u32 v3, $0x3  }
0x34b: {  	v4 =	vmul.u32 $0x18, v47  }
0x34c: {  	v3 =	vand.u32 $0x7, v3  }
0x34d: {  	v3 =	vor.u32 v3, v4  }
0x34e: {  	v4 =	vperm.xlane v3, v0;
	_ =	sdelay $0x1  }
0x34f: {  	v4 =	vadd.s32 v1, v4;
	_ =	sdelay $0x1  }
0x350: {  	v3 =	vperm.xlane v3, v2;
	_ =	sdelay $0x1  }
0x351: {  	s19 =	simm.s32 $0xAC00;
	v3 =	vadd.s32 v1, v3  }
0x352: {  	[tilespmem:s19], [sflag:$0x1] =	stream.indirect_vreg.gather [hbm4b:s4+s2], $0x80, v4, vm0, $0xb8;
	[tilespmem:$0x1E400] =	vst v63  }
0x353: {  	s19 =	simm.s32 $0xB400  }
0x354: {  	[tilespmem:s19], [sflag:$0x1] =	stream.indirect_vreg.gather [hbm4b:s5+s2], $0x80, v4, vm1, $0xb8;
	[tilespmem:$0x1E400] =	vst v63  }
0x355: {  	s19 =	simm.s32 $0xB800  }
0x356: {  	[tilespmem:s19], [sflag:$0x1] =	stream.indirect_vreg.gather [hbm4b:s4+s2], $0x80, v3, vm0, $0xb8;
	[tilespmem:$0x1E400] =	vst v63  }
0x357: {  	s19 =	simm.s32 $0xC000  }
0x358: {  	[tilespmem:s19], [sflag:$0x1] =	stream.indirect_vreg.gather [hbm4b:s5+s2], $0x80, v3, vm1, $0xb8;
	[tilespmem:$0x1E400] =	vst v63  }
0x359: {  	s7 =	rddreg [dreg:$0xa]  }
0x35a: {  	[hbm4b:s7+s2] =	stream.linear.scatter [tilespmem:s28], [sflag:$0x2], $0x6000, $0x38;
	[tilespmem:$0x1E400] =	vst v63  }
0x35b: {  	_ =	swait.ge [sflag:s26], $0x6000  }
0x35c: {  	[sflag:s26] =	ssyncset.done $0x0  }
0x35d: {  	[sflag:s26] =	ssyncadd.s32 $0xFFFFA000  }
0x35e: {  	_ =	swait.ge [sflag:s3], $0x6000  }
0x35f: {  	[sflag:s3] =	ssyncset.done $0x0  }
0x360: {  	[sflag:s3] =	ssyncadd.s32 $0xFFFFA000  }
0x361: {  	v3 =	vld [tilespmem:$0x300];
	_ =	sdelay $0x4  }
0x362: {  	v48 =	vshrl.u32 v3, $0x3  }
0x363: {  	v4 =	vmul.u32 $0x18, v48  }
0x364: {  	v3 =	vand.u32 $0x7, v3  }
0x365: {  	v3 =	vor.u32 v3, v4  }
0x366: {  	v4 =	vperm.xlane v3, v0;
	_ =	sdelay $0x1  }
0x367: {  	v4 =	vadd.s32 v1, v4;
	_ =	sdelay $0x1  }
0x368: {  	v3 =	vperm.xlane v3, v2;
	_ =	sdelay $0x1  }
0x369: {  	v3 =	vadd.s32 v1, v3  }
0x36a: {  	[tilespmem:s28], [sflag:$0x1] =	stream.indirect_vreg.gather [hbm4b:s4+s2], $0x80, v4, vm0, $0xb8;
	[tilespmem:$0x1E400] =	vst v63  }
0x36b: {  	s19 =	simm.s32 $0xCC00  }
0x36c: {  	[tilespmem:s19], [sflag:$0x1] =	stream.indirect_vreg.gather [hbm4b:s5+s2], $0x80, v4, vm1, $0xb8;
	[tilespmem:$0x1E400] =	vst v63  }
0x36d: {  	s19 =	simm.s32 $0xD000  }
0x36e: {  	[tilespmem:s19], [sflag:$0x1] =	stream.indirect_vreg.gather [hbm4b:s4+s2], $0x80, v3, vm0, $0xb8;
	[tilespmem:$0x1E400] =	vst v63  }
0x36f: {  	s19 =	simm.s32 $0xD800  }
0x370: {  	[tilespmem:s19], [sflag:$0x1] =	stream.indirect_vreg.gather [hbm4b:s5+s2], $0x80, v3, vm1, $0xb8;
	[tilespmem:$0x1E400] =	vst v63  }
0x371: {  	v3 =	vld [tilespmem:$0x310];
	_ =	sdelay $0x4  }
0x372: {  	v49 =	vshrl.u32 v3, $0x3  }
0x373: {  	v4 =	vmul.u32 $0x18, v49  }
0x374: {  	v3 =	vand.u32 $0x7, v3  }
0x375: {  	v3 =	vor.u32 v3, v4  }
0x376: {  	v4 =	vperm.xlane v3, v0;
	_ =	sdelay $0x1  }
0x377: {  	v4 =	vadd.s32 v1, v4;
	_ =	sdelay $0x1  }
0x378: {  	v3 =	vperm.xlane v3, v2;
	_ =	sdelay $0x1  }
0x379: {  	s19 =	simm.s32 $0xDC00;
	v3 =	vadd.s32 v1, v3  }
0x37a: {  	[tilespmem:s19], [sflag:$0x1] =	stream.indirect_vreg.gather [hbm4b:s4+s2], $0x80, v4, vm0, $0xb8;
	[tilespmem:$0x1E400] =	vst v63  }
0x37b: {  	s19 =	simm.s32 $0xE400  }
0x37c: {  	[tilespmem:s19], [sflag:$0x1] =	stream.indirect_vreg.gather [hbm4b:s5+s2], $0x80, v4, vm1, $0xb8;
	[tilespmem:$0x1E400] =	vst v63  }
0x37d: {  	s19 =	simm.s32 $0xE800  }
0x37e: {  	[tilespmem:s19], [sflag:$0x1] =	stream.indirect_vreg.gather [hbm4b:s4+s2], $0x80, v3, vm0, $0xb8;
	[tilespmem:$0x1E400] =	vst v63  }
0x37f: {  	s19 =	simm.s32 $0xF000  }
0x380: {  	[tilespmem:s19], [sflag:$0x1] =	stream.indirect_vreg.gather [hbm4b:s5+s2], $0x80, v3, vm1, $0xb8;
	[tilespmem:$0x1E400] =	vst v63  }
0x381: {  	v3 =	vld [tilespmem:$0x320];
	_ =	sdelay $0x4  }
0x382: {  	v50 =	vshrl.u32 v3, $0x3  }
0x383: {  	v4 =	vmul.u32 $0x18, v50  }
0x384: {  	v3 =	vand.u32 $0x7, v3  }
0x385: {  	v3 =	vor.u32 v3, v4  }
0x386: {  	v4 =	vperm.xlane v3, v0;
	_ =	sdelay $0x1  }
0x387: {  	v4 =	vadd.s32 v1, v4;
	_ =	sdelay $0x1  }
0x388: {  	v3 =	vperm.xlane v3, v2;
	_ =	sdelay $0x1  }
0x389: {  	s19 =	simm.s32 $0xF400;
	v3 =	vadd.s32 v1, v3  }
0x38a: {  	[tilespmem:s19], [sflag:$0x1] =	stream.indirect_vreg.gather [hbm4b:s4+s2], $0x80, v4, vm0, $0xb8;
	[tilespmem:$0x1E400] =	vst v63  }
0x38b: {  	s19 =	simm.s32 $0xFC00  }
0x38c: {  	[tilespmem:s19], [sflag:$0x1] =	stream.indirect_vreg.gather [hbm4b:s5+s2], $0x80, v4, vm1, $0xb8;
	[tilespmem:$0x1E400] =	vst v63  }
0x38d: {  	s19 =	simm.s32 $0x10000  }
0x38e: {  	[tilespmem:s19], [sflag:$0x1] =	stream.indirect_vreg.gather [hbm4b:s4+s2], $0x80, v3, vm0, $0xb8;
	[tilespmem:$0x1E400] =	vst v63  }
0x38f: {  	s19 =	simm.s32 $0x10800  }
0x390: {  	[tilespmem:s19], [sflag:$0x1] =	stream.indirect_vreg.gather [hbm4b:s5+s2], $0x80, v3, vm1, $0xb8;
	[tilespmem:$0x1E400] =	vst v63  }
0x391: {  	v3 =	vld [tilespmem:$0x330];
	_ =	sdelay $0x4  }
0x392: {  	v51 =	vshrl.u32 v3, $0x3  }
0x393: {  	v4 =	vmul.u32 $0x18, v51  }
0x394: {  	v3 =	vand.u32 $0x7, v3  }
0x395: {  	v3 =	vor.u32 v3, v4  }
0x396: {  	v4 =	vperm.xlane v3, v0;
	_ =	sdelay $0x1  }
0x397: {  	v4 =	vadd.s32 v1, v4;
	_ =	sdelay $0x1  }
0x398: {  	v3 =	vperm.xlane v3, v2;
	_ =	sdelay $0x1  }
0x399: {  	s19 =	simm.s32 $0x10C00;
	v3 =	vadd.s32 v1, v3  }
0x39a: {  	[tilespmem:s19], [sflag:$0x1] =	stream.indirect_vreg.gather [hbm4b:s4+s2], $0x80, v4, vm0, $0xb8;
	[tilespmem:$0x1E400] =	vst v63  }
0x39b: {  	s19 =	simm.s32 $0x11400  }
0x39c: {  	[tilespmem:s19], [sflag:$0x1] =	stream.indirect_vreg.gather [hbm4b:s5+s2], $0x80, v4, vm1, $0xb8;
	[tilespmem:$0x1E400] =	vst v63  }
0x39d: {  	s19 =	simm.s32 $0x11800  }
0x39e: {  	[tilespmem:s19], [sflag:$0x1] =	stream.indirect_vreg.gather [hbm4b:s4+s2], $0x80, v3, vm0, $0xb8;
	[tilespmem:$0x1E400] =	vst v63  }
0x39f: {  	s19 =	simm.s32 $0x12000  }
0x3a0: {  	[tilespmem:s19], [sflag:$0x1] =	stream.indirect_vreg.gather [hbm4b:s5+s2], $0x80, v3, vm1, $0xb8;
	[tilespmem:$0x1E400] =	vst v63  }
0x3a1: {  	s7 =	rddreg [dreg:$0xb]  }
0x3a2: {  	[hbm4b:s7+s2] =	stream.linear.scatter [tilespmem:s0], [sflag:$0x2], $0x6000, $0x38;
	[tilespmem:$0x1E400] =	vst v63  }
0x3a3: {  	_ =	swait.ge [sflag:s26], $0x6000  }
0x3a4: {  	[sflag:s26] =	ssyncset.done $0x0  }
0x3a5: {  	[sflag:s26] =	ssyncadd.s32 $0xFFFFA000  }
0x3a6: {  	_ =	swait.ge [sflag:s3], $0x6000  }
0x3a7: {  	[sflag:s3] =	ssyncset.done $0x0  }
0x3a8: {  	[sflag:s3] =	ssyncadd.s32 $0xFFFFA000  }
0x3a9: {  	v3 =	vld [tilespmem:$0x340];
	_ =	sdelay $0x4  }
0x3aa: {  	v52 =	vshrl.u32 v3, $0x3  }
0x3ab: {  	v4 =	vmul.u32 $0x18, v52  }
0x3ac: {  	v3 =	vand.u32 $0x7, v3  }
0x3ad: {  	v3 =	vor.u32 v3, v4  }
0x3ae: {  	v4 =	vperm.xlane v3, v0;
	_ =	sdelay $0x1  }
0x3af: {  	v4 =	vadd.s32 v1, v4;
	_ =	sdelay $0x1  }
0x3b0: {  	v3 =	vperm.xlane v3, v2;
	_ =	sdelay $0x1  }
0x3b1: {  	v3 =	vadd.s32 v1, v3  }
0x3b2: {  	[tilespmem:s0], [sflag:$0x1] =	stream.indirect_vreg.gather [hbm4b:s4+s2], $0x80, v4, vm0, $0xb8;
	[tilespmem:$0x1E400] =	vst v63  }
0x3b3: {  	s19 =	simm.s32 $0x12C00  }
0x3b4: {  	[tilespmem:s19], [sflag:$0x1] =	stream.indirect_vreg.gather [hbm4b:s5+s2], $0x80, v4, vm1, $0xb8;
	[tilespmem:$0x1E400] =	vst v63  }
0x3b5: {  	s19 =	simm.s32 $0x13000  }
0x3b6: {  	[tilespmem:s19], [sflag:$0x1] =	stream.indirect_vreg.gather [hbm4b:s4+s2], $0x80, v3, vm0, $0xb8;
	[tilespmem:$0x1E400] =	vst v63  }
0x3b7: {  	s19 =	simm.s32 $0x13800  }
0x3b8: {  	[tilespmem:s19], [sflag:$0x1] =	stream.indirect_vreg.gather [hbm4b:s5+s2], $0x80, v3, vm1, $0xb8;
	[tilespmem:$0x1E400] =	vst v63  }
0x3b9: {  	v3 =	vld [tilespmem:$0x350];
	_ =	sdelay $0x4  }
0x3ba: {  	v53 =	vshrl.u32 v3, $0x3  }
0x3bb: {  	v4 =	vmul.u32 $0x18, v53  }
0x3bc: {  	v3 =	vand.u32 $0x7, v3  }
0x3bd: {  	v3 =	vor.u32 v3, v4  }
0x3be: {  	v4 =	vperm.xlane v3, v0;
	_ =	sdelay $0x1  }
0x3bf: {  	v4 =	vadd.s32 v1, v4;
	_ =	sdelay $0x1  }
0x3c0: {  	v3 =	vperm.xlane v3, v2;
	_ =	sdelay $0x1  }
0x3c1: {  	s19 =	simm.s32 $0x13C00;
	v3 =	vadd.s32 v1, v3  }
0x3c2: {  	[tilespmem:s19], [sflag:$0x1] =	stream.indirect_vreg.gather [hbm4b:s4+s2], $0x80, v4, vm0, $0xb8;
	[tilespmem:$0x1E400] =	vst v63  }
0x3c3: {  	s19 =	simm.s32 $0x14400  }
0x3c4: {  	[tilespmem:s19], [sflag:$0x1] =	stream.indirect_vreg.gather [hbm4b:s5+s2], $0x80, v4, vm1, $0xb8;
	[tilespmem:$0x1E400] =	vst v63  }
0x3c5: {  	s19 =	simm.s32 $0x14800  }
0x3c6: {  	[tilespmem:s19], [sflag:$0x1] =	stream.indirect_vreg.gather [hbm4b:s4+s2], $0x80, v3, vm0, $0xb8;
	[tilespmem:$0x1E400] =	vst v63  }
0x3c7: {  	s19 =	simm.s32 $0x15000  }
0x3c8: {  	[tilespmem:s19], [sflag:$0x1] =	stream.indirect_vreg.gather [hbm4b:s5+s2], $0x80, v3, vm1, $0xb8;
	[tilespmem:$0x1E400] =	vst v63  }
0x3c9: {  	v3 =	vld [tilespmem:$0x360];
	_ =	sdelay $0x4  }
0x3ca: {  	v54 =	vshrl.u32 v3, $0x3  }
0x3cb: {  	v4 =	vmul.u32 $0x18, v54  }
0x3cc: {  	v3 =	vand.u32 $0x7, v3  }
0x3cd: {  	v3 =	vor.u32 v3, v4  }
0x3ce: {  	v4 =	vperm.xlane v3, v0;
	_ =	sdelay $0x1  }
0x3cf: {  	v4 =	vadd.s32 v1, v4;
	_ =	sdelay $0x1  }
0x3d0: {  	v3 =	vperm.xlane v3, v2;
	_ =	sdelay $0x1  }
0x3d1: {  	s19 =	simm.s32 $0x15400;
	v3 =	vadd.s32 v1, v3  }
0x3d2: {  	[tilespmem:s19], [sflag:$0x1] =	stream.indirect_vreg.gather [hbm4b:s4+s2], $0x80, v4, vm0, $0xb8;
	[tilespmem:$0x1E400] =	vst v63  }
0x3d3: {  	s19 =	simm.s32 $0x15C00  }
0x3d4: {  	[tilespmem:s19], [sflag:$0x1] =	stream.indirect_vreg.gather [hbm4b:s5+s2], $0x80, v4, vm1, $0xb8;
	[tilespmem:$0x1E400] =	vst v63  }
0x3d5: {  	s19 =	simm.s32 $0x16000  }
0x3d6: {  	[tilespmem:s19], [sflag:$0x1] =	stream.indirect_vreg.gather [hbm4b:s4+s2], $0x80, v3, vm0, $0xb8;
	[tilespmem:$0x1E400] =	vst v63  }
0x3d7: {  	s19 =	simm.s32 $0x16800  }
0x3d8: {  	[tilespmem:s19], [sflag:$0x1] =	stream.indirect_vreg.gather [hbm4b:s5+s2], $0x80, v3, vm1, $0xb8;
	[tilespmem:$0x1E400] =	vst v63  }
0x3d9: {  	v3 =	vld [tilespmem:$0x370];
	_ =	sdelay $0x4  }
0x3da: {  	v55 =	vshrl.u32 v3, $0x3  }
0x3db: {  	v4 =	vmul.u32 $0x18, v55  }
0x3dc: {  	v3 =	vand.u32 $0x7, v3  }
0x3dd: {  	v3 =	vor.u32 v3, v4  }
0x3de: {  	v4 =	vperm.xlane v3, v0;
	_ =	sdelay $0x1  }
0x3df: {  	v4 =	vadd.s32 v1, v4;
	_ =	sdelay $0x1  }
0x3e0: {  	v3 =	vperm.xlane v3, v2;
	_ =	sdelay $0x1  }
0x3e1: {  	s19 =	simm.s32 $0x16C00;
	v3 =	vadd.s32 v1, v3  }
0x3e2: {  	[tilespmem:s19], [sflag:$0x1] =	stream.indirect_vreg.gather [hbm4b:s4+s2], $0x80, v4, vm0, $0xb8;
	[tilespmem:$0x1E400] =	vst v63  }
0x3e3: {  	s19 =	simm.s32 $0x17400  }
0x3e4: {  	[tilespmem:s19], [sflag:$0x1] =	stream.indirect_vreg.gather [hbm4b:s5+s2], $0x80, v4, vm1, $0xb8;
	[tilespmem:$0x1E400] =	vst v63  }
0x3e5: {  	s19 =	simm.s32 $0x17800  }
0x3e6: {  	[tilespmem:s19], [sflag:$0x1] =	stream.indirect_vreg.gather [hbm4b:s4+s2], $0x80, v3, vm0, $0xb8;
	[tilespmem:$0x1E400] =	vst v63  }
0x3e7: {  	s19 =	simm.s32 $0x18000  }
0x3e8: {  	[tilespmem:s19], [sflag:$0x1] =	stream.indirect_vreg.gather [hbm4b:s5+s2], $0x80, v3, vm1, $0xb8;
	[tilespmem:$0x1E400] =	vst v63  }
0x3e9: {  	s7 =	rddreg [dreg:$0xc]  }
0x3ea: {  	[hbm4b:s7+s2] =	stream.linear.scatter [tilespmem:s8], [sflag:$0x2], $0x6000, $0x38;
	[tilespmem:$0x1E400] =	vst v63  }
0x3eb: {  	_ =	swait.ge [sflag:s26], $0x6000  }
0x3ec: {  	[sflag:s26] =	ssyncset.done $0x0  }
0x3ed: {  	[sflag:s26] =	ssyncadd.s32 $0xFFFFA000  }
0x3ee: {  	_ =	swait.ge [sflag:s3], $0x6000  }
0x3ef: {  	[sflag:s3] =	ssyncset.done $0x0  }
0x3f0: {  	[sflag:s3] =	ssyncadd.s32 $0xFFFFA000  }
0x3f1: {  	v3 =	vld [tilespmem:$0x380];
	_ =	sdelay $0x4  }
0x3f2: {  	v56 =	vshrl.u32 v3, $0x3  }
0x3f3: {  	v4 =	vmul.u32 $0x18, v56  }
0x3f4: {  	v3 =	vand.u32 $0x7, v3  }
0x3f5: {  	v3 =	vor.u32 v3, v4  }
0x3f6: {  	v4 =	vperm.xlane v3, v0;
	_ =	sdelay $0x1  }
0x3f7: {  	v4 =	vadd.s32 v1, v4;
	_ =	sdelay $0x1  }
0x3f8: {  	v3 =	vperm.xlane v3, v2;
	_ =	sdelay $0x1  }
0x3f9: {  	v3 =	vadd.s32 v1, v3  }
0x3fa: {  	[tilespmem:s8], [sflag:$0x1] =	stream.indirect_vreg.gather [hbm4b:s4+s2], $0x80, v4, vm0, $0xb8;
	[tilespmem:$0x1E400] =	vst v63  }
0x3fb: {  	s19 =	simm.s32 $0x18C00  }
0x3fc: {  	[tilespmem:s19], [sflag:$0x1] =	stream.indirect_vreg.gather [hbm4b:s5+s2], $0x80, v4, vm1, $0xb8;
	[tilespmem:$0x1E400] =	vst v63  }
0x3fd: {  	s19 =	simm.s32 $0x19000  }
0x3fe: {  	[tilespmem:s19], [sflag:$0x1] =	stream.indirect_vreg.gather [hbm4b:s4+s2], $0x80, v3, vm0, $0xb8;
	[tilespmem:$0x1E400] =	vst v63  }
0x3ff: {  	s19 =	simm.s32 $0x19800  }
0x400: {  	[tilespmem:s19], [sflag:$0x1] =	stream.indirect_vreg.gather [hbm4b:s5+s2], $0x80, v3, vm1, $0xb8;
	[tilespmem:$0x1E400] =	vst v63  }
0x401: {  	v3 =	vld [tilespmem:$0x390];
	_ =	sdelay $0x4  }
0x402: {  	v57 =	vshrl.u32 v3, $0x3  }
0x403: {  	v4 =	vmul.u32 $0x18, v57  }
0x404: {  	v3 =	vand.u32 $0x7, v3  }
0x405: {  	v3 =	vor.u32 v3, v4  }
0x406: {  	v4 =	vperm.xlane v3, v0;
	_ =	sdelay $0x1  }
0x407: {  	v4 =	vadd.s32 v1, v4;
	_ =	sdelay $0x1  }
0x408: {  	v3 =	vperm.xlane v3, v2;
	_ =	sdelay $0x1  }
0x409: {  	s19 =	simm.s32 $0x19C00;
	v3 =	vadd.s32 v1, v3  }
0x40a: {  	[tilespmem:s19], [sflag:$0x1] =	stream.indirect_vreg.gather [hbm4b:s4+s2], $0x80, v4, vm0, $0xb8;
	[tilespmem:$0x1E400] =	vst v63  }
0x40b: {  	s19 =	simm.s32 $0x1A400  }
0x40c: {  	[tilespmem:s19], [sflag:$0x1] =	stream.indirect_vreg.gather [hbm4b:s5+s2], $0x80, v4, vm1, $0xb8;
	[tilespmem:$0x1E400] =	vst v63  }
0x40d: {  	s19 =	simm.s32 $0x1A800  }
0x40e: {  	[tilespmem:s19], [sflag:$0x1] =	stream.indirect_vreg.gather [hbm4b:s4+s2], $0x80, v3, vm0, $0xb8;
	[tilespmem:$0x1E400] =	vst v63  }
0x40f: {  	s19 =	simm.s32 $0x1B000  }
0x410: {  	[tilespmem:s19], [sflag:$0x1] =	stream.indirect_vreg.gather [hbm4b:s5+s2], $0x80, v3, vm1, $0xb8;
	[tilespmem:$0x1E400] =	vst v63  }
0x411: {  	v3 =	vld [tilespmem:$0x3A0];
	_ =	sdelay $0x4  }
0x412: {  	v58 =	vshrl.u32 v3, $0x3  }
0x413: {  	v4 =	vmul.u32 $0x18, v58  }
0x414: {  	v3 =	vand.u32 $0x7, v3  }
0x415: {  	v3 =	vor.u32 v3, v4  }
0x416: {  	v4 =	vperm.xlane v3, v0;
	_ =	sdelay $0x1  }
0x417: {  	v4 =	vadd.s32 v1, v4;
	_ =	sdelay $0x1  }
0x418: {  	v3 =	vperm.xlane v3, v2;
	_ =	sdelay $0x1  }
0x419: {  	s19 =	simm.s32 $0x1B400;
	v3 =	vadd.s32 v1, v3  }
0x41a: {  	[tilespmem:s19], [sflag:$0x1] =	stream.indirect_vreg.gather [hbm4b:s4+s2], $0x80, v4, vm0, $0xb8;
	[tilespmem:$0x1E400] =	vst v63  }
0x41b: {  	s19 =	simm.s32 $0x1BC00  }
0x41c: {  	[tilespmem:s19], [sflag:$0x1] =	stream.indirect_vreg.gather [hbm4b:s5+s2], $0x80, v4, vm1, $0xb8;
	[tilespmem:$0x1E400] =	vst v63  }
0x41d: {  	s19 =	simm.s32 $0x1C000  }
0x41e: {  	[tilespmem:s19], [sflag:$0x1] =	stream.indirect_vreg.gather [hbm4b:s4+s2], $0x80, v3, vm0, $0xb8;
	[tilespmem:$0x1E400] =	vst v63  }
0x41f: {  	s19 =	simm.s32 $0x1C800  }
0x420: {  	[tilespmem:s19], [sflag:$0x1] =	stream.indirect_vreg.gather [hbm4b:s5+s2], $0x80, v3, vm1, $0xb8;
	[tilespmem:$0x1E400] =	vst v63  }
0x421: {  	v3 =	vld [tilespmem:$0x3B0];
	_ =	sdelay $0x4  }
0x422: {  	v59 =	vshrl.u32 v3, $0x3  }
0x423: {  	v4 =	vmul.u32 $0x18, v59  }
0x424: {  	v3 =	vand.u32 $0x7, v3  }
0x425: {  	v3 =	vor.u32 v3, v4  }
0x426: {  	v4 =	vperm.xlane v3, v0;
	_ =	sdelay $0x1  }
0x427: {  	v4 =	vadd.s32 v1, v4;
	_ =	sdelay $0x1  }
0x428: {  	v3 =	vperm.xlane v3, v2;
	_ =	sdelay $0x1  }
0x429: {  	s19 =	simm.s32 $0x1CC00;
	v3 =	vadd.s32 v1, v3  }
0x42a: {  	[tilespmem:s19], [sflag:$0x1] =	stream.indirect_vreg.gather [hbm4b:s4+s2], $0x80, v4, vm0, $0xb8;
	[tilespmem:$0x1E400] =	vst v63  }
0x42b: {  	s19 =	simm.s32 $0x1D400  }
0x42c: {  	[tilespmem:s19], [sflag:$0x1] =	stream.indirect_vreg.gather [hbm4b:s5+s2], $0x80, v4, vm1, $0xb8;
	[tilespmem:$0x1E400] =	vst v63  }
0x42d: {  	s19 =	simm.s32 $0x1D800  }
0x42e: {  	[tilespmem:s19], [sflag:$0x1] =	stream.indirect_vreg.gather [hbm4b:s4+s2], $0x80, v3, vm0, $0xb8;
	[tilespmem:$0x1E400] =	vst v63  }
0x42f: {  	s19 =	simm.s32 $0x1E000  }
0x430: {  	[tilespmem:s19], [sflag:$0x1] =	stream.indirect_vreg.gather [hbm4b:s5+s2], $0x80, v3, vm1, $0xb8;
	[tilespmem:$0x1E400] =	vst v63  }
0x431: {  	s7 =	rddreg [dreg:$0xd]  }
0x432: {  	[hbm4b:s7+s2] =	stream.linear.scatter [tilespmem:s18], [sflag:$0x2], $0x6000, $0x38;
	[tilespmem:$0x1E400] =	vst v63  }
0x433: {  	_ =	swait.ge [sflag:s26], $0x6000  }
0x434: {  	[sflag:s26] =	ssyncset.done $0x0  }
0x435: {  	[sflag:s26] =	ssyncadd.s32 $0xFFFFA000  }
0x436: {  	_ =	swait.ge [sflag:s3], $0x6000  }
0x437: {  	[sflag:s3] =	ssyncset.done $0x0  }
0x438: {  	[sflag:s3] =	ssyncadd.s32 $0xFFFFA000  }
0x439: {  	v3 =	vld [tilespmem:$0x3C0];
	_ =	sdelay $0x4  }
0x43a: {  	v60 =	vshrl.u32 v3, $0x3  }
0x43b: {  	v4 =	vmul.u32 $0x18, v60  }
0x43c: {  	v3 =	vand.u32 $0x7, v3  }
0x43d: {  	v3 =	vor.u32 v3, v4  }
0x43e: {  	v4 =	vperm.xlane v3, v0;
	_ =	sdelay $0x1  }
0x43f: {  	v4 =	vadd.s32 v1, v4;
	_ =	sdelay $0x1  }
0x440: {  	v3 =	vperm.xlane v3, v2;
	_ =	sdelay $0x1  }
0x441: {  	v3 =	vadd.s32 v1, v3  }
0x442: {  	[tilespmem:s18], [sflag:$0x1] =	stream.indirect_vreg.gather [hbm4b:s4+s2], $0x80, v4, vm0, $0xb8;
	[tilespmem:$0x1E400] =	vst v63  }
0x443: {  	s1 =	simm.s32 $0xC00  }
0x444: {  	[tilespmem:s1], [sflag:$0x1] =	stream.indirect_vreg.gather [hbm4b:s5+s2], $0x80, v4, vm1, $0xb8;
	[tilespmem:$0x1E400] =	vst v63  }
0x445: {  	s21 =	simm.s32 $0x1000  }
0x446: {  	[tilespmem:s21], [sflag:$0x1] =	stream.indirect_vreg.gather [hbm4b:s4+s2], $0x80, v3, vm0, $0xb8;
	[tilespmem:$0x1E400] =	vst v63  }
0x447: {  	_ = 	snop  }
0x448: {  	[tilespmem:s15], [sflag:$0x1] =	stream.indirect_vreg.gather [hbm4b:s5+s2], $0x80, v3, vm1, $0xb8;
	[tilespmem:$0x1E400] =	vst v63  }
0x449: {  	v3 =	vld [tilespmem:$0x3D0];
	_ =	sdelay $0x4  }
0x44a: {  	v61 =	vshrl.u32 v3, $0x3  }
0x44b: {  	v4 =	vmul.u32 $0x18, v61  }
0x44c: {  	v3 =	vand.u32 $0x7, v3  }
0x44d: {  	v3 =	vor.u32 v3, v4  }
0x44e: {  	v4 =	vperm.xlane v3, v0;
	_ =	sdelay $0x1  }
0x44f: {  	v4 =	vadd.s32 v1, v4;
	_ =	sdelay $0x1  }
0x450: {  	v3 =	vperm.xlane v3, v2;
	_ =	sdelay $0x1  }
0x451: {  	s23 =	simm.s32 $0x1C00;
	v3 =	vadd.s32 v1, v3  }
0x452: {  	[tilespmem:s23], [sflag:$0x1] =	stream.indirect_vreg.gather [hbm4b:s4+s2], $0x80, v4, vm0, $0xb8;
	[tilespmem:$0x1E400] =	vst v63  }
0x453: {  	s24 =	simm.s32 $0x2400  }
0x454: {  	[tilespmem:s24], [sflag:$0x1] =	stream.indirect_vreg.gather [hbm4b:s5+s2], $0x80, v4, vm1, $0xb8;
	[tilespmem:$0x1E400] =	vst v63  }
0x455: {  	s22 =	simm.s32 $0x2800  }
0x456: {  	[tilespmem:s22], [sflag:$0x1] =	stream.indirect_vreg.gather [hbm4b:s4+s2], $0x80, v3, vm0, $0xb8;
	[tilespmem:$0x1E400] =	vst v63  }
0x457: {  	_ = 	snop  }
0x458: {  	[tilespmem:s16], [sflag:$0x1] =	stream.indirect_vreg.gather [hbm4b:s5+s2], $0x80, v3, vm1, $0xb8;
	[tilespmem:$0x1E400] =	vst v63  }
0x459: {  	v3 =	vld [tilespmem:$0x3E0];
	_ =	sdelay $0x4  }
0x45a: {  	v62 =	vshrl.u32 v3, $0x3  }
0x45b: {  	v4 =	vmul.u32 $0x18, v62  }
0x45c: {  	v3 =	vand.u32 $0x7, v3  }
0x45d: {  	v3 =	vor.u32 v3, v4  }
0x45e: {  	v4 =	vperm.xlane v3, v0;
	_ =	sdelay $0x1  }
0x45f: {  	v4 =	vadd.s32 v1, v4;
	_ =	sdelay $0x1  }
0x460: {  	v3 =	vperm.xlane v3, v2;
	_ =	sdelay $0x1  }
0x461: {  	s9 =	simm.s32 $0x3400;
	v3 =	vadd.s32 v1, v3  }
0x462: {  	[tilespmem:s9], [sflag:$0x1] =	stream.indirect_vreg.gather [hbm4b:s4+s2], $0x80, v4, vm0, $0xb8;
	[tilespmem:$0x1E400] =	vst v63  }
0x463: {  	s10 =	simm.s32 $0x3C00  }
0x464: {  	[tilespmem:s10], [sflag:$0x1] =	stream.indirect_vreg.gather [hbm4b:s5+s2], $0x80, v4, vm1, $0xb8;
	[tilespmem:$0x1E400] =	vst v63  }
0x465: {  	s11 =	simm.s32 $0x4000  }
0x466: {  	[tilespmem:s11], [sflag:$0x1] =	stream.indirect_vreg.gather [hbm4b:s4+s2], $0x80, v3, vm0, $0xb8;
	[tilespmem:$0x1E400] =	vst v63  }
0x467: {  	_ = 	snop  }
0x468: {  	[tilespmem:s17], [sflag:$0x1] =	stream.indirect_vreg.gather [hbm4b:s5+s2], $0x80, v3, vm1, $0xb8;
	[tilespmem:$0x1E400] =	vst v63  }
0x469: {  	v3 =	vld [tilespmem:$0x3F0];
	_ =	sdelay $0x4  }
0x46a: {  	v63 =	vshrl.u32 v3, $0x3  }
0x46b: {  	v4 =	vmul.u32 $0x18, v63  }
0x46c: {  	v3 =	vand.u32 $0x7, v3  }
0x46d: {  	v3 =	vor.u32 v3, v4  }
0x46e: {  	v4 =	vperm.xlane v3, v0;
	_ =	sdelay $0x1  }
0x46f: {  	v4 =	vadd.s32 v1, v4;
	_ =	sdelay $0x1  }
0x470: {  	v3 =	vperm.xlane v3, v2;
	_ =	sdelay $0x1  }
0x471: {  	s12 =	simm.s32 $0x4C00;
	v3 =	vadd.s32 v1, v3  }
0x472: {  	[tilespmem:s12], [sflag:$0x1] =	stream.indirect_vreg.gather [hbm4b:s4+s2], $0x80, v4, vm0, $0xb8;
	[tilespmem:$0x1E400] =	vst v63  }
0x473: {  	s13 =	simm.s32 $0x5400  }
0x474: {  	[tilespmem:s13], [sflag:$0x1] =	stream.indirect_vreg.gather [hbm4b:s5+s2], $0x80, v4, vm1, $0xb8;
	[tilespmem:$0x1E400] =	vst v63  }
0x475: {  	s14 =	simm.s32 $0x5800  }
0x476: {  	[tilespmem:s14], [sflag:$0x1] =	stream.indirect_vreg.gather [hbm4b:s4+s2], $0x80, v3, vm0, $0xb8;
	[tilespmem:$0x1E400] =	vst v63  }
0x477: {  	_ = 	snop  }
0x478: {  	[tilespmem:s29], [sflag:$0x1] =	stream.indirect_vreg.gather [hbm4b:s5+s2], $0x80, v3, vm1, $0xb8;
	[tilespmem:$0x1E400] =	vst v63  }
0x479: {  	s21 =	rddreg [dreg:$0xe]  }
0x47a: {  	[hbm4b:s21+s2] =	stream.linear.scatter [tilespmem:s31], [sflag:$0x2], $0x6000, $0x38;
	[tilespmem:$0x1E400] =	vst v63  }
0x47b: {  	_ =	swait.ge [sflag:s26], $0x6000  }
0x47c: {  	[sflag:s26] =	ssyncset.done $0x0  }
0x47d: {  	s22 =	rddreg [dreg:$0xf];
	[sflag:s26] =	ssyncadd.s32 $0xFFFFA000  }
0x47e: {  	[hbm4b:s22+s2] =	stream.linear.scatter [tilespmem:s28], [sflag:$0x2], $0x6000, $0x38;
	[tilespmem:$0x1E400] =	vst v63  }
0x47f: {  	_ =	swait.ge [sflag:s26], $0x6000  }
0x480: {  	[sflag:s26] =	ssyncset.done $0x0  }
0x481: {  	s23 =	rddreg [dreg:$0x10];
	[sflag:s26] =	ssyncadd.s32 $0xFFFFA000  }
0x482: {  	[hbm4b:s23+s2] =	stream.linear.scatter [tilespmem:s0], [sflag:$0x2], $0x6000, $0x38;
	[tilespmem:$0x1E400] =	vst v63  }
0x483: {  	_ =	swait.ge [sflag:s26], $0x6000  }
0x484: {  	[sflag:s26] =	ssyncset.done $0x0  }
0x485: {  	s24 =	rddreg [dreg:$0x11];
	[sflag:s26] =	ssyncadd.s32 $0xFFFFA000  }
0x486: {  	[hbm4b:s24+s2] =	stream.linear.scatter [tilespmem:s8], [sflag:$0x2], $0x6000, $0x38;
	[tilespmem:$0x1E400] =	vst v63  }
0x487: {  	_ =	swait.ge [sflag:s26], $0x6000  }
0x488: {  	[sflag:s26] =	ssyncset.done $0x0  }
0x489: {  	s29 =	rddreg [dreg:$0x12];
	[sflag:s26] =	ssyncadd.s32 $0xFFFFA000  }
0x48a: {  	[hbm4b:s29+s2] =	stream.linear.scatter [tilespmem:s18], [sflag:$0x2], $0x6000, $0x38;
	[tilespmem:$0x1E400] =	vst v63  }
0x48b: {  	_ =	swait.ge [sflag:s3], $0x6000  }
0x48c: {  	[sflag:s3] =	ssyncset.done $0x0  }
0x48d: {  	[sflag:s3] =	ssyncadd.s32 $0xFFFFA000  }
0x48e: {  	_ =	swait.ge [sflag:s3], $0x6000  }
0x48f: {  	[sflag:s3] =	ssyncset.done $0x0  }
0x490: {  	[sflag:s3] =	ssyncadd.s32 $0xFFFFA000  }
0x491: {  	_ =	swait.ge [sflag:s3], $0x6000  }
0x492: {  	[sflag:s3] =	ssyncset.done $0x0  }
0x493: {  	[sflag:s3] =	ssyncadd.s32 $0xFFFFA000  }
0x494: {  	p0 =	sne.s32 s6, $0x1;
	_ =	swait.ge [sflag:s3], $0x6000  }
.Ltmp0:
0x495: {  	[sflag:s3] =	ssyncset.done $0x0;
	(pc) =	sbr.rel @p0 .LBB2_1-.Ltmp0, $4  }
0x496: {  	[sflag:s3] =	ssyncadd.s32 $0xFFFFA000  }
0x497: {  	_ =	swait.ge [sflag:s3], $0x6000  }
0x498: {  	[sflag:s3] =	ssyncset.done $0x0  }
0x499: {  	s6 =	sadd.s32 $0xFFFFFFFF, s6;
	[sflag:s3] =	ssyncadd.s32 $0xFFFFA000  }
0x49a: {  	_ =	sfence.sel $0x180000  }
0x49b: {  	[bflag:$0x0] =	sbarrier.arrive $0xFFFF  }
0x49c: {  	_ =	strace $0x90000047  }
0x49d: {  	s0 =	stileid.u32;
	[bflag:$0x2] =	sbarrier.arrive $0xFFFF  }
0x49e: {  	p0 =	sne.s32 s0, $0x0;
	s0 =	rddreg [dreg:$0x2]  }
0x49f: {  	s0 =	sadd.s32 @!p0 $0x100000, s0  }
0x4a0: {  	[sflag:s0] =	ssyncadd.tile.s32 @!p0 $0x1;
	_ =	shalt  }
.Lfunc_end2:
_tile_overlayer_lowered:
.L_overlay_start_2:
0x4a1: {  	(tag) =	ssettag $0x2  }
0x4a2: {  	s0 =	rddreg [dreg:$0x0];
	s2 =	stileid.u32  }
0x4a3: {  	s1 =	rddreg [dreg:$0x1];
	p0 =	sne.s32 s2, $0x0  }
0x4a4: {  	s3 =	rddreg [dreg:$0x2];
	[bflag:$0x3] =	sbarrier.arrive $0xFFFF;
	s2 =	simm.s32 @!p0 $0x1C03  }
0x4a5: {  	[timem:s3], [sflag:s2] =	dma.local @!p0 [hbm:s0], s1  }
0x4a6: {  	s0 =	simm.s32 @!p0 $0x3  }
0x4a7: {  	_ =	swait.ge @!p0 [sflag:s0], s1  }
0x4a8: {  	s1 =	ssub.s32 @!p0 $0x0, s1;
	[sflag:s0] =	ssyncset.done @!p0 $0x0  }
0x4a9: {  	[sflag:s0] =	ssyncadd.s32 @!p0 s1  }
0x4aa: {  	[bflag:$0x3] =	sbarrier.arrive $0xFFFF  }
0x4ab: {  	_ =	shalt  }

</sc_bundles>
